<compile_context>
chip_gen: v7x
topology: tpu7x:2x2x1
jax: 0.10.2.dev20260603
libtpu: 0.0.44.dev20260713+nightly
codegen_flags: <defaults>
</compile_context>

<pallas_src>
import functools

import numpy as np

import jax
import jax.numpy as jnp
from jax import lax
from jax.experimental import pallas as pl
from jax.experimental.pallas import tpu as pltpu
from jax.experimental.pallas import tpu_sc as plsc

N = 10000
E = 320000
D = 128
H = 4
U = 32

NC = 2
NS = 16
HD = D // NC
EPT = E // NS
K = 160
CHUNKS = EPT // K
ACCW = 96
RPT = N // NS
ZR = 125

TCB = 2000


def _tc1_body(x_ref, w_ref, b_ref, scale_ref, shift_ref, p_ref, qw_ref, mlp_ref):
    y = jnp.dot(x_ref[:], w_ref[:], preferred_element_type=jnp.float32) + b_ref[:]
    w = y[:, 0:D]
    q = y[:, D:2 * D]
    p = y[:, 2 * D:3 * D]
    mlp = jnp.maximum(y[:, 3 * D:4 * D], 0.0) * scale_ref[:] + shift_ref[:]
    mlp_ref[:] = mlp
    for c in range(NC):
        p_ref[c] = p[:, HD * c:HD * c + HD].astype(jnp.bfloat16)
        qw_ref[c, :, 0:HD] = q[:, HD * c:HD * c + HD].astype(jnp.bfloat16)
        qw_ref[c, :, HD:2 * HD] = w[:, HD * c:HD * c + HD].astype(jnp.bfloat16)


def _tc2_body(acc_ref, mlp_ref, out_ref):
    for h in range(H):
        c, lh = divmod(h, NC)
        eh = acc_ref[c, :, 2 * U + 2 * lh:2 * U + 2 * lh + 1].astype(jnp.float32)
        msum = acc_ref[c, :, U * lh:U * lh + U].astype(jnp.float32)
        ph = jnp.maximum(msum / (eh + 1e-9), 0.0)
        out_ref[:, U * h:U * h + U] = mlp_ref[:, U * h:U * h + U] + ph


def _sc_body(idx_hbm, p_hbm, qw_hbm, wa2_hbm, out_hbm,
             idx_v, prows, qwrows, stage, zbuf, wa2_v,
             acc_sh, sem_p0, sem_p1, sem_q0, sem_q1, sem_s0, sem_s1):
    cid = lax.axis_index("c")
    sid = lax.axis_index("s")
    sem_p = [sem_p0, sem_p1]
    sem_q = [sem_q0, sem_q1]
    sem_s = [sem_s0, sem_s1]

    def zrow(r, carry):
        for s in range(ACCW // 32):
            zbuf[r, 32 * s:32 * s + 32] = jnp.zeros((32,), jnp.bfloat16)
        return carry

    lax.fori_loop(0, ZR, zrow, 0)
    for kk in range(RPT // ZR):
        pltpu.sync_copy(zbuf, acc_sh.at[pl.ds(sid * RPT + kk * ZR, ZR)])

    pltpu.sync_copy(wa2_hbm.at[cid], wa2_v)
    a_regs = [wa2_v[16 * s:16 * s + 16] for s in range(HD // 16)]
    lane = lax.iota(jnp.int32, 16)
    m0 = (lane == 0).astype(jnp.float32)
    m1 = (lane == 1).astype(jnp.float32)

    plsc.subcore_barrier()

    pltpu.sync_copy(idx_hbm.at[pl.ds(sid * CHUNKS, CHUNKS)], idx_v)

    def issue_gather(ci, b):
        pltpu.async_copy(p_hbm.at[cid].at[idx_v.at[ci, 0]], prows.at[b], sem_p[b])
        pltpu.async_copy(qw_hbm.at[cid].at[idx_v.at[ci, 1]], qwrows.at[b], sem_q[b])

    issue_gather(0, 0)

    def compute_chunk(b):
        @plsc.parallel_loop(0, K, unroll=4)
        def edge(j):
            def unpk(v):
                return plsc.unpack(v, format=plsc.PackFormat.INTERLEAVED,
                                   preferred_element_type=jnp.float32)

            ps, qs, ws = [], [], []
            for g in range(HD // 32):
                ps.extend(unpk(prows[b, j, 32 * g:32 * g + 32]))
                qs.extend(unpk(qwrows[b, j, 32 * g:32 * g + 32]))
                ws.extend(unpk(qwrows[b, j, HD + 32 * g:HD + 32 * g + 32]))
            zs = [jnp.maximum(ps[s] + qs[s], 0.0) for s in range(HD // 16)]
            ts = [zs[s] * a_regs[s] for s in range(HD // 16)]
            hs = [jnp.sum(ts[2 * lh] + ts[2 * lh + 1]) for lh in range(NC)]
            es = [jnp.exp(jnp.full((16,), hs[lh], jnp.float32))
                  for lh in range(NC)]
            for g in range(HD // 32):
                stage[b, j, 32 * g:32 * g + 32] = plsc.pack(
                    ws[2 * g] * es[g], ws[2 * g + 1] * es[g],
                    format=plsc.PackFormat.INTERLEAVED)
            stage[b, j, HD:HD + 32] = plsc.pack(
                es[0] * m0 + es[1] * m1, jnp.zeros((16,), jnp.float32),
                format=plsc.PackFormat.INTERLEAVED)

    def wait_gather(ci, b):
        pltpu.make_async_copy(
            p_hbm.at[cid].at[idx_v.at[ci, 0]], prows.at[b], sem_p[b]).wait()
        pltpu.make_async_copy(
            qw_hbm.at[cid].at[idx_v.at[ci, 1]], qwrows.at[b], sem_q[b]).wait()

    def wait_scatter(ci, b):
        pltpu.make_async_copy(
            stage.at[b], acc_sh.at[idx_v.at[ci, 0]], sem_s[b]).wait()

    def issue_scatter(ci, b):
        pltpu.async_copy(stage.at[b], acc_sh.at[idx_v.at[ci, 0]], sem_s[b],
                         add=True)

    def pair_body(g, carry):
        for b in (0, 1):
            ci = 2 * g + b
            nb = 1 - b
            wait_gather(ci, b)

            @pl.when(ci >= 1)
            def _():
                wait_scatter(ci - 1, nb)

            @pl.when(ci + 1 < CHUNKS)
            def _():
                issue_gather(ci + 1, nb)

            compute_chunk(b)
            issue_scatter(ci, b)
        return carry

    lax.fori_loop(0, CHUNKS // 2, pair_body, 0)

    if CHUNKS % 2 == 1:
        wait_gather(CHUNKS - 1, 0)
        wait_scatter(CHUNKS - 2, 1)
        compute_chunk(0)
        issue_scatter(CHUNKS - 1, 0)
        wait_scatter(CHUNKS - 1, 0)
    else:
        wait_scatter(CHUNKS - 1, (CHUNKS - 1) % 2)

    plsc.subcore_barrier()

    for kk in range(RPT // ZR):
        rs = sid * RPT + kk * ZR
        pltpu.sync_copy(acc_sh.at[pl.ds(rs, ZR)], out_hbm.at[cid, pl.ds(rs, ZR)])


def kernel(node_attributes, edge_indices, Wt, bt, Wa, ba, wa2, Wm, bm,
           gamma, beta, moving_mean, moving_var):
    x = node_attributes
    recv = edge_indices[:, 0]
    send = edge_indices[:, 1]

    Ar = Wa[:, :U, :]
    As = Wa[:, U:2 * U, :]
    ae = Wa[:, 2 * U, :]
    Wtr = jnp.transpose(Wt, (1, 0, 2))
    Mw = Wtr.reshape(D, H * U)
    bw = bt.reshape(H * U)
    Mp = jnp.einsum('dhu,huv->dhv', Wtr, Ar).reshape(D, H * U)
    bp = (jnp.einsum('hu,huv->hv', bt, Ar) + ae + ba).reshape(H * U)
    Mq = jnp.einsum('dhu,huv->dhv', Wtr, As).reshape(D, H * U)
    bq = jnp.einsum('hu,huv->hv', bt, As).reshape(H * U)
    wbig = jnp.concatenate([Mw, Mq, Mp, Wm], axis=1)
    bbig = jnp.concatenate([bw, bq, bp, bm]).reshape(1, 4 * D)
    scale = (gamma / jnp.sqrt(moving_var + 1e-3)).reshape(1, D)
    shift = (beta - moving_mean * (gamma / jnp.sqrt(moving_var + 1e-3))).reshape(1, D)
    unperm = np.empty(HD, np.int32)
    for g in range(2):
        for i in range(16):
            unperm[32 * g + i] = 32 * g + 2 * i
            unperm[32 * g + 16 + i] = 32 * g + 2 * i + 1
    wa2v = wa2.reshape(NC, HD)[:, unperm]

    grid = N // TCB
    p_tab, qw_tab, mlp_tab = pl.pallas_call(
        _tc1_body,
        grid=(grid,),
        in_specs=[
            pl.BlockSpec((TCB, D), lambda i: (i, 0)),
            pl.BlockSpec((D, 4 * D), lambda i: (0, 0)),
            pl.BlockSpec((1, 4 * D), lambda i: (0, 0)),
            pl.BlockSpec((1, D), lambda i: (0, 0)),
            pl.BlockSpec((1, D), lambda i: (0, 0)),
        ],
        out_specs=[
            pl.BlockSpec((NC, TCB, HD), lambda i: (0, i, 0)),
            pl.BlockSpec((NC, TCB, 2 * HD), lambda i: (0, i, 0)),
            pl.BlockSpec((TCB, D), lambda i: (i, 0)),
        ],
        out_shape=[
            jax.ShapeDtypeStruct((NC, N, HD), jnp.bfloat16),
            jax.ShapeDtypeStruct((NC, N, 2 * HD), jnp.bfloat16),
            jax.ShapeDtypeStruct((N, D), jnp.float32),
        ],
    )(x, wbig, bbig, scale, shift)

    sc_kernel = functools.partial(
        pl.kernel,
        out_type=jax.ShapeDtypeStruct((NC, N, ACCW), jnp.bfloat16),
        mesh=plsc.VectorSubcoreMesh(core_axis_name="c", subcore_axis_name="s"),
        compiler_params=pltpu.CompilerParams(use_tc_tiling_on_sc=False,
                                             needs_layout_passes=False),
        scratch_types=[
            pltpu.VMEM((CHUNKS, 2, K), jnp.int32),
            pltpu.VMEM((2, K, HD), jnp.bfloat16),
            pltpu.VMEM((2, K, 2 * HD), jnp.bfloat16),
            pltpu.VMEM((2, K, ACCW), jnp.bfloat16),
            pltpu.VMEM((ZR, ACCW), jnp.bfloat16),
            pltpu.VMEM((HD,), jnp.float32),
            pltpu.VMEM_SHARED((N, ACCW), jnp.bfloat16),
            pltpu.SemaphoreType.DMA,
            pltpu.SemaphoreType.DMA,
            pltpu.SemaphoreType.DMA,
            pltpu.SemaphoreType.DMA,
            pltpu.SemaphoreType.DMA,
            pltpu.SemaphoreType.DMA,
        ],
    )(_sc_body)
    idx_packed = jnp.stack([recv.reshape(E // K, K),
                            send.reshape(E // K, K)], axis=1)
    acc = sc_kernel(idx_packed, p_tab, qw_tab, wa2v)

    out = pl.pallas_call(
        _tc2_body,
        grid=(grid,),
        in_specs=[
            pl.BlockSpec((NC, TCB, ACCW), lambda i: (0, i, 0)),
            pl.BlockSpec((TCB, D), lambda i: (i, 0)),
        ],
        out_specs=pl.BlockSpec((TCB, D), lambda i: (i, 0)),
        out_shape=jax.ShapeDtypeStruct((N, D), jnp.float32),
    )(acc, mlp_tab)
    return out

# --- scband reference (transcript-rebuilt; emitter-appended) ---
"""Pipeline reference for scband-contrastive-add-gnnlayer-40381282517158 (READ-ONLY COPY).

The authoritative reference and input builder live on the scoring server;
editing this copy changes nothing except your own understanding.
"""

import jax, jax.numpy as jnp
import numpy as np

N = 10000
E = 320000
D = 128
H = 4
U = D // H  # 32 units per head


def setup_inputs(seed: int = 0) -> dict:
    key = jax.random.key(seed)
    ks = jax.random.split(key, 12)
    x = jax.random.normal(ks[0], (N, D), dtype=jnp.float32)
    edge_index = jax.random.randint(ks[1], (E, 2), 0, N, dtype=jnp.int32)
    # per-head GAT params (stacked over heads)
    Wt = 0.05 * jax.random.normal(ks[2], (H, D, U), dtype=jnp.float32)   # linear transform
    bt = jnp.zeros((H, U), dtype=jnp.float32)
    Wa = 0.05 * jax.random.normal(ks[3], (H, 2 * U + 1, U), dtype=jnp.float32)  # alpha activation dense over [w_i||w_j||edge]
    ba = jnp.zeros((H, U), dtype=jnp.float32)
    wa2 = 0.05 * jax.random.normal(ks[4], (H, U, 1), dtype=jnp.float32)  # alpha scoring dense(1)
    # node MLP params (units=[128])
    Wm = 0.05 * jax.random.normal(ks[5], (D, D), dtype=jnp.float32)
    bm = jnp.zeros((D,), dtype=jnp.float32)
    # GraphBatchNormalization params (inference mode: moving stats)
    gamma = jnp.ones((D,), dtype=jnp.float32)
    beta = jnp.zeros((D,), dtype=jnp.float32)
    moving_mean = jnp.zeros((D,), dtype=jnp.float32)
    moving_var = jnp.ones((D,), dtype=jnp.float32)
    return {"node_attributes": x, "edge_indices": edge_index, "Wt": Wt, "bt": bt,
            "Wa": Wa, "ba": ba, "wa2": wa2, "Wm": Wm, "bm": bm,
            "gamma": gamma, "beta": beta, "moving_mean": moving_mean, "moving_var": moving_var}


def reference(node_attributes, edge_indices, Wt, bt, Wa, ba, wa2, Wm, bm, gamma, beta, moving_mean, moving_var):
    x = node_attributes
    recv = edge_indices[:, 0]
    send = edge_indices[:, 1]
    n_edges = edge_indices.shape[0]
    dummy_edge_features = jnp.ones((n_edges, 1), dtype=jnp.float32)
    heads_out = []
    for h in range(H):
        # linear transform of node features
        w = x @ Wt[h] + bt[h]
        w_recv = jnp.take(w, recv, axis=0)
        w_send = jnp.take(w, send, axis=0)
        # attention coefficient MLP over concatenated edge features
        a_in = jnp.concatenate([w_recv, w_send, dummy_edge_features], axis=-1)
        a_hidden = jax.nn.relu(a_in @ Wa[h] + ba[h])
        logits = (a_hidden @ wa2[h])[:, 0]
        # segment softmax over receiving node
        seg_max = jax.ops.segment_max(logits, recv, num_segments=N)
        seg_max = jnp.where(jnp.isfinite(seg_max), seg_max, 0.0)
        e = jnp.exp(logits - jnp.take(seg_max, recv, axis=0))
        seg_sum = jax.ops.segment_sum(e, recv, num_segments=N)
        att = e / (jnp.take(seg_sum, recv, axis=0) + 1e-9)
        # attention-weighted scatter-add aggregation
        msg = w_send * att[:, None]
        pooled = jax.ops.segment_sum(msg, recv, num_segments=N)
        heads_out.append(jax.nn.relu(pooled))
    attended_features = jnp.concatenate(heads_out, axis=-1)
    # node update MLP
    node_updated = jax.nn.relu(x @ Wm + bm)
    # graph batch normalization (inference: moving stats)
    node_updated = gamma * (node_updated - moving_mean) / jnp.sqrt(moving_var + 1e-3) + beta
    node_final = node_updated + attended_features
    return node_final

if __name__ == "__main__":
    import jax
    _d = setup_inputs()
    print(jax.jit(kernel)(*tuple(_d.values())))

</pallas_src>

<mosaic_0001>
#map = affine_map<(d0, d1) -> (0, 0, 0)>
#map1 = affine_map<(d0, d1) -> (0, 0)>
module attributes {stable_mosaic.version = 14 : i64} {
  func.func @_sc_body(%arg0: i32, %arg1: i32, %arg2: memref<2000x2x160xi32, #tpu.memory_space<hbm>>, %arg3: memref<2x10000x64xbf16, #tpu.memory_space<hbm>>, %arg4: memref<2x10000x128xbf16, #tpu.memory_space<hbm>>, %arg5: memref<2x64xf32, #tpu.memory_space<hbm>>, %arg6: memref<2x10000x96xbf16, #tpu.memory_space<hbm>>, %arg7: memref<125x2x160xi32, #tpu.memory_space<vmem>>, %arg8: memref<2x160x64xbf16, #tpu.memory_space<vmem>>, %arg9: memref<2x160x128xbf16, #tpu.memory_space<vmem>>, %arg10: memref<2x160x96xbf16, #tpu.memory_space<vmem>>, %arg11: memref<125x96xbf16, #tpu.memory_space<vmem>>, %arg12: memref<64xf32, #tpu.memory_space<vmem>>, %arg13: memref<10000x96xbf16, #tpu.memory_space<vmem_shared>>, %arg14: memref<!tpu.dma_semaphore, #tpu.memory_space<semaphore_mem>>, %arg15: memref<!tpu.dma_semaphore, #tpu.memory_space<semaphore_mem>>, %arg16: memref<!tpu.dma_semaphore, #tpu.memory_space<semaphore_mem>>, %arg17: memref<!tpu.dma_semaphore, #tpu.memory_space<semaphore_mem>>, %arg18: memref<!tpu.dma_semaphore, #tpu.memory_space<semaphore_mem>>, %arg19: memref<!tpu.dma_semaphore, #tpu.memory_space<semaphore_mem>>) attributes {dimension_semantics = [#tpu.dimension_semantics<core_parallel>, #tpu.dimension_semantics<subcore_parallel>], iteration_bounds = array<i64: 2, 16>, scalar_prefetch = 0 : i64, scratch_operands = 13 : i64, tpu.core_type = #tpu.core_type<sc_vector_subcore>, window_params = [{transform_indices = #map}, {transform_indices = #map}, {transform_indices = #map}, {transform_indices = #map1}, {transform_indices = #map}]} {
    %scan3A = arith.constant 0 : i32
    %scan3A_0 = arith.constant 0 : i32
    %scan3A_1 = arith.constant 125 : i32
    %scan3A_2 = arith.addi %scan3A_0, %scan3A_1 : i32
    %scan3A_3 = arith.constant 1 : i32
    scf.for %scan3A_174 = %scan3A_0 to %scan3A_2 step %scan3A_3  : i32 {
      %broadcast_in_dim3A = arith.constant 0.000000e+00 : bf16
      %broadcast_in_dim3A_175 = vector.broadcast %broadcast_in_dim3A : bf16 to vector<32xbf16>
      %swap3A = arith.index_cast %scan3A_174 : i32 to index
      %swap3A_176 = arith.constant 0 : index
      %swap3A_177 = tpu.vector_load %arg11[%swap3A, %swap3A_176] {strides = array<i32>} : memref<125x96xbf16, #tpu.memory_space<vmem>>, vector<32xbf16>,
      tpu.vector_store %arg11[%swap3A, %swap3A_176], %broadcast_in_dim3A_175 {strides = array<i32>} : memref<125x96xbf16, #tpu.memory_space<vmem>>, vector<32xbf16>,
      %broadcast_in_dim3A_178 = arith.constant 0.000000e+00 : bf16
      %broadcast_in_dim3A_179 = vector.broadcast %broadcast_in_dim3A_178 : bf16 to vector<32xbf16>
      %swap3A_180 = arith.index_cast %scan3A_174 : i32 to index
      %swap3A_181 = arith.constant 32 : index
      %swap3A_182 = tpu.vector_load %arg11[%swap3A_180, %swap3A_181] {strides = array<i32>} : memref<125x96xbf16, #tpu.memory_space<vmem>>, vector<32xbf16>,
      tpu.vector_store %arg11[%swap3A_180, %swap3A_181], %broadcast_in_dim3A_179 {strides = array<i32>} : memref<125x96xbf16, #tpu.memory_space<vmem>>, vector<32xbf16>,
      %broadcast_in_dim3A_183 = arith.constant 0.000000e+00 : bf16
      %broadcast_in_dim3A_184 = vector.broadcast %broadcast_in_dim3A_183 : bf16 to vector<32xbf16>
      %swap3A_185 = arith.index_cast %scan3A_174 : i32 to index
      %swap3A_186 = arith.constant 64 : index
      %swap3A_187 = tpu.vector_load %arg11[%swap3A_185, %swap3A_186] {strides = array<i32>} : memref<125x96xbf16, #tpu.memory_space<vmem>>, vector<32xbf16>,
      tpu.vector_store %arg11[%swap3A_185, %swap3A_186], %broadcast_in_dim3A_184 {strides = array<i32>} : memref<125x96xbf16, #tpu.memory_space<vmem>>, vector<32xbf16>,
    }
    %scan3A_4 = arith.constant 125 : i32
    %mul3A = arith.constant 625 : i32
    %mul3A_5 = arith.muli %arg1, %mul3A : i32
    %add3A = arith.constant 0 : i32
    %add3A_6 = arith.addi %mul3A_5, %add3A : i32
    "tpu.region"() ({
      %run_scoped3A = tpu.sem_alloc : memref<!tpu.dma_semaphore, #tpu.memory_space<semaphore_mem>>
      %dma_start3A_174 = arith.constant 0 : i32
      %dma_start3A_175 = tpu.memref_slice %arg13[%add3A_6, %dma_start3A_174] : memref<10000x96xbf16, #tpu.memory_space<vmem_shared>> -> memref<125x96xbf16, #tpu.memory_space<vmem_shared>>
      %dma_start3A_176 = arith.constant 0 : i32
      %dma_start3A_177 = tpu.memref_slice %arg13[%add3A_6, %dma_start3A_176] : memref<10000x96xbf16, #tpu.memory_space<vmem_shared>> -> memref<125x96xbf16, #tpu.memory_space<vmem_shared>>
      tpu.enqueue_dma source(%arg11 : memref<125x96xbf16, #tpu.memory_space<vmem>>) target(%dma_start3A_177 : memref<125x96xbf16, #tpu.memory_space<vmem_shared>>) target_semaphore(%run_scoped3A : memref<!tpu.dma_semaphore, #tpu.memory_space<semaphore_mem>>)
      %dma_wait3A_178 = arith.constant 0 : i32
      %dma_wait3A_179 = tpu.memref_slice %arg13[%add3A_6, %dma_wait3A_178] : memref<10000x96xbf16, #tpu.memory_space<vmem_shared>> -> memref<125x96xbf16, #tpu.memory_space<vmem_shared>>
      %dma_wait3A_180 = arith.constant 0 : i32
      %dma_wait3A_181 = tpu.memref_slice %arg13[%add3A_6, %dma_wait3A_180] : memref<10000x96xbf16, #tpu.memory_space<vmem_shared>> -> memref<125x96xbf16, #tpu.memory_space<vmem_shared>>
      tpu.wait_dma2 semaphore(%run_scoped3A : memref<!tpu.dma_semaphore, #tpu.memory_space<semaphore_mem>>) src(%arg11 : memref<125x96xbf16, #tpu.memory_space<vmem>>) dst(%dma_wait3A_181 : memref<125x96xbf16, #tpu.memory_space<vmem_shared>>)
      tpu.yield
    }) : () -> ()
    %mul3A_7 = arith.constant 625 : i32
    %mul3A_8 = arith.muli %arg1, %mul3A_7 : i32
    %add3A_9 = arith.constant 125 : i32
    %add3A_10 = arith.addi %mul3A_8, %add3A_9 : i32
    "tpu.region"() ({
      %run_scoped3A = tpu.sem_alloc : memref<!tpu.dma_semaphore, #tpu.memory_space<semaphore_mem>>
      %dma_start3A_174 = arith.constant 0 : i32
      %dma_start3A_175 = tpu.memref_slice %arg13[%add3A_10, %dma_start3A_174] : memref<10000x96xbf16, #tpu.memory_space<vmem_shared>> -> memref<125x96xbf16, #tpu.memory_space<vmem_shared>>
      %dma_start3A_176 = arith.constant 0 : i32
      %dma_start3A_177 = tpu.memref_slice %arg13[%add3A_10, %dma_start3A_176] : memref<10000x96xbf16, #tpu.memory_space<vmem_shared>> -> memref<125x96xbf16, #tpu.memory_space<vmem_shared>>
      tpu.enqueue_dma source(%arg11 : memref<125x96xbf16, #tpu.memory_space<vmem>>) target(%dma_start3A_177 : memref<125x96xbf16, #tpu.memory_space<vmem_shared>>) target_semaphore(%run_scoped3A : memref<!tpu.dma_semaphore, #tpu.memory_space<semaphore_mem>>)
      %dma_wait3A_178 = arith.constant 0 : i32
      %dma_wait3A_179 = tpu.memref_slice %arg13[%add3A_10, %dma_wait3A_178] : memref<10000x96xbf16, #tpu.memory_space<vmem_shared>> -> memref<125x96xbf16, #tpu.memory_space<vmem_shared>>
      %dma_wait3A_180 = arith.constant 0 : i32
      %dma_wait3A_181 = tpu.memref_slice %arg13[%add3A_10, %dma_wait3A_180] : memref<10000x96xbf16, #tpu.memory_space<vmem_shared>> -> memref<125x96xbf16, #tpu.memory_space<vmem_shared>>
      tpu.wait_dma2 semaphore(%run_scoped3A : memref<!tpu.dma_semaphore, #tpu.memory_space<semaphore_mem>>) src(%arg11 : memref<125x96xbf16, #tpu.memory_space<vmem>>) dst(%dma_wait3A_181 : memref<125x96xbf16, #tpu.memory_space<vmem_shared>>)
      tpu.yield
    }) : () -> ()
    %mul3A_11 = arith.constant 625 : i32
    %mul3A_12 = arith.muli %arg1, %mul3A_11 : i32
    %add3A_13 = arith.constant 250 : i32
    %add3A_14 = arith.addi %mul3A_12, %add3A_13 : i32
    "tpu.region"() ({
      %run_scoped3A = tpu.sem_alloc : memref<!tpu.dma_semaphore, #tpu.memory_space<semaphore_mem>>
      %dma_start3A_174 = arith.constant 0 : i32
      %dma_start3A_175 = tpu.memref_slice %arg13[%add3A_14, %dma_start3A_174] : memref<10000x96xbf16, #tpu.memory_space<vmem_shared>> -> memref<125x96xbf16, #tpu.memory_space<vmem_shared>>
      %dma_start3A_176 = arith.constant 0 : i32
      %dma_start3A_177 = tpu.memref_slice %arg13[%add3A_14, %dma_start3A_176] : memref<10000x96xbf16, #tpu.memory_space<vmem_shared>> -> memref<125x96xbf16, #tpu.memory_space<vmem_shared>>
      tpu.enqueue_dma source(%arg11 : memref<125x96xbf16, #tpu.memory_space<vmem>>) target(%dma_start3A_177 : memref<125x96xbf16, #tpu.memory_space<vmem_shared>>) target_semaphore(%run_scoped3A : memref<!tpu.dma_semaphore, #tpu.memory_space<semaphore_mem>>)
      %dma_wait3A_178 = arith.constant 0 : i32
      %dma_wait3A_179 = tpu.memref_slice %arg13[%add3A_14, %dma_wait3A_178] : memref<10000x96xbf16, #tpu.memory_space<vmem_shared>> -> memref<125x96xbf16, #tpu.memory_space<vmem_shared>>
      %dma_wait3A_180 = arith.constant 0 : i32
      %dma_wait3A_181 = tpu.memref_slice %arg13[%add3A_14, %dma_wait3A_180] : memref<10000x96xbf16, #tpu.memory_space<vmem_shared>> -> memref<125x96xbf16, #tpu.memory_space<vmem_shared>>
      tpu.wait_dma2 semaphore(%run_scoped3A : memref<!tpu.dma_semaphore, #tpu.memory_space<semaphore_mem>>) src(%arg11 : memref<125x96xbf16, #tpu.memory_space<vmem>>) dst(%dma_wait3A_181 : memref<125x96xbf16, #tpu.memory_space<vmem_shared>>)
      tpu.yield
    }) : () -> ()
    %mul3A_15 = arith.constant 625 : i32
    %mul3A_16 = arith.muli %arg1, %mul3A_15 : i32
    %add3A_17 = arith.constant 375 : i32
    %add3A_18 = arith.addi %mul3A_16, %add3A_17 : i32
    "tpu.region"() ({
      %run_scoped3A = tpu.sem_alloc : memref<!tpu.dma_semaphore, #tpu.memory_space<semaphore_mem>>
      %dma_start3A_174 = arith.constant 0 : i32
      %dma_start3A_175 = tpu.memref_slice %arg13[%add3A_18, %dma_start3A_174] : memref<10000x96xbf16, #tpu.memory_space<vmem_shared>> -> memref<125x96xbf16, #tpu.memory_space<vmem_shared>>
      %dma_start3A_176 = arith.constant 0 : i32
      %dma_start3A_177 = tpu.memref_slice %arg13[%add3A_18, %dma_start3A_176] : memref<10000x96xbf16, #tpu.memory_space<vmem_shared>> -> memref<125x96xbf16, #tpu.memory_space<vmem_shared>>
      tpu.enqueue_dma source(%arg11 : memref<125x96xbf16, #tpu.memory_space<vmem>>) target(%dma_start3A_177 : memref<125x96xbf16, #tpu.memory_space<vmem_shared>>) target_semaphore(%run_scoped3A : memref<!tpu.dma_semaphore, #tpu.memory_space<semaphore_mem>>)
      %dma_wait3A_178 = arith.constant 0 : i32
      %dma_wait3A_179 = tpu.memref_slice %arg13[%add3A_18, %dma_wait3A_178] : memref<10000x96xbf16, #tpu.memory_space<vmem_shared>> -> memref<125x96xbf16, #tpu.memory_space<vmem_shared>>
      %dma_wait3A_180 = arith.constant 0 : i32
      %dma_wait3A_181 = tpu.memref_slice %arg13[%add3A_18, %dma_wait3A_180] : memref<10000x96xbf16, #tpu.memory_space<vmem_shared>> -> memref<125x96xbf16, #tpu.memory_space<vmem_shared>>
      tpu.wait_dma2 semaphore(%run_scoped3A : memref<!tpu.dma_semaphore, #tpu.memory_space<semaphore_mem>>) src(%arg11 : memref<125x96xbf16, #tpu.memory_space<vmem>>) dst(%dma_wait3A_181 : memref<125x96xbf16, #tpu.memory_space<vmem_shared>>)
      tpu.yield
    }) : () -> ()
    %mul3A_19 = arith.constant 625 : i32
    %mul3A_20 = arith.muli %arg1, %mul3A_19 : i32
    %add3A_21 = arith.constant 500 : i32
    %add3A_22 = arith.addi %mul3A_20, %add3A_21 : i32
    "tpu.region"() ({
      %run_scoped3A = tpu.sem_alloc : memref<!tpu.dma_semaphore, #tpu.memory_space<semaphore_mem>>
      %dma_start3A_174 = arith.constant 0 : i32
      %dma_start3A_175 = tpu.memref_slice %arg13[%add3A_22, %dma_start3A_174] : memref<10000x96xbf16, #tpu.memory_space<vmem_shared>> -> memref<125x96xbf16, #tpu.memory_space<vmem_shared>>
      %dma_start3A_176 = arith.constant 0 : i32
      %dma_start3A_177 = tpu.memref_slice %arg13[%add3A_22, %dma_start3A_176] : memref<10000x96xbf16, #tpu.memory_space<vmem_shared>> -> memref<125x96xbf16, #tpu.memory_space<vmem_shared>>
      tpu.enqueue_dma source(%arg11 : memref<125x96xbf16, #tpu.memory_space<vmem>>) target(%dma_start3A_177 : memref<125x96xbf16, #tpu.memory_space<vmem_shared>>) target_semaphore(%run_scoped3A : memref<!tpu.dma_semaphore, #tpu.memory_space<semaphore_mem>>)
      %dma_wait3A_178 = arith.constant 0 : i32
      %dma_wait3A_179 = tpu.memref_slice %arg13[%add3A_22, %dma_wait3A_178] : memref<10000x96xbf16, #tpu.memory_space<vmem_shared>> -> memref<125x96xbf16, #tpu.memory_space<vmem_shared>>
      %dma_wait3A_180 = arith.constant 0 : i32
      %dma_wait3A_181 = tpu.memref_slice %arg13[%add3A_22, %dma_wait3A_180] : memref<10000x96xbf16, #tpu.memory_space<vmem_shared>> -> memref<125x96xbf16, #tpu.memory_space<vmem_shared>>
      tpu.wait_dma2 semaphore(%run_scoped3A : memref<!tpu.dma_semaphore, #tpu.memory_space<semaphore_mem>>) src(%arg11 : memref<125x96xbf16, #tpu.memory_space<vmem>>) dst(%dma_wait3A_181 : memref<125x96xbf16, #tpu.memory_space<vmem_shared>>)
      tpu.yield
    }) : () -> ()
    "tpu.region"() ({
      %run_scoped3A = tpu.sem_alloc : memref<!tpu.dma_semaphore, #tpu.memory_space<semaphore_mem>>
      %dma_start3A_174 = arith.constant 0 : i32
      %dma_start3A_175 = tpu.memref_slice %arg5[%arg0, %dma_start3A_174] : memref<2x64xf32, #tpu.memory_space<hbm>> -> memref<1x64xf32, #tpu.memory_space<hbm>>
      %dma_start3A_176 = tpu.memref_squeeze %dma_start3A_175 : memref<1x64xf32, #tpu.memory_space<hbm>> -> memref<64xf32, #tpu.memory_space<hbm>>
      %dma_start3A_177 = arith.constant 0 : i32
      %dma_start3A_178 = tpu.memref_slice %arg5[%arg0, %dma_start3A_177] : memref<2x64xf32, #tpu.memory_space<hbm>> -> memref<1x64xf32, #tpu.memory_space<hbm>>
      %dma_start3A_179 = tpu.memref_squeeze %dma_start3A_178 : memref<1x64xf32, #tpu.memory_space<hbm>> -> memref<64xf32, #tpu.memory_space<hbm>>
      tpu.enqueue_dma source(%dma_start3A_179 : memref<64xf32, #tpu.memory_space<hbm>>) target(%arg12 : memref<64xf32, #tpu.memory_space<vmem>>) target_semaphore(%run_scoped3A : memref<!tpu.dma_semaphore, #tpu.memory_space<semaphore_mem>>)
      %dma_wait3A_180 = arith.constant 0 : i32
      %dma_wait3A_181 = tpu.memref_slice %arg5[%arg0, %dma_wait3A_180] : memref<2x64xf32, #tpu.memory_space<hbm>> -> memref<1x64xf32, #tpu.memory_space<hbm>>
      %dma_wait3A_182 = tpu.memref_squeeze %dma_wait3A_181 : memref<1x64xf32, #tpu.memory_space<hbm>> -> memref<64xf32, #tpu.memory_space<hbm>>
      %dma_wait3A_183 = arith.constant 0 : i32
      %dma_wait3A_184 = tpu.memref_slice %arg5[%arg0, %dma_wait3A_183] : memref<2x64xf32, #tpu.memory_space<hbm>> -> memref<1x64xf32, #tpu.memory_space<hbm>>
      %dma_wait3A_185 = tpu.memref_squeeze %dma_wait3A_184 : memref<1x64xf32, #tpu.memory_space<hbm>> -> memref<64xf32, #tpu.memory_space<hbm>>
      tpu.wait_dma2 semaphore(%run_scoped3A : memref<!tpu.dma_semaphore, #tpu.memory_space<semaphore_mem>>) src(%dma_wait3A_185 : memref<64xf32, #tpu.memory_space<hbm>>) dst(%arg12 : memref<64xf32, #tpu.memory_space<vmem>>)
      tpu.yield
    }) : () -> ()
    %get3A = arith.constant 0 : index
    %get3A_23 = tpu.vector_load %arg12[%get3A] {strides = array<i32>} : memref<64xf32, #tpu.memory_space<vmem>>, vector<16xf32>,
    %get3A_24 = arith.constant 16 : index
    %get3A_25 = tpu.vector_load %arg12[%get3A_24] {strides = array<i32>} : memref<64xf32, #tpu.memory_space<vmem>>, vector<16xf32>,
    %get3A_26 = arith.constant 32 : index
    %get3A_27 = tpu.vector_load %arg12[%get3A_26] {strides = array<i32>} : memref<64xf32, #tpu.memory_space<vmem>>, vector<16xf32>,
    %get3A_28 = arith.constant 48 : index
    %get3A_29 = tpu.vector_load %arg12[%get3A_28] {strides = array<i32>} : memref<64xf32, #tpu.memory_space<vmem>>, vector<16xf32>,
    %iota3A = tpu.iota {dimensions = array<i32: 0>} : vector<16xi32>
    %eq3A = arith.constant 0 : i32
    %eq3A_30 = vector.broadcast %eq3A : i32 to vector<16xi32>
    %eq3A_31 = arith.cmpi eq, %iota3A, %eq3A_30 : vector<16xi32>
    %convert_element_type3A = arith.extui %eq3A_31 : vector<16xi1> to vector<16xi32>
    %convert_element_type3A_32 = arith.sitofp %convert_element_type3A : vector<16xi32> to vector<16xf32>
    %eq3A_33 = arith.constant 1 : i32
    %eq3A_34 = vector.broadcast %eq3A_33 : i32 to vector<16xi32>
    %eq3A_35 = arith.cmpi eq, %iota3A, %eq3A_34 : vector<16xi32>
    %convert_element_type3A_36 = arith.extui %eq3A_35 : vector<16xi1> to vector<16xi32>
    %convert_element_type3A_37 = arith.sitofp %convert_element_type3A_36 : vector<16xi32> to vector<16xf32>
    %barrier3A = arith.constant 0 : index
    tpu.barrier barrier_id(%barrier3A)
    %mul3A_38 = arith.constant 125 : i32
    %mul3A_39 = arith.muli %arg1, %mul3A_38 : i32
    "tpu.region"() ({
      %run_scoped3A = tpu.sem_alloc : memref<!tpu.dma_semaphore, #tpu.memory_space<semaphore_mem>>
      %dma_start3A_174 = arith.constant 0 : i32
      %dma_start3A_175 = arith.constant 0 : i32
      %dma_start3A_176 = tpu.memref_slice %arg2[%mul3A_39, %dma_start3A_174, %dma_start3A_175] : memref<2000x2x160xi32, #tpu.memory_space<hbm>> -> memref<125x2x160xi32, #tpu.memory_space<hbm>>
      %dma_start3A_177 = arith.constant 0 : i32
      %dma_start3A_178 = arith.constant 0 : i32
      %dma_start3A_179 = tpu.memref_slice %arg2[%mul3A_39, %dma_start3A_177, %dma_start3A_178] : memref<2000x2x160xi32, #tpu.memory_space<hbm>> -> memref<125x2x160xi32, #tpu.memory_space<hbm>>
      tpu.enqueue_dma source(%dma_start3A_179 : memref<125x2x160xi32, #tpu.memory_space<hbm>>) target(%arg7 : memref<125x2x160xi32, #tpu.memory_space<vmem>>) target_semaphore(%run_scoped3A : memref<!tpu.dma_semaphore, #tpu.memory_space<semaphore_mem>>)
      %dma_wait3A_180 = arith.constant 0 : i32
      %dma_wait3A_181 = arith.constant 0 : i32
      %dma_wait3A_182 = tpu.memref_slice %arg2[%mul3A_39, %dma_wait3A_180, %dma_wait3A_181] : memref<2000x2x160xi32, #tpu.memory_space<hbm>> -> memref<125x2x160xi32, #tpu.memory_space<hbm>>
      %dma_wait3A_183 = arith.constant 0 : i32
      %dma_wait3A_184 = arith.constant 0 : i32
      %dma_wait3A_185 = tpu.memref_slice %arg2[%mul3A_39, %dma_wait3A_183, %dma_wait3A_184] : memref<2000x2x160xi32, #tpu.memory_space<hbm>> -> memref<125x2x160xi32, #tpu.memory_space<hbm>>
      tpu.wait_dma2 semaphore(%run_scoped3A : memref<!tpu.dma_semaphore, #tpu.memory_space<semaphore_mem>>) src(%dma_wait3A_185 : memref<125x2x160xi32, #tpu.memory_space<hbm>>) dst(%arg7 : memref<125x2x160xi32, #tpu.memory_space<vmem>>)
      tpu.yield
    }) : () -> ()
    %dma_start3A = arith.constant 0 : i32
    %dma_start3A_40 = arith.constant 0 : i32
    %dma_start3A_41 = arith.constant 0 : i32
    %dma_start3A_42 = arith.constant 0 : i32
    %dma_start3A_43 = arith.constant 0 : i32
    %dma_start3A_44 = tpu.memref_slice %arg8[%dma_start3A_41, %dma_start3A_42, %dma_start3A_43] : memref<2x160x64xbf16, #tpu.memory_space<vmem>> -> memref<1x160x64xbf16, #tpu.memory_space<vmem>>
    %dma_start3A_45 = tpu.memref_squeeze %dma_start3A_44 : memref<1x160x64xbf16, #tpu.memory_space<vmem>> -> memref<160x64xbf16, #tpu.memory_space<vmem>>
    %dma_start3A_46 = arith.constant 0 : i32
    %dma_start3A_47 = tpu.memref_slice %arg7[%dma_start3A, %dma_start3A_40, %dma_start3A_46] : memref<125x2x160xi32, #tpu.memory_space<vmem>> -> memref<1x1x160xi32, #tpu.memory_space<vmem>>
    %dma_start3A_48 = tpu.memref_squeeze %dma_start3A_47 : memref<1x1x160xi32, #tpu.memory_space<vmem>> -> memref<160xi32, #tpu.memory_space<vmem>>
    %dma_start3A_49 = arith.constant 0 : i32
    %dma_start3A_50 = arith.constant 0 : i32
    %dma_start3A_51 = tpu.memref_slice %arg3[%arg0, %dma_start3A_49, %dma_start3A_50] : memref<2x10000x64xbf16, #tpu.memory_space<hbm>> -> memref<1x10000x64xbf16, #tpu.memory_space<hbm>>
    %dma_start3A_52 = tpu.memref_squeeze %dma_start3A_51 : memref<1x10000x64xbf16, #tpu.memory_space<hbm>> -> memref<10000x64xbf16, #tpu.memory_space<hbm>>
    %dma_start3A_53 = arith.constant 0 : i32
    %dma_start3A_54 = arith.constant 0 : i32
    %dma_start3A_55 = tpu.memref_slice %dma_start3A_52[%dma_start3A_53, %dma_start3A_54] : memref<10000x64xbf16, #tpu.memory_space<hbm>> -> memref<10000x64xbf16, #tpu.memory_space<hbm>>
    tpu.enqueue_indirect_dma source(%dma_start3A_55 : memref<10000x64xbf16, #tpu.memory_space<hbm>>) target(%dma_start3A_45 : memref<160x64xbf16, #tpu.memory_space<vmem>>) offsets(%dma_start3A_48 : memref<160xi32, #tpu.memory_space<vmem>>) semaphore(%arg14 : memref<!tpu.dma_semaphore, #tpu.memory_space<semaphore_mem>>)
    %dma_start3A_56 = arith.constant 0 : i32
    %dma_start3A_57 = arith.constant 1 : i32
    %dma_start3A_58 = arith.constant 0 : i32
    %dma_start3A_59 = arith.constant 0 : i32
    %dma_start3A_60 = arith.constant 0 : i32
    %dma_start3A_61 = tpu.memref_slice %arg9[%dma_start3A_58, %dma_start3A_59, %dma_start3A_60] : memref<2x160x128xbf16, #tpu.memory_space<vmem>> -> memref<1x160x128xbf16, #tpu.memory_space<vmem>>
    %dma_start3A_62 = tpu.memref_squeeze %dma_start3A_61 : memref<1x160x128xbf16, #tpu.memory_space<vmem>> -> memref<160x128xbf16, #tpu.memory_space<vmem>>
    %dma_start3A_63 = arith.constant 0 : i32
    %dma_start3A_64 = tpu.memref_slice %arg7[%dma_start3A_56, %dma_start3A_57, %dma_start3A_63] : memref<125x2x160xi32, #tpu.memory_space<vmem>> -> memref<1x1x160xi32, #tpu.memory_space<vmem>>
    %dma_start3A_65 = tpu.memref_squeeze %dma_start3A_64 : memref<1x1x160xi32, #tpu.memory_space<vmem>> -> memref<160xi32, #tpu.memory_space<vmem>>
    %dma_start3A_66 = arith.constant 0 : i32
    %dma_start3A_67 = arith.constant 0 : i32
    %dma_start3A_68 = tpu.memref_slice %arg4[%arg0, %dma_start3A_66, %dma_start3A_67] : memref<2x10000x128xbf16, #tpu.memory_space<hbm>> -> memref<1x10000x128xbf16, #tpu.memory_space<hbm>>
    %dma_start3A_69 = tpu.memref_squeeze %dma_start3A_68 : memref<1x10000x128xbf16, #tpu.memory_space<hbm>> -> memref<10000x128xbf16, #tpu.memory_space<hbm>>
    %dma_start3A_70 = arith.constant 0 : i32
    %dma_start3A_71 = arith.constant 0 : i32
    %dma_start3A_72 = tpu.memref_slice %dma_start3A_69[%dma_start3A_70, %dma_start3A_71] : memref<10000x128xbf16, #tpu.memory_space<hbm>> -> memref<10000x128xbf16, #tpu.memory_space<hbm>>
    tpu.enqueue_indirect_dma source(%dma_start3A_72 : memref<10000x128xbf16, #tpu.memory_space<hbm>>) target(%dma_start3A_62 : memref<160x128xbf16, #tpu.memory_space<vmem>>) offsets(%dma_start3A_65 : memref<160xi32, #tpu.memory_space<vmem>>) semaphore(%arg16 : memref<!tpu.dma_semaphore, #tpu.memory_space<semaphore_mem>>)
    %scan3A_73 = arith.constant 0 : i32
    %scan3A_74 = arith.constant 0 : i32
    %scan3A_75 = arith.constant 62 : i32
    %scan3A_76 = arith.addi %scan3A_74, %scan3A_75 : i32
    %scan3A_77 = arith.constant 1 : i32
    scf.for %scan3A_174 = %scan3A_74 to %scan3A_76 step %scan3A_77  : i32 {
      %mul3A_175 = arith.constant 2 : i32
      %mul3A_176 = arith.muli %mul3A_175, %scan3A_174 : i32
      %add3A_177 = arith.constant 0 : i32
      %add3A_178 = arith.addi %mul3A_176, %add3A_177 : i32
      %dma_wait3A_179 = arith.constant 0 : i32
      %dma_wait3A_180 = arith.constant 0 : i32
      %dma_wait3A_181 = arith.constant 0 : i32
      %dma_wait3A_182 = arith.constant 0 : i32
      %dma_wait3A_183 = tpu.memref_slice %arg8[%dma_wait3A_180, %dma_wait3A_181, %dma_wait3A_182] : memref<2x160x64xbf16, #tpu.memory_space<vmem>> -> memref<1x160x64xbf16, #tpu.memory_space<vmem>>
      %dma_wait3A_184 = tpu.memref_squeeze %dma_wait3A_183 : memref<1x160x64xbf16, #tpu.memory_space<vmem>> -> memref<160x64xbf16, #tpu.memory_space<vmem>>
      %dma_wait3A_185 = arith.constant 0 : i32
      %dma_wait3A_186 = tpu.memref_slice %arg7[%add3A_178, %dma_wait3A_179, %dma_wait3A_185] : memref<125x2x160xi32, #tpu.memory_space<vmem>> -> memref<1x1x160xi32, #tpu.memory_space<vmem>>
      %dma_wait3A_187 = tpu.memref_squeeze %dma_wait3A_186 : memref<1x1x160xi32, #tpu.memory_space<vmem>> -> memref<160xi32, #tpu.memory_space<vmem>>
      %dma_wait3A_188 = arith.constant 0 : i32
      %dma_wait3A_189 = arith.constant 0 : i32
      %dma_wait3A_190 = tpu.memref_slice %arg3[%arg0, %dma_wait3A_188, %dma_wait3A_189] : memref<2x10000x64xbf16, #tpu.memory_space<hbm>> -> memref<1x10000x64xbf16, #tpu.memory_space<hbm>>
      %dma_wait3A_191 = tpu.memref_squeeze %dma_wait3A_190 : memref<1x10000x64xbf16, #tpu.memory_space<hbm>> -> memref<10000x64xbf16, #tpu.memory_space<hbm>>
      %dma_wait3A_192 = arith.constant 0 : i32
      %dma_wait3A_193 = arith.constant 0 : i32
      %dma_wait3A_194 = tpu.memref_slice %dma_wait3A_191[%dma_wait3A_192, %dma_wait3A_193] : memref<10000x64xbf16, #tpu.memory_space<hbm>> -> memref<10000x64xbf16, #tpu.memory_space<hbm>>
      tpu.wait_indirect_dma semaphore(%arg14 : memref<!tpu.dma_semaphore, #tpu.memory_space<semaphore_mem>>) src(%dma_wait3A_194 : memref<10000x64xbf16, #tpu.memory_space<hbm>>) dst(%dma_wait3A_184 : memref<160x64xbf16, #tpu.memory_space<vmem>>)
      %dma_wait3A_195 = arith.constant 1 : i32
      %dma_wait3A_196 = arith.constant 0 : i32
      %dma_wait3A_197 = arith.constant 0 : i32
      %dma_wait3A_198 = arith.constant 0 : i32
      %dma_wait3A_199 = tpu.memref_slice %arg9[%dma_wait3A_196, %dma_wait3A_197, %dma_wait3A_198] : memref<2x160x128xbf16, #tpu.memory_space<vmem>> -> memref<1x160x128xbf16, #tpu.memory_space<vmem>>
      %dma_wait3A_200 = tpu.memref_squeeze %dma_wait3A_199 : memref<1x160x128xbf16, #tpu.memory_space<vmem>> -> memref<160x128xbf16, #tpu.memory_space<vmem>>
      %dma_wait3A_201 = arith.constant 0 : i32
      %dma_wait3A_202 = tpu.memref_slice %arg7[%add3A_178, %dma_wait3A_195, %dma_wait3A_201] : memref<125x2x160xi32, #tpu.memory_space<vmem>> -> memref<1x1x160xi32, #tpu.memory_space<vmem>>
      %dma_wait3A_203 = tpu.memref_squeeze %dma_wait3A_202 : memref<1x1x160xi32, #tpu.memory_space<vmem>> -> memref<160xi32, #tpu.memory_space<vmem>>
      %dma_wait3A_204 = arith.constant 0 : i32
      %dma_wait3A_205 = arith.constant 0 : i32
      %dma_wait3A_206 = tpu.memref_slice %arg4[%arg0, %dma_wait3A_204, %dma_wait3A_205] : memref<2x10000x128xbf16, #tpu.memory_space<hbm>> -> memref<1x10000x128xbf16, #tpu.memory_space<hbm>>
      %dma_wait3A_207 = tpu.memref_squeeze %dma_wait3A_206 : memref<1x10000x128xbf16, #tpu.memory_space<hbm>> -> memref<10000x128xbf16, #tpu.memory_space<hbm>>
      %dma_wait3A_208 = arith.constant 0 : i32
      %dma_wait3A_209 = arith.constant 0 : i32
      %dma_wait3A_210 = tpu.memref_slice %dma_wait3A_207[%dma_wait3A_208, %dma_wait3A_209] : memref<10000x128xbf16, #tpu.memory_space<hbm>> -> memref<10000x128xbf16, #tpu.memory_space<hbm>>
      tpu.wait_indirect_dma semaphore(%arg16 : memref<!tpu.dma_semaphore, #tpu.memory_space<semaphore_mem>>) src(%dma_wait3A_210 : memref<10000x128xbf16, #tpu.memory_space<hbm>>) dst(%dma_wait3A_200 : memref<160x128xbf16, #tpu.memory_space<vmem>>)
      %ge3A = arith.constant 1 : i32
      %ge3A_211 = arith.cmpi sge, %add3A_178, %ge3A : i32
      %convert_element_type3A_212 = arith.extui %ge3A_211 : i1 to i32
      %cond3A = arith.constant 0 : i32
      %cond3A_213 = arith.cmpi ne, %convert_element_type3A_212, %cond3A : i32
      scf.if %cond3A_213 {
        %sub3A = arith.constant 1 : i32
        %sub3A_298 = arith.subi %add3A_178, %sub3A : i32
        %dma_wait3A_299 = arith.constant 1 : i32
        %dma_wait3A_300 = arith.constant 0 : i32
        %dma_wait3A_301 = arith.constant 0 : i32
        %dma_wait3A_302 = arith.constant 0 : i32
        %dma_wait3A_303 = tpu.memref_slice %arg10[%dma_wait3A_299, %dma_wait3A_301, %dma_wait3A_302] : memref<2x160x96xbf16, #tpu.memory_space<vmem>> -> memref<1x160x96xbf16, #tpu.memory_space<vmem>>
        %dma_wait3A_304 = tpu.memref_squeeze %dma_wait3A_303 : memref<1x160x96xbf16, #tpu.memory_space<vmem>> -> memref<160x96xbf16, #tpu.memory_space<vmem>>
        %dma_wait3A_305 = arith.constant 0 : i32
        %dma_wait3A_306 = tpu.memref_slice %arg7[%sub3A_298, %dma_wait3A_300, %dma_wait3A_305] : memref<125x2x160xi32, #tpu.memory_space<vmem>> -> memref<1x1x160xi32, #tpu.memory_space<vmem>>
        %dma_wait3A_307 = tpu.memref_squeeze %dma_wait3A_306 : memref<1x1x160xi32, #tpu.memory_space<vmem>> -> memref<160xi32, #tpu.memory_space<vmem>>
        %dma_wait3A_308 = arith.constant 0 : i32
        %dma_wait3A_309 = arith.constant 0 : i32
        %dma_wait3A_310 = tpu.memref_slice %arg13[%dma_wait3A_308, %dma_wait3A_309] : memref<10000x96xbf16, #tpu.memory_space<vmem_shared>> -> memref<10000x96xbf16, #tpu.memory_space<vmem_shared>>
        tpu.wait_indirect_dma semaphore(%arg19 : memref<!tpu.dma_semaphore, #tpu.memory_space<semaphore_mem>>) src(%dma_wait3A_304 : memref<160x96xbf16, #tpu.memory_space<vmem>>) dst(%dma_wait3A_310 : memref<10000x96xbf16, #tpu.memory_space<vmem_shared>>)
      } else {
      }
      %add3A_214 = arith.constant 1 : i32
      %add3A_215 = arith.addi %add3A_178, %add3A_214 : i32
      %lt3A = arith.constant 125 : i32
      %lt3A_216 = arith.cmpi slt, %add3A_215, %lt3A : i32
      %convert_element_type3A_217 = arith.extui %lt3A_216 : i1 to i32
      %cond3A_218 = arith.constant 0 : i32
      %cond3A_219 = arith.cmpi ne, %convert_element_type3A_217, %cond3A_218 : i32
      scf.if %cond3A_219 {
        %add3A_298 = arith.constant 1 : i32
        %add3A_299 = arith.addi %add3A_178, %add3A_298 : i32
        %dma_start3A_300 = arith.constant 0 : i32
        %dma_start3A_301 = arith.constant 1 : i32
        %dma_start3A_302 = arith.constant 0 : i32
        %dma_start3A_303 = arith.constant 0 : i32
        %dma_start3A_304 = tpu.memref_slice %arg8[%dma_start3A_301, %dma_start3A_302, %dma_start3A_303] : memref<2x160x64xbf16, #tpu.memory_space<vmem>> -> memref<1x160x64xbf16, #tpu.memory_space<vmem>>
        %dma_start3A_305 = tpu.memref_squeeze %dma_start3A_304 : memref<1x160x64xbf16, #tpu.memory_space<vmem>> -> memref<160x64xbf16, #tpu.memory_space<vmem>>
        %dma_start3A_306 = arith.constant 0 : i32
        %dma_start3A_307 = tpu.memref_slice %arg7[%add3A_299, %dma_start3A_300, %dma_start3A_306] : memref<125x2x160xi32, #tpu.memory_space<vmem>> -> memref<1x1x160xi32, #tpu.memory_space<vmem>>
        %dma_start3A_308 = tpu.memref_squeeze %dma_start3A_307 : memref<1x1x160xi32, #tpu.memory_space<vmem>> -> memref<160xi32, #tpu.memory_space<vmem>>
        %dma_start3A_309 = arith.constant 0 : i32
        %dma_start3A_310 = arith.constant 0 : i32
        %dma_start3A_311 = tpu.memref_slice %arg3[%arg0, %dma_start3A_309, %dma_start3A_310] : memref<2x10000x64xbf16, #tpu.memory_space<hbm>> -> memref<1x10000x64xbf16, #tpu.memory_space<hbm>>
        %dma_start3A_312 = tpu.memref_squeeze %dma_start3A_311 : memref<1x10000x64xbf16, #tpu.memory_space<hbm>> -> memref<10000x64xbf16, #tpu.memory_space<hbm>>
        %dma_start3A_313 = arith.constant 0 : i32
        %dma_start3A_314 = arith.constant 0 : i32
        %dma_start3A_315 = tpu.memref_slice %dma_start3A_312[%dma_start3A_313, %dma_start3A_314] : memref<10000x64xbf16, #tpu.memory_space<hbm>> -> memref<10000x64xbf16, #tpu.memory_space<hbm>>
        tpu.enqueue_indirect_dma source(%dma_start3A_315 : memref<10000x64xbf16, #tpu.memory_space<hbm>>) target(%dma_start3A_305 : memref<160x64xbf16, #tpu.memory_space<vmem>>) offsets(%dma_start3A_308 : memref<160xi32, #tpu.memory_space<vmem>>) semaphore(%arg15 : memref<!tpu.dma_semaphore, #tpu.memory_space<semaphore_mem>>)
        %dma_start3A_316 = arith.constant 1 : i32
        %dma_start3A_317 = arith.constant 1 : i32
        %dma_start3A_318 = arith.constant 0 : i32
        %dma_start3A_319 = arith.constant 0 : i32
        %dma_start3A_320 = tpu.memref_slice %arg9[%dma_start3A_317, %dma_start3A_318, %dma_start3A_319] : memref<2x160x128xbf16, #tpu.memory_space<vmem>> -> memref<1x160x128xbf16, #tpu.memory_space<vmem>>
        %dma_start3A_321 = tpu.memref_squeeze %dma_start3A_320 : memref<1x160x128xbf16, #tpu.memory_space<vmem>> -> memref<160x128xbf16, #tpu.memory_space<vmem>>
        %dma_start3A_322 = arith.constant 0 : i32
        %dma_start3A_323 = tpu.memref_slice %arg7[%add3A_299, %dma_start3A_316, %dma_start3A_322] : memref<125x2x160xi32, #tpu.memory_space<vmem>> -> memref<1x1x160xi32, #tpu.memory_space<vmem>>
        %dma_start3A_324 = tpu.memref_squeeze %dma_start3A_323 : memref<1x1x160xi32, #tpu.memory_space<vmem>> -> memref<160xi32, #tpu.memory_space<vmem>>
        %dma_start3A_325 = arith.constant 0 : i32
        %dma_start3A_326 = arith.constant 0 : i32
        %dma_start3A_327 = tpu.memref_slice %arg4[%arg0, %dma_start3A_325, %dma_start3A_326] : memref<2x10000x128xbf16, #tpu.memory_space<hbm>> -> memref<1x10000x128xbf16, #tpu.memory_space<hbm>>
        %dma_start3A_328 = tpu.memref_squeeze %dma_start3A_327 : memref<1x10000x128xbf16, #tpu.memory_space<hbm>> -> memref<10000x128xbf16, #tpu.memory_space<hbm>>
        %dma_start3A_329 = arith.constant 0 : i32
        %dma_start3A_330 = arith.constant 0 : i32
        %dma_start3A_331 = tpu.memref_slice %dma_start3A_328[%dma_start3A_329, %dma_start3A_330] : memref<10000x128xbf16, #tpu.memory_space<hbm>> -> memref<10000x128xbf16, #tpu.memory_space<hbm>>
        tpu.enqueue_indirect_dma source(%dma_start3A_331 : memref<10000x128xbf16, #tpu.memory_space<hbm>>) target(%dma_start3A_321 : memref<160x128xbf16, #tpu.memory_space<vmem>>) offsets(%dma_start3A_324 : memref<160xi32, #tpu.memory_space<vmem>>) semaphore(%arg17 : memref<!tpu.dma_semaphore, #tpu.memory_space<semaphore_mem>>)
      } else {
      }
      %parallel_loop3A_220 = arith.constant 0 : i32
      %parallel_loop3A_221 = arith.constant 160 : i32
      %parallel_loop3A_222 = arith.constant 1 : i32
      scf.for %parallel_loop3A_298 = %parallel_loop3A_220 to %parallel_loop3A_221 step %parallel_loop3A_222  : i32 {
        %parallel_loop3A_299 = arith.constant 0 : i32
        %parallel_loop3A_300 = arith.index_cast %parallel_loop3A_299 : i32 to index
        %parallel_loop3A_301 = arith.index_cast %parallel_loop3A_298 : i32 to index
        %parallel_loop3A_302 = arith.constant 0 : index
        %parallel_loop3A_303 = tpu.vector_load %arg8[%parallel_loop3A_300, %parallel_loop3A_301, %parallel_loop3A_302] {strides = array<i32>} : memref<2x160x64xbf16, #tpu.memory_space<vmem>>, vector<32xbf16>,
        %parallel_loop3A_304 = tpu.unpack_subelements %parallel_loop3A_303, 0 {pack_format = #tpu.pack_format<interleaved>} : vector<32xbf16> -> vector<16xf32>
        %parallel_loop3A_305 = tpu.unpack_subelements %parallel_loop3A_303, 1 {pack_format = #tpu.pack_format<interleaved>} : vector<32xbf16> -> vector<16xf32>
        %parallel_loop3A_306 = arith.constant 0 : i32
        %parallel_loop3A_307 = arith.index_cast %parallel_loop3A_306 : i32 to index
        %parallel_loop3A_308 = arith.index_cast %parallel_loop3A_298 : i32 to index
        %parallel_loop3A_309 = arith.constant 0 : index
        %parallel_loop3A_310 = tpu.vector_load %arg9[%parallel_loop3A_307, %parallel_loop3A_308, %parallel_loop3A_309] {strides = array<i32>} : memref<2x160x128xbf16, #tpu.memory_space<vmem>>, vector<32xbf16>,
        %parallel_loop3A_311 = tpu.unpack_subelements %parallel_loop3A_310, 0 {pack_format = #tpu.pack_format<interleaved>} : vector<32xbf16> -> vector<16xf32>
        %parallel_loop3A_312 = tpu.unpack_subelements %parallel_loop3A_310, 1 {pack_format = #tpu.pack_format<interleaved>} : vector<32xbf16> -> vector<16xf32>
        %parallel_loop3A_313 = arith.constant 0 : i32
        %parallel_loop3A_314 = arith.index_cast %parallel_loop3A_313 : i32 to index
        %parallel_loop3A_315 = arith.index_cast %parallel_loop3A_298 : i32 to index
        %parallel_loop3A_316 = arith.constant 64 : index
        %parallel_loop3A_317 = tpu.vector_load %arg9[%parallel_loop3A_314, %parallel_loop3A_315, %parallel_loop3A_316] {strides = array<i32>} : memref<2x160x128xbf16, #tpu.memory_space<vmem>>, vector<32xbf16>,
        %parallel_loop3A_318 = tpu.unpack_subelements %parallel_loop3A_317, 0 {pack_format = #tpu.pack_format<interleaved>} : vector<32xbf16> -> vector<16xf32>
        %parallel_loop3A_319 = tpu.unpack_subelements %parallel_loop3A_317, 1 {pack_format = #tpu.pack_format<interleaved>} : vector<32xbf16> -> vector<16xf32>
        %parallel_loop3A_320 = arith.constant 0 : i32
        %parallel_loop3A_321 = arith.index_cast %parallel_loop3A_320 : i32 to index
        %parallel_loop3A_322 = arith.index_cast %parallel_loop3A_298 : i32 to index
        %parallel_loop3A_323 = arith.constant 32 : index
        %parallel_loop3A_324 = tpu.vector_load %arg8[%parallel_loop3A_321, %parallel_loop3A_322, %parallel_loop3A_323] {strides = array<i32>} : memref<2x160x64xbf16, #tpu.memory_space<vmem>>, vector<32xbf16>,
        %parallel_loop3A_325 = tpu.unpack_subelements %parallel_loop3A_324, 0 {pack_format = #tpu.pack_format<interleaved>} : vector<32xbf16> -> vector<16xf32>
        %parallel_loop3A_326 = tpu.unpack_subelements %parallel_loop3A_324, 1 {pack_format = #tpu.pack_format<interleaved>} : vector<32xbf16> -> vector<16xf32>
        %parallel_loop3A_327 = arith.constant 0 : i32
        %parallel_loop3A_328 = arith.index_cast %parallel_loop3A_327 : i32 to index
        %parallel_loop3A_329 = arith.index_cast %parallel_loop3A_298 : i32 to index
        %parallel_loop3A_330 = arith.constant 32 : index
        %parallel_loop3A_331 = tpu.vector_load %arg9[%parallel_loop3A_328, %parallel_loop3A_329, %parallel_loop3A_330] {strides = array<i32>} : memref<2x160x128xbf16, #tpu.memory_space<vmem>>, vector<32xbf16>,
        %parallel_loop3A_332 = tpu.unpack_subelements %parallel_loop3A_331, 0 {pack_format = #tpu.pack_format<interleaved>} : vector<32xbf16> -> vector<16xf32>
        %parallel_loop3A_333 = tpu.unpack_subelements %parallel_loop3A_331, 1 {pack_format = #tpu.pack_format<interleaved>} : vector<32xbf16> -> vector<16xf32>
        %parallel_loop3A_334 = arith.constant 0 : i32
        %parallel_loop3A_335 = arith.index_cast %parallel_loop3A_334 : i32 to index
        %parallel_loop3A_336 = arith.index_cast %parallel_loop3A_298 : i32 to index
        %parallel_loop3A_337 = arith.constant 96 : index
        %parallel_loop3A_338 = tpu.vector_load %arg9[%parallel_loop3A_335, %parallel_loop3A_336, %parallel_loop3A_337] {strides = array<i32>} : memref<2x160x128xbf16, #tpu.memory_space<vmem>>, vector<32xbf16>,
        %parallel_loop3A_339 = tpu.unpack_subelements %parallel_loop3A_338, 0 {pack_format = #tpu.pack_format<interleaved>} : vector<32xbf16> -> vector<16xf32>
        %parallel_loop3A_340 = tpu.unpack_subelements %parallel_loop3A_338, 1 {pack_format = #tpu.pack_format<interleaved>} : vector<32xbf16> -> vector<16xf32>
        %parallel_loop3A_341 = arith.addf %parallel_loop3A_304, %parallel_loop3A_311 : vector<16xf32>
        %parallel_loop3A_342 = arith.constant 0.000000e+00 : f32
        %parallel_loop3A_343 = vector.broadcast %parallel_loop3A_342 : f32 to vector<16xf32>
        %parallel_loop3A_344 = arith.maximumf %parallel_loop3A_341, %parallel_loop3A_343 : vector<16xf32>
        %parallel_loop3A_345 = arith.addf %parallel_loop3A_305, %parallel_loop3A_312 : vector<16xf32>
        %parallel_loop3A_346 = arith.constant 0.000000e+00 : f32
        %parallel_loop3A_347 = vector.broadcast %parallel_loop3A_346 : f32 to vector<16xf32>
        %parallel_loop3A_348 = arith.maximumf %parallel_loop3A_345, %parallel_loop3A_347 : vector<16xf32>
        %parallel_loop3A_349 = arith.addf %parallel_loop3A_325, %parallel_loop3A_332 : vector<16xf32>
        %parallel_loop3A_350 = arith.constant 0.000000e+00 : f32
        %parallel_loop3A_351 = vector.broadcast %parallel_loop3A_350 : f32 to vector<16xf32>
        %parallel_loop3A_352 = arith.maximumf %parallel_loop3A_349, %parallel_loop3A_351 : vector<16xf32>
        %parallel_loop3A_353 = arith.addf %parallel_loop3A_326, %parallel_loop3A_333 : vector<16xf32>
        %parallel_loop3A_354 = arith.constant 0.000000e+00 : f32
        %parallel_loop3A_355 = vector.broadcast %parallel_loop3A_354 : f32 to vector<16xf32>
        %parallel_loop3A_356 = arith.maximumf %parallel_loop3A_353, %parallel_loop3A_355 : vector<16xf32>
        %parallel_loop3A_357 = arith.mulf %parallel_loop3A_344, %get3A_23 : vector<16xf32>
        %parallel_loop3A_358 = arith.mulf %parallel_loop3A_348, %get3A_25 : vector<16xf32>
        %parallel_loop3A_359 = arith.mulf %parallel_loop3A_352, %get3A_27 : vector<16xf32>
        %parallel_loop3A_360 = arith.mulf %parallel_loop3A_356, %get3A_29 : vector<16xf32>
        %parallel_loop3A_361 = arith.addf %parallel_loop3A_357, %parallel_loop3A_358 : vector<16xf32>
        %parallel_loop3A_362 = arith.constant true
        %parallel_loop3A_363 = vector.broadcast %parallel_loop3A_362 : i1 to vector<16xi1>
        %parallel_loop3A_364 = tpu.scan <sum>, %parallel_loop3A_361 masked %parallel_loop3A_363 : vector<16xf32>, vector<16xi1> -> vector<16xf32>
        %parallel_loop3A_365 = vector.extract %parallel_loop3A_364[15] : f32 from vector<16xf32>
        %parallel_loop3A_366 = arith.addf %parallel_loop3A_359, %parallel_loop3A_360 : vector<16xf32>
        %parallel_loop3A_367 = arith.constant true
        %parallel_loop3A_368 = vector.broadcast %parallel_loop3A_367 : i1 to vector<16xi1>
        %parallel_loop3A_369 = tpu.scan <sum>, %parallel_loop3A_366 masked %parallel_loop3A_368 : vector<16xf32>, vector<16xi1> -> vector<16xf32>
        %parallel_loop3A_370 = vector.extract %parallel_loop3A_369[15] : f32 from vector<16xf32>
        %parallel_loop3A_371 = vector.broadcast %parallel_loop3A_365 : f32 to vector<16xf32>
        %parallel_loop3A_372 = math.exp %parallel_loop3A_371 : vector<16xf32>
        %parallel_loop3A_373 = vector.broadcast %parallel_loop3A_370 : f32 to vector<16xf32>
        %parallel_loop3A_374 = math.exp %parallel_loop3A_373 : vector<16xf32>
        %parallel_loop3A_375 = arith.mulf %parallel_loop3A_318, %parallel_loop3A_372 : vector<16xf32>
        %parallel_loop3A_376 = arith.mulf %parallel_loop3A_319, %parallel_loop3A_372 : vector<16xf32>
        %parallel_loop3A_377 = tpu.pack_subelements %parallel_loop3A_375, %parallel_loop3A_376 {pack_format = #tpu.pack_format<interleaved>, positions = array<i32: 0, 1>} : vector<16xf32>, vector<16xf32> -> vector<32xbf16>
        %parallel_loop3A_378 = arith.constant 0 : i32
        %parallel_loop3A_379 = arith.index_cast %parallel_loop3A_378 : i32 to index
        %parallel_loop3A_380 = arith.index_cast %parallel_loop3A_298 : i32 to index
        %parallel_loop3A_381 = arith.constant 0 : index
        %parallel_loop3A_382 = tpu.vector_load %arg10[%parallel_loop3A_379, %parallel_loop3A_380, %parallel_loop3A_381] {strides = array<i32>} : memref<2x160x96xbf16, #tpu.memory_space<vmem>>, vector<32xbf16>,
        tpu.vector_store %arg10[%parallel_loop3A_379, %parallel_loop3A_380, %parallel_loop3A_381], %parallel_loop3A_377 {strides = array<i32>} : memref<2x160x96xbf16, #tpu.memory_space<vmem>>, vector<32xbf16>,
        %parallel_loop3A_383 = arith.mulf %parallel_loop3A_339, %parallel_loop3A_374 : vector<16xf32>
        %parallel_loop3A_384 = arith.mulf %parallel_loop3A_340, %parallel_loop3A_374 : vector<16xf32>
        %parallel_loop3A_385 = tpu.pack_subelements %parallel_loop3A_383, %parallel_loop3A_384 {pack_format = #tpu.pack_format<interleaved>, positions = array<i32: 0, 1>} : vector<16xf32>, vector<16xf32> -> vector<32xbf16>
        %parallel_loop3A_386 = arith.constant 0 : i32
        %parallel_loop3A_387 = arith.index_cast %parallel_loop3A_386 : i32 to index
        %parallel_loop3A_388 = arith.index_cast %parallel_loop3A_298 : i32 to index
        %parallel_loop3A_389 = arith.constant 32 : index
        %parallel_loop3A_390 = tpu.vector_load %arg10[%parallel_loop3A_387, %parallel_loop3A_388, %parallel_loop3A_389] {strides = array<i32>} : memref<2x160x96xbf16, #tpu.memory_space<vmem>>, vector<32xbf16>,
        tpu.vector_store %arg10[%parallel_loop3A_387, %parallel_loop3A_388, %parallel_loop3A_389], %parallel_loop3A_385 {strides = array<i32>} : memref<2x160x96xbf16, #tpu.memory_space<vmem>>, vector<32xbf16>,
        %parallel_loop3A_391 = arith.mulf %parallel_loop3A_372, %convert_element_type3A_32 : vector<16xf32>
        %parallel_loop3A_392 = arith.mulf %parallel_loop3A_374, %convert_element_type3A_37 : vector<16xf32>
        %parallel_loop3A_393 = arith.addf %parallel_loop3A_391, %parallel_loop3A_392 : vector<16xf32>
        %parallel_loop3A_394 = arith.constant 0.000000e+00 : f32
        %parallel_loop3A_395 = vector.broadcast %parallel_loop3A_394 : f32 to vector<16xf32>
        %parallel_loop3A_396 = tpu.pack_subelements %parallel_loop3A_393, %parallel_loop3A_395 {pack_format = #tpu.pack_format<interleaved>, positions = array<i32: 0, 1>} : vector<16xf32>, vector<16xf32> -> vector<32xbf16>
        %parallel_loop3A_397 = arith.constant 0 : i32
        %parallel_loop3A_398 = arith.index_cast %parallel_loop3A_397 : i32 to index
        %parallel_loop3A_399 = arith.index_cast %parallel_loop3A_298 : i32 to index
        %parallel_loop3A_400 = arith.constant 64 : index
        %parallel_loop3A_401 = tpu.vector_load %arg10[%parallel_loop3A_398, %parallel_loop3A_399, %parallel_loop3A_400] {strides = array<i32>} : memref<2x160x96xbf16, #tpu.memory_space<vmem>>, vector<32xbf16>,
        tpu.vector_store %arg10[%parallel_loop3A_398, %parallel_loop3A_399, %parallel_loop3A_400], %parallel_loop3A_396 {strides = array<i32>} : memref<2x160x96xbf16, #tpu.memory_space<vmem>>, vector<32xbf16>,
      } {sc.loop_unroll_factor = 4 : i64, sc.parallel_access}
      %dma_start3A_223 = arith.constant 0 : i32
      %dma_start3A_224 = arith.constant 0 : i32
      %dma_start3A_225 = arith.constant 0 : i32
      %dma_start3A_226 = arith.constant 0 : i32
      %dma_start3A_227 = tpu.memref_slice %arg10[%dma_start3A_223, %dma_start3A_225, %dma_start3A_226] : memref<2x160x96xbf16, #tpu.memory_space<vmem>> -> memref<1x160x96xbf16, #tpu.memory_space<vmem>>
      %dma_start3A_228 = tpu.memref_squeeze %dma_start3A_227 : memref<1x160x96xbf16, #tpu.memory_space<vmem>> -> memref<160x96xbf16, #tpu.memory_space<vmem>>
      %dma_start3A_229 = arith.constant 0 : i32
      %dma_start3A_230 = tpu.memref_slice %arg7[%add3A_178, %dma_start3A_224, %dma_start3A_229] : memref<125x2x160xi32, #tpu.memory_space<vmem>> -> memref<1x1x160xi32, #tpu.memory_space<vmem>>
      %dma_start3A_231 = tpu.memref_squeeze %dma_start3A_230 : memref<1x1x160xi32, #tpu.memory_space<vmem>> -> memref<160xi32, #tpu.memory_space<vmem>>
      %dma_start3A_232 = arith.constant 0 : i32
      %dma_start3A_233 = arith.constant 0 : i32
      %dma_start3A_234 = tpu.memref_slice %arg13[%dma_start3A_232, %dma_start3A_233] : memref<10000x96xbf16, #tpu.memory_space<vmem_shared>> -> memref<10000x96xbf16, #tpu.memory_space<vmem_shared>>
      tpu.enqueue_indirect_dma source(%dma_start3A_228 : memref<160x96xbf16, #tpu.memory_space<vmem>>) target(%dma_start3A_234 : memref<10000x96xbf16, #tpu.memory_space<vmem_shared>>) offsets(%dma_start3A_231 : memref<160xi32, #tpu.memory_space<vmem>>) semaphore(%arg18 : memref<!tpu.dma_semaphore, #tpu.memory_space<semaphore_mem>>) {add = true}
      %mul3A_235 = arith.constant 2 : i32
      %mul3A_236 = arith.muli %mul3A_235, %scan3A_174 : i32
      %add3A_237 = arith.constant 1 : i32
      %add3A_238 = arith.addi %mul3A_236, %add3A_237 : i32
      %dma_wait3A_239 = arith.constant 0 : i32
      %dma_wait3A_240 = arith.constant 1 : i32
      %dma_wait3A_241 = arith.constant 0 : i32
      %dma_wait3A_242 = arith.constant 0 : i32
      %dma_wait3A_243 = tpu.memref_slice %arg8[%dma_wait3A_240, %dma_wait3A_241, %dma_wait3A_242] : memref<2x160x64xbf16, #tpu.memory_space<vmem>> -> memref<1x160x64xbf16, #tpu.memory_space<vmem>>
      %dma_wait3A_244 = tpu.memref_squeeze %dma_wait3A_243 : memref<1x160x64xbf16, #tpu.memory_space<vmem>> -> memref<160x64xbf16, #tpu.memory_space<vmem>>
      %dma_wait3A_245 = arith.constant 0 : i32
      %dma_wait3A_246 = tpu.memref_slice %arg7[%add3A_238, %dma_wait3A_239, %dma_wait3A_245] : memref<125x2x160xi32, #tpu.memory_space<vmem>> -> memref<1x1x160xi32, #tpu.memory_space<vmem>>
      %dma_wait3A_247 = tpu.memref_squeeze %dma_wait3A_246 : memref<1x1x160xi32, #tpu.memory_space<vmem>> -> memref<160xi32, #tpu.memory_space<vmem>>
      %dma_wait3A_248 = arith.constant 0 : i32
      %dma_wait3A_249 = arith.constant 0 : i32
      %dma_wait3A_250 = tpu.memref_slice %arg3[%arg0, %dma_wait3A_248, %dma_wait3A_249] : memref<2x10000x64xbf16, #tpu.memory_space<hbm>> -> memref<1x10000x64xbf16, #tpu.memory_space<hbm>>
      %dma_wait3A_251 = tpu.memref_squeeze %dma_wait3A_250 : memref<1x10000x64xbf16, #tpu.memory_space<hbm>> -> memref<10000x64xbf16, #tpu.memory_space<hbm>>
      %dma_wait3A_252 = arith.constant 0 : i32
      %dma_wait3A_253 = arith.constant 0 : i32
      %dma_wait3A_254 = tpu.memref_slice %dma_wait3A_251[%dma_wait3A_252, %dma_wait3A_253] : memref<10000x64xbf16, #tpu.memory_space<hbm>> -> memref<10000x64xbf16, #tpu.memory_space<hbm>>
      tpu.wait_indirect_dma semaphore(%arg15 : memref<!tpu.dma_semaphore, #tpu.memory_space<semaphore_mem>>) src(%dma_wait3A_254 : memref<10000x64xbf16, #tpu.memory_space<hbm>>) dst(%dma_wait3A_244 : memref<160x64xbf16, #tpu.memory_space<vmem>>)
      %dma_wait3A_255 = arith.constant 1 : i32
      %dma_wait3A_256 = arith.constant 1 : i32
      %dma_wait3A_257 = arith.constant 0 : i32
      %dma_wait3A_258 = arith.constant 0 : i32
      %dma_wait3A_259 = tpu.memref_slice %arg9[%dma_wait3A_256, %dma_wait3A_257, %dma_wait3A_258] : memref<2x160x128xbf16, #tpu.memory_space<vmem>> -> memref<1x160x128xbf16, #tpu.memory_space<vmem>>
      %dma_wait3A_260 = tpu.memref_squeeze %dma_wait3A_259 : memref<1x160x128xbf16, #tpu.memory_space<vmem>> -> memref<160x128xbf16, #tpu.memory_space<vmem>>
      %dma_wait3A_261 = arith.constant 0 : i32
      %dma_wait3A_262 = tpu.memref_slice %arg7[%add3A_238, %dma_wait3A_255, %dma_wait3A_261] : memref<125x2x160xi32, #tpu.memory_space<vmem>> -> memref<1x1x160xi32, #tpu.memory_space<vmem>>
      %dma_wait3A_263 = tpu.memref_squeeze %dma_wait3A_262 : memref<1x1x160xi32, #tpu.memory_space<vmem>> -> memref<160xi32, #tpu.memory_space<vmem>>
      %dma_wait3A_264 = arith.constant 0 : i32
      %dma_wait3A_265 = arith.constant 0 : i32
      %dma_wait3A_266 = tpu.memref_slice %arg4[%arg0, %dma_wait3A_264, %dma_wait3A_265] : memref<2x10000x128xbf16, #tpu.memory_space<hbm>> -> memref<1x10000x128xbf16, #tpu.memory_space<hbm>>
      %dma_wait3A_267 = tpu.memref_squeeze %dma_wait3A_266 : memref<1x10000x128xbf16, #tpu.memory_space<hbm>> -> memref<10000x128xbf16, #tpu.memory_space<hbm>>
      %dma_wait3A_268 = arith.constant 0 : i32
      %dma_wait3A_269 = arith.constant 0 : i32
      %dma_wait3A_270 = tpu.memref_slice %dma_wait3A_267[%dma_wait3A_268, %dma_wait3A_269] : memref<10000x128xbf16, #tpu.memory_space<hbm>> -> memref<10000x128xbf16, #tpu.memory_space<hbm>>
      tpu.wait_indirect_dma semaphore(%arg17 : memref<!tpu.dma_semaphore, #tpu.memory_space<semaphore_mem>>) src(%dma_wait3A_270 : memref<10000x128xbf16, #tpu.memory_space<hbm>>) dst(%dma_wait3A_260 : memref<160x128xbf16, #tpu.memory_space<vmem>>)
      %ge3A_271 = arith.constant 1 : i32
      %ge3A_272 = arith.cmpi sge, %add3A_238, %ge3A_271 : i32
      %convert_element_type3A_273 = arith.extui %ge3A_272 : i1 to i32
      %cond3A_274 = arith.constant 0 : i32
      %cond3A_275 = arith.cmpi ne, %convert_element_type3A_273, %cond3A_274 : i32
      scf.if %cond3A_275 {
        %sub3A = arith.constant 1 : i32
        %sub3A_298 = arith.subi %add3A_238, %sub3A : i32
        %dma_wait3A_299 = arith.constant 0 : i32
        %dma_wait3A_300 = arith.constant 0 : i32
        %dma_wait3A_301 = arith.constant 0 : i32
        %dma_wait3A_302 = arith.constant 0 : i32
        %dma_wait3A_303 = tpu.memref_slice %arg10[%dma_wait3A_299, %dma_wait3A_301, %dma_wait3A_302] : memref<2x160x96xbf16, #tpu.memory_space<vmem>> -> memref<1x160x96xbf16, #tpu.memory_space<vmem>>
        %dma_wait3A_304 = tpu.memref_squeeze %dma_wait3A_303 : memref<1x160x96xbf16, #tpu.memory_space<vmem>> -> memref<160x96xbf16, #tpu.memory_space<vmem>>
        %dma_wait3A_305 = arith.constant 0 : i32
        %dma_wait3A_306 = tpu.memref_slice %arg7[%sub3A_298, %dma_wait3A_300, %dma_wait3A_305] : memref<125x2x160xi32, #tpu.memory_space<vmem>> -> memref<1x1x160xi32, #tpu.memory_space<vmem>>
        %dma_wait3A_307 = tpu.memref_squeeze %dma_wait3A_306 : memref<1x1x160xi32, #tpu.memory_space<vmem>> -> memref<160xi32, #tpu.memory_space<vmem>>
        %dma_wait3A_308 = arith.constant 0 : i32
        %dma_wait3A_309 = arith.constant 0 : i32
        %dma_wait3A_310 = tpu.memref_slice %arg13[%dma_wait3A_308, %dma_wait3A_309] : memref<10000x96xbf16, #tpu.memory_space<vmem_shared>> -> memref<10000x96xbf16, #tpu.memory_space<vmem_shared>>
        tpu.wait_indirect_dma semaphore(%arg18 : memref<!tpu.dma_semaphore, #tpu.memory_space<semaphore_mem>>) src(%dma_wait3A_304 : memref<160x96xbf16, #tpu.memory_space<vmem>>) dst(%dma_wait3A_310 : memref<10000x96xbf16, #tpu.memory_space<vmem_shared>>)
      } else {
      }
      %add3A_276 = arith.constant 1 : i32
      %add3A_277 = arith.addi %add3A_238, %add3A_276 : i32
      %lt3A_278 = arith.constant 125 : i32
      %lt3A_279 = arith.cmpi slt, %add3A_277, %lt3A_278 : i32
      %convert_element_type3A_280 = arith.extui %lt3A_279 : i1 to i32
      %cond3A_281 = arith.constant 0 : i32
      %cond3A_282 = arith.cmpi ne, %convert_element_type3A_280, %cond3A_281 : i32
      scf.if %cond3A_282 {
        %add3A_298 = arith.constant 1 : i32
        %add3A_299 = arith.addi %add3A_238, %add3A_298 : i32
        %dma_start3A_300 = arith.constant 0 : i32
        %dma_start3A_301 = arith.constant 0 : i32
        %dma_start3A_302 = arith.constant 0 : i32
        %dma_start3A_303 = arith.constant 0 : i32
        %dma_start3A_304 = tpu.memref_slice %arg8[%dma_start3A_301, %dma_start3A_302, %dma_start3A_303] : memref<2x160x64xbf16, #tpu.memory_space<vmem>> -> memref<1x160x64xbf16, #tpu.memory_space<vmem>>
        %dma_start3A_305 = tpu.memref_squeeze %dma_start3A_304 : memref<1x160x64xbf16, #tpu.memory_space<vmem>> -> memref<160x64xbf16, #tpu.memory_space<vmem>>
        %dma_start3A_306 = arith.constant 0 : i32
        %dma_start3A_307 = tpu.memref_slice %arg7[%add3A_299, %dma_start3A_300, %dma_start3A_306] : memref<125x2x160xi32, #tpu.memory_space<vmem>> -> memref<1x1x160xi32, #tpu.memory_space<vmem>>
        %dma_start3A_308 = tpu.memref_squeeze %dma_start3A_307 : memref<1x1x160xi32, #tpu.memory_space<vmem>> -> memref<160xi32, #tpu.memory_space<vmem>>
        %dma_start3A_309 = arith.constant 0 : i32
        %dma_start3A_310 = arith.constant 0 : i32
        %dma_start3A_311 = tpu.memref_slice %arg3[%arg0, %dma_start3A_309, %dma_start3A_310] : memref<2x10000x64xbf16, #tpu.memory_space<hbm>> -> memref<1x10000x64xbf16, #tpu.memory_space<hbm>>
        %dma_start3A_312 = tpu.memref_squeeze %dma_start3A_311 : memref<1x10000x64xbf16, #tpu.memory_space<hbm>> -> memref<10000x64xbf16, #tpu.memory_space<hbm>>
        %dma_start3A_313 = arith.constant 0 : i32
        %dma_start3A_314 = arith.constant 0 : i32
        %dma_start3A_315 = tpu.memref_slice %dma_start3A_312[%dma_start3A_313, %dma_start3A_314] : memref<10000x64xbf16, #tpu.memory_space<hbm>> -> memref<10000x64xbf16, #tpu.memory_space<hbm>>
        tpu.enqueue_indirect_dma source(%dma_start3A_315 : memref<10000x64xbf16, #tpu.memory_space<hbm>>) target(%dma_start3A_305 : memref<160x64xbf16, #tpu.memory_space<vmem>>) offsets(%dma_start3A_308 : memref<160xi32, #tpu.memory_space<vmem>>) semaphore(%arg14 : memref<!tpu.dma_semaphore, #tpu.memory_space<semaphore_mem>>)
        %dma_start3A_316 = arith.constant 1 : i32
        %dma_start3A_317 = arith.constant 0 : i32
        %dma_start3A_318 = arith.constant 0 : i32
        %dma_start3A_319 = arith.constant 0 : i32
        %dma_start3A_320 = tpu.memref_slice %arg9[%dma_start3A_317, %dma_start3A_318, %dma_start3A_319] : memref<2x160x128xbf16, #tpu.memory_space<vmem>> -> memref<1x160x128xbf16, #tpu.memory_space<vmem>>
        %dma_start3A_321 = tpu.memref_squeeze %dma_start3A_320 : memref<1x160x128xbf16, #tpu.memory_space<vmem>> -> memref<160x128xbf16, #tpu.memory_space<vmem>>
        %dma_start3A_322 = arith.constant 0 : i32
        %dma_start3A_323 = tpu.memref_slice %arg7[%add3A_299, %dma_start3A_316, %dma_start3A_322] : memref<125x2x160xi32, #tpu.memory_space<vmem>> -> memref<1x1x160xi32, #tpu.memory_space<vmem>>
        %dma_start3A_324 = tpu.memref_squeeze %dma_start3A_323 : memref<1x1x160xi32, #tpu.memory_space<vmem>> -> memref<160xi32, #tpu.memory_space<vmem>>
        %dma_start3A_325 = arith.constant 0 : i32
        %dma_start3A_326 = arith.constant 0 : i32
        %dma_start3A_327 = tpu.memref_slice %arg4[%arg0, %dma_start3A_325, %dma_start3A_326] : memref<2x10000x128xbf16, #tpu.memory_space<hbm>> -> memref<1x10000x128xbf16, #tpu.memory_space<hbm>>
        %dma_start3A_328 = tpu.memref_squeeze %dma_start3A_327 : memref<1x10000x128xbf16, #tpu.memory_space<hbm>> -> memref<10000x128xbf16, #tpu.memory_space<hbm>>
        %dma_start3A_329 = arith.constant 0 : i32
        %dma_start3A_330 = arith.constant 0 : i32
        %dma_start3A_331 = tpu.memref_slice %dma_start3A_328[%dma_start3A_329, %dma_start3A_330] : memref<10000x128xbf16, #tpu.memory_space<hbm>> -> memref<10000x128xbf16, #tpu.memory_space<hbm>>
        tpu.enqueue_indirect_dma source(%dma_start3A_331 : memref<10000x128xbf16, #tpu.memory_space<hbm>>) target(%dma_start3A_321 : memref<160x128xbf16, #tpu.memory_space<vmem>>) offsets(%dma_start3A_324 : memref<160xi32, #tpu.memory_space<vmem>>) semaphore(%arg16 : memref<!tpu.dma_semaphore, #tpu.memory_space<semaphore_mem>>)
      } else {
      }
      %parallel_loop3A_283 = arith.constant 0 : i32
      %parallel_loop3A_284 = arith.constant 160 : i32
      %parallel_loop3A_285 = arith.constant 1 : i32
      scf.for %parallel_loop3A_298 = %parallel_loop3A_283 to %parallel_loop3A_284 step %parallel_loop3A_285  : i32 {
        %parallel_loop3A_299 = arith.constant 1 : i32
        %parallel_loop3A_300 = arith.index_cast %parallel_loop3A_299 : i32 to index
        %parallel_loop3A_301 = arith.index_cast %parallel_loop3A_298 : i32 to index
        %parallel_loop3A_302 = arith.constant 0 : index
        %parallel_loop3A_303 = tpu.vector_load %arg8[%parallel_loop3A_300, %parallel_loop3A_301, %parallel_loop3A_302] {strides = array<i32>} : memref<2x160x64xbf16, #tpu.memory_space<vmem>>, vector<32xbf16>,
        %parallel_loop3A_304 = tpu.unpack_subelements %parallel_loop3A_303, 0 {pack_format = #tpu.pack_format<interleaved>} : vector<32xbf16> -> vector<16xf32>
        %parallel_loop3A_305 = tpu.unpack_subelements %parallel_loop3A_303, 1 {pack_format = #tpu.pack_format<interleaved>} : vector<32xbf16> -> vector<16xf32>
        %parallel_loop3A_306 = arith.constant 1 : i32
        %parallel_loop3A_307 = arith.index_cast %parallel_loop3A_306 : i32 to index
        %parallel_loop3A_308 = arith.index_cast %parallel_loop3A_298 : i32 to index
        %parallel_loop3A_309 = arith.constant 0 : index
        %parallel_loop3A_310 = tpu.vector_load %arg9[%parallel_loop3A_307, %parallel_loop3A_308, %parallel_loop3A_309] {strides = array<i32>} : memref<2x160x128xbf16, #tpu.memory_space<vmem>>, vector<32xbf16>,
        %parallel_loop3A_311 = tpu.unpack_subelements %parallel_loop3A_310, 0 {pack_format = #tpu.pack_format<interleaved>} : vector<32xbf16> -> vector<16xf32>
        %parallel_loop3A_312 = tpu.unpack_subelements %parallel_loop3A_310, 1 {pack_format = #tpu.pack_format<interleaved>} : vector<32xbf16> -> vector<16xf32>
        %parallel_loop3A_313 = arith.constant 1 : i32
        %parallel_loop3A_314 = arith.index_cast %parallel_loop3A_313 : i32 to index
        %parallel_loop3A_315 = arith.index_cast %parallel_loop3A_298 : i32 to index
        %parallel_loop3A_316 = arith.constant 64 : index
        %parallel_loop3A_317 = tpu.vector_load %arg9[%parallel_loop3A_314, %parallel_loop3A_315, %parallel_loop3A_316] {strides = array<i32>} : memref<2x160x128xbf16, #tpu.memory_space<vmem>>, vector<32xbf16>,
        %parallel_loop3A_318 = tpu.unpack_subelements %parallel_loop3A_317, 0 {pack_format = #tpu.pack_format<interleaved>} : vector<32xbf16> -> vector<16xf32>
        %parallel_loop3A_319 = tpu.unpack_subelements %parallel_loop3A_317, 1 {pack_format = #tpu.pack_format<interleaved>} : vector<32xbf16> -> vector<16xf32>
        %parallel_loop3A_320 = arith.constant 1 : i32
        %parallel_loop3A_321 = arith.index_cast %parallel_loop3A_320 : i32 to index
        %parallel_loop3A_322 = arith.index_cast %parallel_loop3A_298 : i32 to index
        %parallel_loop3A_323 = arith.constant 32 : index
        %parallel_loop3A_324 = tpu.vector_load %arg8[%parallel_loop3A_321, %parallel_loop3A_322, %parallel_loop3A_323] {strides = array<i32>} : memref<2x160x64xbf16, #tpu.memory_space<vmem>>, vector<32xbf16>,
        %parallel_loop3A_325 = tpu.unpack_subelements %parallel_loop3A_324, 0 {pack_format = #tpu.pack_format<interleaved>} : vector<32xbf16> -> vector<16xf32>
        %parallel_loop3A_326 = tpu.unpack_subelements %parallel_loop3A_324, 1 {pack_format = #tpu.pack_format<interleaved>} : vector<32xbf16> -> vector<16xf32>
        %parallel_loop3A_327 = arith.constant 1 : i32
        %parallel_loop3A_328 = arith.index_cast %parallel_loop3A_327 : i32 to index
        %parallel_loop3A_329 = arith.index_cast %parallel_loop3A_298 : i32 to index
        %parallel_loop3A_330 = arith.constant 32 : index
        %parallel_loop3A_331 = tpu.vector_load %arg9[%parallel_loop3A_328, %parallel_loop3A_329, %parallel_loop3A_330] {strides = array<i32>} : memref<2x160x128xbf16, #tpu.memory_space<vmem>>, vector<32xbf16>,
        %parallel_loop3A_332 = tpu.unpack_subelements %parallel_loop3A_331, 0 {pack_format = #tpu.pack_format<interleaved>} : vector<32xbf16> -> vector<16xf32>
        %parallel_loop3A_333 = tpu.unpack_subelements %parallel_loop3A_331, 1 {pack_format = #tpu.pack_format<interleaved>} : vector<32xbf16> -> vector<16xf32>
        %parallel_loop3A_334 = arith.constant 1 : i32
        %parallel_loop3A_335 = arith.index_cast %parallel_loop3A_334 : i32 to index
        %parallel_loop3A_336 = arith.index_cast %parallel_loop3A_298 : i32 to index
        %parallel_loop3A_337 = arith.constant 96 : index
        %parallel_loop3A_338 = tpu.vector_load %arg9[%parallel_loop3A_335, %parallel_loop3A_336, %parallel_loop3A_337] {strides = array<i32>} : memref<2x160x128xbf16, #tpu.memory_space<vmem>>, vector<32xbf16>,
        %parallel_loop3A_339 = tpu.unpack_subelements %parallel_loop3A_338, 0 {pack_format = #tpu.pack_format<interleaved>} : vector<32xbf16> -> vector<16xf32>
        %parallel_loop3A_340 = tpu.unpack_subelements %parallel_loop3A_338, 1 {pack_format = #tpu.pack_format<interleaved>} : vector<32xbf16> -> vector<16xf32>
        %parallel_loop3A_341 = arith.addf %parallel_loop3A_304, %parallel_loop3A_311 : vector<16xf32>
        %parallel_loop3A_342 = arith.constant 0.000000e+00 : f32
        %parallel_loop3A_343 = vector.broadcast %parallel_loop3A_342 : f32 to vector<16xf32>
        %parallel_loop3A_344 = arith.maximumf %parallel_loop3A_341, %parallel_loop3A_343 : vector<16xf32>
        %parallel_loop3A_345 = arith.addf %parallel_loop3A_305, %parallel_loop3A_312 : vector<16xf32>
        %parallel_loop3A_346 = arith.constant 0.000000e+00 : f32
        %parallel_loop3A_347 = vector.broadcast %parallel_loop3A_346 : f32 to vector<16xf32>
        %parallel_loop3A_348 = arith.maximumf %parallel_loop3A_345, %parallel_loop3A_347 : vector<16xf32>
        %parallel_loop3A_349 = arith.addf %parallel_loop3A_325, %parallel_loop3A_332 : vector<16xf32>
        %parallel_loop3A_350 = arith.constant 0.000000e+00 : f32
        %parallel_loop3A_351 = vector.broadcast %parallel_loop3A_350 : f32 to vector<16xf32>
        %parallel_loop3A_352 = arith.maximumf %parallel_loop3A_349, %parallel_loop3A_351 : vector<16xf32>
        %parallel_loop3A_353 = arith.addf %parallel_loop3A_326, %parallel_loop3A_333 : vector<16xf32>
        %parallel_loop3A_354 = arith.constant 0.000000e+00 : f32
        %parallel_loop3A_355 = vector.broadcast %parallel_loop3A_354 : f32 to vector<16xf32>
        %parallel_loop3A_356 = arith.maximumf %parallel_loop3A_353, %parallel_loop3A_355 : vector<16xf32>
        %parallel_loop3A_357 = arith.mulf %parallel_loop3A_344, %get3A_23 : vector<16xf32>
        %parallel_loop3A_358 = arith.mulf %parallel_loop3A_348, %get3A_25 : vector<16xf32>
        %parallel_loop3A_359 = arith.mulf %parallel_loop3A_352, %get3A_27 : vector<16xf32>
        %parallel_loop3A_360 = arith.mulf %parallel_loop3A_356, %get3A_29 : vector<16xf32>
        %parallel_loop3A_361 = arith.addf %parallel_loop3A_357, %parallel_loop3A_358 : vector<16xf32>
        %parallel_loop3A_362 = arith.constant true
        %parallel_loop3A_363 = vector.broadcast %parallel_loop3A_362 : i1 to vector<16xi1>
        %parallel_loop3A_364 = tpu.scan <sum>, %parallel_loop3A_361 masked %parallel_loop3A_363 : vector<16xf32>, vector<16xi1> -> vector<16xf32>
        %parallel_loop3A_365 = vector.extract %parallel_loop3A_364[15] : f32 from vector<16xf32>
        %parallel_loop3A_366 = arith.addf %parallel_loop3A_359, %parallel_loop3A_360 : vector<16xf32>
        %parallel_loop3A_367 = arith.constant true
        %parallel_loop3A_368 = vector.broadcast %parallel_loop3A_367 : i1 to vector<16xi1>
        %parallel_loop3A_369 = tpu.scan <sum>, %parallel_loop3A_366 masked %parallel_loop3A_368 : vector<16xf32>, vector<16xi1> -> vector<16xf32>
        %parallel_loop3A_370 = vector.extract %parallel_loop3A_369[15] : f32 from vector<16xf32>
        %parallel_loop3A_371 = vector.broadcast %parallel_loop3A_365 : f32 to vector<16xf32>
        %parallel_loop3A_372 = math.exp %parallel_loop3A_371 : vector<16xf32>
        %parallel_loop3A_373 = vector.broadcast %parallel_loop3A_370 : f32 to vector<16xf32>
        %parallel_loop3A_374 = math.exp %parallel_loop3A_373 : vector<16xf32>
        %parallel_loop3A_375 = arith.mulf %parallel_loop3A_318, %parallel_loop3A_372 : vector<16xf32>
        %parallel_loop3A_376 = arith.mulf %parallel_loop3A_319, %parallel_loop3A_372 : vector<16xf32>
        %parallel_loop3A_377 = tpu.pack_subelements %parallel_loop3A_375, %parallel_loop3A_376 {pack_format = #tpu.pack_format<interleaved>, positions = array<i32: 0, 1>} : vector<16xf32>, vector<16xf32> -> vector<32xbf16>
        %parallel_loop3A_378 = arith.constant 1 : i32
        %parallel_loop3A_379 = arith.index_cast %parallel_loop3A_378 : i32 to index
        %parallel_loop3A_380 = arith.index_cast %parallel_loop3A_298 : i32 to index
        %parallel_loop3A_381 = arith.constant 0 : index
        %parallel_loop3A_382 = tpu.vector_load %arg10[%parallel_loop3A_379, %parallel_loop3A_380, %parallel_loop3A_381] {strides = array<i32>} : memref<2x160x96xbf16, #tpu.memory_space<vmem>>, vector<32xbf16>,
        tpu.vector_store %arg10[%parallel_loop3A_379, %parallel_loop3A_380, %parallel_loop3A_381], %parallel_loop3A_377 {strides = array<i32>} : memref<2x160x96xbf16, #tpu.memory_space<vmem>>, vector<32xbf16>,
        %parallel_loop3A_383 = arith.mulf %parallel_loop3A_339, %parallel_loop3A_374 : vector<16xf32>
        %parallel_loop3A_384 = arith.mulf %parallel_loop3A_340, %parallel_loop3A_374 : vector<16xf32>
        %parallel_loop3A_385 = tpu.pack_subelements %parallel_loop3A_383, %parallel_loop3A_384 {pack_format = #tpu.pack_format<interleaved>, positions = array<i32: 0, 1>} : vector<16xf32>, vector<16xf32> -> vector<32xbf16>
        %parallel_loop3A_386 = arith.constant 1 : i32
        %parallel_loop3A_387 = arith.index_cast %parallel_loop3A_386 : i32 to index
        %parallel_loop3A_388 = arith.index_cast %parallel_loop3A_298 : i32 to index
        %parallel_loop3A_389 = arith.constant 32 : index
        %parallel_loop3A_390 = tpu.vector_load %arg10[%parallel_loop3A_387, %parallel_loop3A_388, %parallel_loop3A_389] {strides = array<i32>} : memref<2x160x96xbf16, #tpu.memory_space<vmem>>, vector<32xbf16>,
        tpu.vector_store %arg10[%parallel_loop3A_387, %parallel_loop3A_388, %parallel_loop3A_389], %parallel_loop3A_385 {strides = array<i32>} : memref<2x160x96xbf16, #tpu.memory_space<vmem>>, vector<32xbf16>,
        %parallel_loop3A_391 = arith.mulf %parallel_loop3A_372, %convert_element_type3A_32 : vector<16xf32>
        %parallel_loop3A_392 = arith.mulf %parallel_loop3A_374, %convert_element_type3A_37 : vector<16xf32>
        %parallel_loop3A_393 = arith.addf %parallel_loop3A_391, %parallel_loop3A_392 : vector<16xf32>
        %parallel_loop3A_394 = arith.constant 0.000000e+00 : f32
        %parallel_loop3A_395 = vector.broadcast %parallel_loop3A_394 : f32 to vector<16xf32>
        %parallel_loop3A_396 = tpu.pack_subelements %parallel_loop3A_393, %parallel_loop3A_395 {pack_format = #tpu.pack_format<interleaved>, positions = array<i32: 0, 1>} : vector<16xf32>, vector<16xf32> -> vector<32xbf16>
        %parallel_loop3A_397 = arith.constant 1 : i32
        %parallel_loop3A_398 = arith.index_cast %parallel_loop3A_397 : i32 to index
        %parallel_loop3A_399 = arith.index_cast %parallel_loop3A_298 : i32 to index
        %parallel_loop3A_400 = arith.constant 64 : index
        %parallel_loop3A_401 = tpu.vector_load %arg10[%parallel_loop3A_398, %parallel_loop3A_399, %parallel_loop3A_400] {strides = array<i32>} : memref<2x160x96xbf16, #tpu.memory_space<vmem>>, vector<32xbf16>,
        tpu.vector_store %arg10[%parallel_loop3A_398, %parallel_loop3A_399, %parallel_loop3A_400], %parallel_loop3A_396 {strides = array<i32>} : memref<2x160x96xbf16, #tpu.memory_space<vmem>>, vector<32xbf16>,
      } {sc.loop_unroll_factor = 4 : i64, sc.parallel_access}
      %dma_start3A_286 = arith.constant 1 : i32
      %dma_start3A_287 = arith.constant 0 : i32
      %dma_start3A_288 = arith.constant 0 : i32
      %dma_start3A_289 = arith.constant 0 : i32
      %dma_start3A_290 = tpu.memref_slice %arg10[%dma_start3A_286, %dma_start3A_288, %dma_start3A_289] : memref<2x160x96xbf16, #tpu.memory_space<vmem>> -> memref<1x160x96xbf16, #tpu.memory_space<vmem>>
      %dma_start3A_291 = tpu.memref_squeeze %dma_start3A_290 : memref<1x160x96xbf16, #tpu.memory_space<vmem>> -> memref<160x96xbf16, #tpu.memory_space<vmem>>
      %dma_start3A_292 = arith.constant 0 : i32
      %dma_start3A_293 = tpu.memref_slice %arg7[%add3A_238, %dma_start3A_287, %dma_start3A_292] : memref<125x2x160xi32, #tpu.memory_space<vmem>> -> memref<1x1x160xi32, #tpu.memory_space<vmem>>
      %dma_start3A_294 = tpu.memref_squeeze %dma_start3A_293 : memref<1x1x160xi32, #tpu.memory_space<vmem>> -> memref<160xi32, #tpu.memory_space<vmem>>
      %dma_start3A_295 = arith.constant 0 : i32
      %dma_start3A_296 = arith.constant 0 : i32
      %dma_start3A_297 = tpu.memref_slice %arg13[%dma_start3A_295, %dma_start3A_296] : memref<10000x96xbf16, #tpu.memory_space<vmem_shared>> -> memref<10000x96xbf16, #tpu.memory_space<vmem_shared>>
      tpu.enqueue_indirect_dma source(%dma_start3A_291 : memref<160x96xbf16, #tpu.memory_space<vmem>>) target(%dma_start3A_297 : memref<10000x96xbf16, #tpu.memory_space<vmem_shared>>) offsets(%dma_start3A_294 : memref<160xi32, #tpu.memory_space<vmem>>) semaphore(%arg19 : memref<!tpu.dma_semaphore, #tpu.memory_space<semaphore_mem>>) {add = true}
    }
    %scan3A_78 = arith.constant 62 : i32
    %dma_wait3A = arith.constant 124 : i32
    %dma_wait3A_79 = arith.constant 0 : i32
    %dma_wait3A_80 = arith.constant 0 : i32
    %dma_wait3A_81 = arith.constant 0 : i32
    %dma_wait3A_82 = arith.constant 0 : i32
    %dma_wait3A_83 = tpu.memref_slice %arg8[%dma_wait3A_80, %dma_wait3A_81, %dma_wait3A_82] : memref<2x160x64xbf16, #tpu.memory_space<vmem>> -> memref<1x160x64xbf16, #tpu.memory_space<vmem>>
    %dma_wait3A_84 = tpu.memref_squeeze %dma_wait3A_83 : memref<1x160x64xbf16, #tpu.memory_space<vmem>> -> memref<160x64xbf16, #tpu.memory_space<vmem>>
    %dma_wait3A_85 = arith.constant 0 : i32
    %dma_wait3A_86 = tpu.memref_slice %arg7[%dma_wait3A, %dma_wait3A_79, %dma_wait3A_85] : memref<125x2x160xi32, #tpu.memory_space<vmem>> -> memref<1x1x160xi32, #tpu.memory_space<vmem>>
    %dma_wait3A_87 = tpu.memref_squeeze %dma_wait3A_86 : memref<1x1x160xi32, #tpu.memory_space<vmem>> -> memref<160xi32, #tpu.memory_space<vmem>>
    %dma_wait3A_88 = arith.constant 0 : i32
    %dma_wait3A_89 = arith.constant 0 : i32
    %dma_wait3A_90 = tpu.memref_slice %arg3[%arg0, %dma_wait3A_88, %dma_wait3A_89] : memref<2x10000x64xbf16, #tpu.memory_space<hbm>> -> memref<1x10000x64xbf16, #tpu.memory_space<hbm>>
    %dma_wait3A_91 = tpu.memref_squeeze %dma_wait3A_90 : memref<1x10000x64xbf16, #tpu.memory_space<hbm>> -> memref<10000x64xbf16, #tpu.memory_space<hbm>>
    %dma_wait3A_92 = arith.constant 0 : i32
    %dma_wait3A_93 = arith.constant 0 : i32
    %dma_wait3A_94 = tpu.memref_slice %dma_wait3A_91[%dma_wait3A_92, %dma_wait3A_93] : memref<10000x64xbf16, #tpu.memory_space<hbm>> -> memref<10000x64xbf16, #tpu.memory_space<hbm>>
    tpu.wait_indirect_dma semaphore(%arg14 : memref<!tpu.dma_semaphore, #tpu.memory_space<semaphore_mem>>) src(%dma_wait3A_94 : memref<10000x64xbf16, #tpu.memory_space<hbm>>) dst(%dma_wait3A_84 : memref<160x64xbf16, #tpu.memory_space<vmem>>)
    %dma_wait3A_95 = arith.constant 124 : i32
    %dma_wait3A_96 = arith.constant 1 : i32
    %dma_wait3A_97 = arith.constant 0 : i32
    %dma_wait3A_98 = arith.constant 0 : i32
    %dma_wait3A_99 = arith.constant 0 : i32
    %dma_wait3A_100 = tpu.memref_slice %arg9[%dma_wait3A_97, %dma_wait3A_98, %dma_wait3A_99] : memref<2x160x128xbf16, #tpu.memory_space<vmem>> -> memref<1x160x128xbf16, #tpu.memory_space<vmem>>
    %dma_wait3A_101 = tpu.memref_squeeze %dma_wait3A_100 : memref<1x160x128xbf16, #tpu.memory_space<vmem>> -> memref<160x128xbf16, #tpu.memory_space<vmem>>
    %dma_wait3A_102 = arith.constant 0 : i32
    %dma_wait3A_103 = tpu.memref_slice %arg7[%dma_wait3A_95, %dma_wait3A_96, %dma_wait3A_102] : memref<125x2x160xi32, #tpu.memory_space<vmem>> -> memref<1x1x160xi32, #tpu.memory_space<vmem>>
    %dma_wait3A_104 = tpu.memref_squeeze %dma_wait3A_103 : memref<1x1x160xi32, #tpu.memory_space<vmem>> -> memref<160xi32, #tpu.memory_space<vmem>>
    %dma_wait3A_105 = arith.constant 0 : i32
    %dma_wait3A_106 = arith.constant 0 : i32
    %dma_wait3A_107 = tpu.memref_slice %arg4[%arg0, %dma_wait3A_105, %dma_wait3A_106] : memref<2x10000x128xbf16, #tpu.memory_space<hbm>> -> memref<1x10000x128xbf16, #tpu.memory_space<hbm>>
    %dma_wait3A_108 = tpu.memref_squeeze %dma_wait3A_107 : memref<1x10000x128xbf16, #tpu.memory_space<hbm>> -> memref<10000x128xbf16, #tpu.memory_space<hbm>>
    %dma_wait3A_109 = arith.constant 0 : i32
    %dma_wait3A_110 = arith.constant 0 : i32
    %dma_wait3A_111 = tpu.memref_slice %dma_wait3A_108[%dma_wait3A_109, %dma_wait3A_110] : memref<10000x128xbf16, #tpu.memory_space<hbm>> -> memref<10000x128xbf16, #tpu.memory_space<hbm>>
    tpu.wait_indirect_dma semaphore(%arg16 : memref<!tpu.dma_semaphore, #tpu.memory_space<semaphore_mem>>) src(%dma_wait3A_111 : memref<10000x128xbf16, #tpu.memory_space<hbm>>) dst(%dma_wait3A_101 : memref<160x128xbf16, #tpu.memory_space<vmem>>)
    %dma_wait3A_112 = arith.constant 1 : i32
    %dma_wait3A_113 = arith.constant 123 : i32
    %dma_wait3A_114 = arith.constant 0 : i32
    %dma_wait3A_115 = arith.constant 0 : i32
    %dma_wait3A_116 = arith.constant 0 : i32
    %dma_wait3A_117 = tpu.memref_slice %arg10[%dma_wait3A_112, %dma_wait3A_115, %dma_wait3A_116] : memref<2x160x96xbf16, #tpu.memory_space<vmem>> -> memref<1x160x96xbf16, #tpu.memory_space<vmem>>
    %dma_wait3A_118 = tpu.memref_squeeze %dma_wait3A_117 : memref<1x160x96xbf16, #tpu.memory_space<vmem>> -> memref<160x96xbf16, #tpu.memory_space<vmem>>
    %dma_wait3A_119 = arith.constant 0 : i32
    %dma_wait3A_120 = tpu.memref_slice %arg7[%dma_wait3A_113, %dma_wait3A_114, %dma_wait3A_119] : memref<125x2x160xi32, #tpu.memory_space<vmem>> -> memref<1x1x160xi32, #tpu.memory_space<vmem>>
    %dma_wait3A_121 = tpu.memref_squeeze %dma_wait3A_120 : memref<1x1x160xi32, #tpu.memory_space<vmem>> -> memref<160xi32, #tpu.memory_space<vmem>>
    %dma_wait3A_122 = arith.constant 0 : i32
    %dma_wait3A_123 = arith.constant 0 : i32
    %dma_wait3A_124 = tpu.memref_slice %arg13[%dma_wait3A_122, %dma_wait3A_123] : memref<10000x96xbf16, #tpu.memory_space<vmem_shared>> -> memref<10000x96xbf16, #tpu.memory_space<vmem_shared>>
    tpu.wait_indirect_dma semaphore(%arg19 : memref<!tpu.dma_semaphore, #tpu.memory_space<semaphore_mem>>) src(%dma_wait3A_118 : memref<160x96xbf16, #tpu.memory_space<vmem>>) dst(%dma_wait3A_124 : memref<10000x96xbf16, #tpu.memory_space<vmem_shared>>)
    %parallel_loop3A = arith.constant 0 : i32
    %parallel_loop3A_125 = arith.constant 160 : i32
    %parallel_loop3A_126 = arith.constant 1 : i32
    scf.for %parallel_loop3A_174 = %parallel_loop3A to %parallel_loop3A_125 step %parallel_loop3A_126  : i32 {
      %parallel_loop3A_175 = arith.constant 0 : i32
      %parallel_loop3A_176 = arith.index_cast %parallel_loop3A_175 : i32 to index
      %parallel_loop3A_177 = arith.index_cast %parallel_loop3A_174 : i32 to index
      %parallel_loop3A_178 = arith.constant 0 : index
      %parallel_loop3A_179 = tpu.vector_load %arg8[%parallel_loop3A_176, %parallel_loop3A_177, %parallel_loop3A_178] {strides = array<i32>} : memref<2x160x64xbf16, #tpu.memory_space<vmem>>, vector<32xbf16>,
      %parallel_loop3A_180 = tpu.unpack_subelements %parallel_loop3A_179, 0 {pack_format = #tpu.pack_format<interleaved>} : vector<32xbf16> -> vector<16xf32>
      %parallel_loop3A_181 = tpu.unpack_subelements %parallel_loop3A_179, 1 {pack_format = #tpu.pack_format<interleaved>} : vector<32xbf16> -> vector<16xf32>
      %parallel_loop3A_182 = arith.constant 0 : i32
      %parallel_loop3A_183 = arith.index_cast %parallel_loop3A_182 : i32 to index
      %parallel_loop3A_184 = arith.index_cast %parallel_loop3A_174 : i32 to index
      %parallel_loop3A_185 = arith.constant 0 : index
      %parallel_loop3A_186 = tpu.vector_load %arg9[%parallel_loop3A_183, %parallel_loop3A_184, %parallel_loop3A_185] {strides = array<i32>} : memref<2x160x128xbf16, #tpu.memory_space<vmem>>, vector<32xbf16>,
      %parallel_loop3A_187 = tpu.unpack_subelements %parallel_loop3A_186, 0 {pack_format = #tpu.pack_format<interleaved>} : vector<32xbf16> -> vector<16xf32>
      %parallel_loop3A_188 = tpu.unpack_subelements %parallel_loop3A_186, 1 {pack_format = #tpu.pack_format<interleaved>} : vector<32xbf16> -> vector<16xf32>
      %parallel_loop3A_189 = arith.constant 0 : i32
      %parallel_loop3A_190 = arith.index_cast %parallel_loop3A_189 : i32 to index
      %parallel_loop3A_191 = arith.index_cast %parallel_loop3A_174 : i32 to index
      %parallel_loop3A_192 = arith.constant 64 : index
      %parallel_loop3A_193 = tpu.vector_load %arg9[%parallel_loop3A_190, %parallel_loop3A_191, %parallel_loop3A_192] {strides = array<i32>} : memref<2x160x128xbf16, #tpu.memory_space<vmem>>, vector<32xbf16>,
      %parallel_loop3A_194 = tpu.unpack_subelements %parallel_loop3A_193, 0 {pack_format = #tpu.pack_format<interleaved>} : vector<32xbf16> -> vector<16xf32>
      %parallel_loop3A_195 = tpu.unpack_subelements %parallel_loop3A_193, 1 {pack_format = #tpu.pack_format<interleaved>} : vector<32xbf16> -> vector<16xf32>
      %parallel_loop3A_196 = arith.constant 0 : i32
      %parallel_loop3A_197 = arith.index_cast %parallel_loop3A_196 : i32 to index
      %parallel_loop3A_198 = arith.index_cast %parallel_loop3A_174 : i32 to index
      %parallel_loop3A_199 = arith.constant 32 : index
      %parallel_loop3A_200 = tpu.vector_load %arg8[%parallel_loop3A_197, %parallel_loop3A_198, %parallel_loop3A_199] {strides = array<i32>} : memref<2x160x64xbf16, #tpu.memory_space<vmem>>, vector<32xbf16>,
      %parallel_loop3A_201 = tpu.unpack_subelements %parallel_loop3A_200, 0 {pack_format = #tpu.pack_format<interleaved>} : vector<32xbf16> -> vector<16xf32>
      %parallel_loop3A_202 = tpu.unpack_subelements %parallel_loop3A_200, 1 {pack_format = #tpu.pack_format<interleaved>} : vector<32xbf16> -> vector<16xf32>
      %parallel_loop3A_203 = arith.constant 0 : i32
      %parallel_loop3A_204 = arith.index_cast %parallel_loop3A_203 : i32 to index
      %parallel_loop3A_205 = arith.index_cast %parallel_loop3A_174 : i32 to index
      %parallel_loop3A_206 = arith.constant 32 : index
      %parallel_loop3A_207 = tpu.vector_load %arg9[%parallel_loop3A_204, %parallel_loop3A_205, %parallel_loop3A_206] {strides = array<i32>} : memref<2x160x128xbf16, #tpu.memory_space<vmem>>, vector<32xbf16>,
      %parallel_loop3A_208 = tpu.unpack_subelements %parallel_loop3A_207, 0 {pack_format = #tpu.pack_format<interleaved>} : vector<32xbf16> -> vector<16xf32>
      %parallel_loop3A_209 = tpu.unpack_subelements %parallel_loop3A_207, 1 {pack_format = #tpu.pack_format<interleaved>} : vector<32xbf16> -> vector<16xf32>
      %parallel_loop3A_210 = arith.constant 0 : i32
      %parallel_loop3A_211 = arith.index_cast %parallel_loop3A_210 : i32 to index
      %parallel_loop3A_212 = arith.index_cast %parallel_loop3A_174 : i32 to index
      %parallel_loop3A_213 = arith.constant 96 : index
      %parallel_loop3A_214 = tpu.vector_load %arg9[%parallel_loop3A_211, %parallel_loop3A_212, %parallel_loop3A_213] {strides = array<i32>} : memref<2x160x128xbf16, #tpu.memory_space<vmem>>, vector<32xbf16>,
      %parallel_loop3A_215 = tpu.unpack_subelements %parallel_loop3A_214, 0 {pack_format = #tpu.pack_format<interleaved>} : vector<32xbf16> -> vector<16xf32>
      %parallel_loop3A_216 = tpu.unpack_subelements %parallel_loop3A_214, 1 {pack_format = #tpu.pack_format<interleaved>} : vector<32xbf16> -> vector<16xf32>
      %parallel_loop3A_217 = arith.addf %parallel_loop3A_180, %parallel_loop3A_187 : vector<16xf32>
      %parallel_loop3A_218 = arith.constant 0.000000e+00 : f32
      %parallel_loop3A_219 = vector.broadcast %parallel_loop3A_218 : f32 to vector<16xf32>
      %parallel_loop3A_220 = arith.maximumf %parallel_loop3A_217, %parallel_loop3A_219 : vector<16xf32>
      %parallel_loop3A_221 = arith.addf %parallel_loop3A_181, %parallel_loop3A_188 : vector<16xf32>
      %parallel_loop3A_222 = arith.constant 0.000000e+00 : f32
      %parallel_loop3A_223 = vector.broadcast %parallel_loop3A_222 : f32 to vector<16xf32>
      %parallel_loop3A_224 = arith.maximumf %parallel_loop3A_221, %parallel_loop3A_223 : vector<16xf32>
      %parallel_loop3A_225 = arith.addf %parallel_loop3A_201, %parallel_loop3A_208 : vector<16xf32>
      %parallel_loop3A_226 = arith.constant 0.000000e+00 : f32
      %parallel_loop3A_227 = vector.broadcast %parallel_loop3A_226 : f32 to vector<16xf32>
      %parallel_loop3A_228 = arith.maximumf %parallel_loop3A_225, %parallel_loop3A_227 : vector<16xf32>
      %parallel_loop3A_229 = arith.addf %parallel_loop3A_202, %parallel_loop3A_209 : vector<16xf32>
      %parallel_loop3A_230 = arith.constant 0.000000e+00 : f32
      %parallel_loop3A_231 = vector.broadcast %parallel_loop3A_230 : f32 to vector<16xf32>
      %parallel_loop3A_232 = arith.maximumf %parallel_loop3A_229, %parallel_loop3A_231 : vector<16xf32>
      %parallel_loop3A_233 = arith.mulf %parallel_loop3A_220, %get3A_23 : vector<16xf32>
      %parallel_loop3A_234 = arith.mulf %parallel_loop3A_224, %get3A_25 : vector<16xf32>
      %parallel_loop3A_235 = arith.mulf %parallel_loop3A_228, %get3A_27 : vector<16xf32>
      %parallel_loop3A_236 = arith.mulf %parallel_loop3A_232, %get3A_29 : vector<16xf32>
      %parallel_loop3A_237 = arith.addf %parallel_loop3A_233, %parallel_loop3A_234 : vector<16xf32>
      %parallel_loop3A_238 = arith.constant true
      %parallel_loop3A_239 = vector.broadcast %parallel_loop3A_238 : i1 to vector<16xi1>
      %parallel_loop3A_240 = tpu.scan <sum>, %parallel_loop3A_237 masked %parallel_loop3A_239 : vector<16xf32>, vector<16xi1> -> vector<16xf32>
      %parallel_loop3A_241 = vector.extract %parallel_loop3A_240[15] : f32 from vector<16xf32>
      %parallel_loop3A_242 = arith.addf %parallel_loop3A_235, %parallel_loop3A_236 : vector<16xf32>
      %parallel_loop3A_243 = arith.constant true
      %parallel_loop3A_244 = vector.broadcast %parallel_loop3A_243 : i1 to vector<16xi1>
      %parallel_loop3A_245 = tpu.scan <sum>, %parallel_loop3A_242 masked %parallel_loop3A_244 : vector<16xf32>, vector<16xi1> -> vector<16xf32>
      %parallel_loop3A_246 = vector.extract %parallel_loop3A_245[15] : f32 from vector<16xf32>
      %parallel_loop3A_247 = vector.broadcast %parallel_loop3A_241 : f32 to vector<16xf32>
      %parallel_loop3A_248 = math.exp %parallel_loop3A_247 : vector<16xf32>
      %parallel_loop3A_249 = vector.broadcast %parallel_loop3A_246 : f32 to vector<16xf32>
      %parallel_loop3A_250 = math.exp %parallel_loop3A_249 : vector<16xf32>
      %parallel_loop3A_251 = arith.mulf %parallel_loop3A_194, %parallel_loop3A_248 : vector<16xf32>
      %parallel_loop3A_252 = arith.mulf %parallel_loop3A_195, %parallel_loop3A_248 : vector<16xf32>
      %parallel_loop3A_253 = tpu.pack_subelements %parallel_loop3A_251, %parallel_loop3A_252 {pack_format = #tpu.pack_format<interleaved>, positions = array<i32: 0, 1>} : vector<16xf32>, vector<16xf32> -> vector<32xbf16>
      %parallel_loop3A_254 = arith.constant 0 : i32
      %parallel_loop3A_255 = arith.index_cast %parallel_loop3A_254 : i32 to index
      %parallel_loop3A_256 = arith.index_cast %parallel_loop3A_174 : i32 to index
      %parallel_loop3A_257 = arith.constant 0 : index
      %parallel_loop3A_258 = tpu.vector_load %arg10[%parallel_loop3A_255, %parallel_loop3A_256, %parallel_loop3A_257] {strides = array<i32>} : memref<2x160x96xbf16, #tpu.memory_space<vmem>>, vector<32xbf16>,
      tpu.vector_store %arg10[%parallel_loop3A_255, %parallel_loop3A_256, %parallel_loop3A_257], %parallel_loop3A_253 {strides = array<i32>} : memref<2x160x96xbf16, #tpu.memory_space<vmem>>, vector<32xbf16>,
      %parallel_loop3A_259 = arith.mulf %parallel_loop3A_215, %parallel_loop3A_250 : vector<16xf32>
      %parallel_loop3A_260 = arith.mulf %parallel_loop3A_216, %parallel_loop3A_250 : vector<16xf32>
      %parallel_loop3A_261 = tpu.pack_subelements %parallel_loop3A_259, %parallel_loop3A_260 {pack_format = #tpu.pack_format<interleaved>, positions = array<i32: 0, 1>} : vector<16xf32>, vector<16xf32> -> vector<32xbf16>
      %parallel_loop3A_262 = arith.constant 0 : i32
      %parallel_loop3A_263 = arith.index_cast %parallel_loop3A_262 : i32 to index
      %parallel_loop3A_264 = arith.index_cast %parallel_loop3A_174 : i32 to index
      %parallel_loop3A_265 = arith.constant 32 : index
      %parallel_loop3A_266 = tpu.vector_load %arg10[%parallel_loop3A_263, %parallel_loop3A_264, %parallel_loop3A_265] {strides = array<i32>} : memref<2x160x96xbf16, #tpu.memory_space<vmem>>, vector<32xbf16>,
      tpu.vector_store %arg10[%parallel_loop3A_263, %parallel_loop3A_264, %parallel_loop3A_265], %parallel_loop3A_261 {strides = array<i32>} : memref<2x160x96xbf16, #tpu.memory_space<vmem>>, vector<32xbf16>,
      %parallel_loop3A_267 = arith.mulf %parallel_loop3A_248, %convert_element_type3A_32 : vector<16xf32>
      %parallel_loop3A_268 = arith.mulf %parallel_loop3A_250, %convert_element_type3A_37 : vector<16xf32>
      %parallel_loop3A_269 = arith.addf %parallel_loop3A_267, %parallel_loop3A_268 : vector<16xf32>
      %parallel_loop3A_270 = arith.constant 0.000000e+00 : f32
      %parallel_loop3A_271 = vector.broadcast %parallel_loop3A_270 : f32 to vector<16xf32>
      %parallel_loop3A_272 = tpu.pack_subelements %parallel_loop3A_269, %parallel_loop3A_271 {pack_format = #tpu.pack_format<interleaved>, positions = array<i32: 0, 1>} : vector<16xf32>, vector<16xf32> -> vector<32xbf16>
      %parallel_loop3A_273 = arith.constant 0 : i32
      %parallel_loop3A_274 = arith.index_cast %parallel_loop3A_273 : i32 to index
      %parallel_loop3A_275 = arith.index_cast %parallel_loop3A_174 : i32 to index
      %parallel_loop3A_276 = arith.constant 64 : index
      %parallel_loop3A_277 = tpu.vector_load %arg10[%parallel_loop3A_274, %parallel_loop3A_275, %parallel_loop3A_276] {strides = array<i32>} : memref<2x160x96xbf16, #tpu.memory_space<vmem>>, vector<32xbf16>,
      tpu.vector_store %arg10[%parallel_loop3A_274, %parallel_loop3A_275, %parallel_loop3A_276], %parallel_loop3A_272 {strides = array<i32>} : memref<2x160x96xbf16, #tpu.memory_space<vmem>>, vector<32xbf16>,
    } {sc.loop_unroll_factor = 4 : i64, sc.parallel_access}
    %dma_start3A_127 = arith.constant 0 : i32
    %dma_start3A_128 = arith.constant 124 : i32
    %dma_start3A_129 = arith.constant 0 : i32
    %dma_start3A_130 = arith.constant 0 : i32
    %dma_start3A_131 = arith.constant 0 : i32
    %dma_start3A_132 = tpu.memref_slice %arg10[%dma_start3A_127, %dma_start3A_130, %dma_start3A_131] : memref<2x160x96xbf16, #tpu.memory_space<vmem>> -> memref<1x160x96xbf16, #tpu.memory_space<vmem>>
    %dma_start3A_133 = tpu.memref_squeeze %dma_start3A_132 : memref<1x160x96xbf16, #tpu.memory_space<vmem>> -> memref<160x96xbf16, #tpu.memory_space<vmem>>
    %dma_start3A_134 = arith.constant 0 : i32
    %dma_start3A_135 = tpu.memref_slice %arg7[%dma_start3A_128, %dma_start3A_129, %dma_start3A_134] : memref<125x2x160xi32, #tpu.memory_space<vmem>> -> memref<1x1x160xi32, #tpu.memory_space<vmem>>
    %dma_start3A_136 = tpu.memref_squeeze %dma_start3A_135 : memref<1x1x160xi32, #tpu.memory_space<vmem>> -> memref<160xi32, #tpu.memory_space<vmem>>
    %dma_start3A_137 = arith.constant 0 : i32
    %dma_start3A_138 = arith.constant 0 : i32
    %dma_start3A_139 = tpu.memref_slice %arg13[%dma_start3A_137, %dma_start3A_138] : memref<10000x96xbf16, #tpu.memory_space<vmem_shared>> -> memref<10000x96xbf16, #tpu.memory_space<vmem_shared>>
    tpu.enqueue_indirect_dma source(%dma_start3A_133 : memref<160x96xbf16, #tpu.memory_space<vmem>>) target(%dma_start3A_139 : memref<10000x96xbf16, #tpu.memory_space<vmem_shared>>) offsets(%dma_start3A_136 : memref<160xi32, #tpu.memory_space<vmem>>) semaphore(%arg18 : memref<!tpu.dma_semaphore, #tpu.memory_space<semaphore_mem>>) {add = true}
    %dma_wait3A_140 = arith.constant 0 : i32
    %dma_wait3A_141 = arith.constant 124 : i32
    %dma_wait3A_142 = arith.constant 0 : i32
    %dma_wait3A_143 = arith.constant 0 : i32
    %dma_wait3A_144 = arith.constant 0 : i32
    %dma_wait3A_145 = tpu.memref_slice %arg10[%dma_wait3A_140, %dma_wait3A_143, %dma_wait3A_144] : memref<2x160x96xbf16, #tpu.memory_space<vmem>> -> memref<1x160x96xbf16, #tpu.memory_space<vmem>>
    %dma_wait3A_146 = tpu.memref_squeeze %dma_wait3A_145 : memref<1x160x96xbf16, #tpu.memory_space<vmem>> -> memref<160x96xbf16, #tpu.memory_space<vmem>>
    %dma_wait3A_147 = arith.constant 0 : i32
    %dma_wait3A_148 = tpu.memref_slice %arg7[%dma_wait3A_141, %dma_wait3A_142, %dma_wait3A_147] : memref<125x2x160xi32, #tpu.memory_space<vmem>> -> memref<1x1x160xi32, #tpu.memory_space<vmem>>
    %dma_wait3A_149 = tpu.memref_squeeze %dma_wait3A_148 : memref<1x1x160xi32, #tpu.memory_space<vmem>> -> memref<160xi32, #tpu.memory_space<vmem>>
    %dma_wait3A_150 = arith.constant 0 : i32
    %dma_wait3A_151 = arith.constant 0 : i32
    %dma_wait3A_152 = tpu.memref_slice %arg13[%dma_wait3A_150, %dma_wait3A_151] : memref<10000x96xbf16, #tpu.memory_space<vmem_shared>> -> memref<10000x96xbf16, #tpu.memory_space<vmem_shared>>
    tpu.wait_indirect_dma semaphore(%arg18 : memref<!tpu.dma_semaphore, #tpu.memory_space<semaphore_mem>>) src(%dma_wait3A_146 : memref<160x96xbf16, #tpu.memory_space<vmem>>) dst(%dma_wait3A_152 : memref<10000x96xbf16, #tpu.memory_space<vmem_shared>>)
    %barrier3A_153 = arith.constant 0 : index
    tpu.barrier barrier_id(%barrier3A_153)
    %mul3A_154 = arith.constant 625 : i32
    %mul3A_155 = arith.muli %arg1, %mul3A_154 : i32
    %add3A_156 = arith.constant 0 : i32
    %add3A_157 = arith.addi %mul3A_155, %add3A_156 : i32
    "tpu.region"() ({
      %run_scoped3A = tpu.sem_alloc : memref<!tpu.dma_semaphore, #tpu.memory_space<semaphore_mem>>
      %dma_start3A_174 = arith.constant 0 : i32
      %dma_start3A_175 = tpu.memref_slice %arg6[%arg0, %add3A_157, %dma_start3A_174] : memref<2x10000x96xbf16, #tpu.memory_space<hbm>> -> memref<1x125x96xbf16, #tpu.memory_space<hbm>>
      %dma_start3A_176 = tpu.memref_squeeze %dma_start3A_175 : memref<1x125x96xbf16, #tpu.memory_space<hbm>> -> memref<125x96xbf16, #tpu.memory_space<hbm>>
      %dma_start3A_177 = arith.constant 0 : i32
      %dma_start3A_178 = tpu.memref_slice %arg13[%add3A_157, %dma_start3A_177] : memref<10000x96xbf16, #tpu.memory_space<vmem_shared>> -> memref<125x96xbf16, #tpu.memory_space<vmem_shared>>
      tpu.enqueue_dma source(%dma_start3A_178 : memref<125x96xbf16, #tpu.memory_space<vmem_shared>>) target(%dma_start3A_176 : memref<125x96xbf16, #tpu.memory_space<hbm>>) target_semaphore(%run_scoped3A : memref<!tpu.dma_semaphore, #tpu.memory_space<semaphore_mem>>)
      %dma_wait3A_179 = arith.constant 0 : i32
      %dma_wait3A_180 = tpu.memref_slice %arg6[%arg0, %add3A_157, %dma_wait3A_179] : memref<2x10000x96xbf16, #tpu.memory_space<hbm>> -> memref<1x125x96xbf16, #tpu.memory_space<hbm>>
      %dma_wait3A_181 = tpu.memref_squeeze %dma_wait3A_180 : memref<1x125x96xbf16, #tpu.memory_space<hbm>> -> memref<125x96xbf16, #tpu.memory_space<hbm>>
      %dma_wait3A_182 = arith.constant 0 : i32
      %dma_wait3A_183 = tpu.memref_slice %arg13[%add3A_157, %dma_wait3A_182] : memref<10000x96xbf16, #tpu.memory_space<vmem_shared>> -> memref<125x96xbf16, #tpu.memory_space<vmem_shared>>
      tpu.wait_dma2 semaphore(%run_scoped3A : memref<!tpu.dma_semaphore, #tpu.memory_space<semaphore_mem>>) src(%dma_wait3A_183 : memref<125x96xbf16, #tpu.memory_space<vmem_shared>>) dst(%dma_wait3A_181 : memref<125x96xbf16, #tpu.memory_space<hbm>>)
      tpu.yield
    }) : () -> ()
    %mul3A_158 = arith.constant 625 : i32
    %mul3A_159 = arith.muli %arg1, %mul3A_158 : i32
    %add3A_160 = arith.constant 125 : i32
    %add3A_161 = arith.addi %mul3A_159, %add3A_160 : i32
    "tpu.region"() ({
      %run_scoped3A = tpu.sem_alloc : memref<!tpu.dma_semaphore, #tpu.memory_space<semaphore_mem>>
      %dma_start3A_174 = arith.constant 0 : i32
      %dma_start3A_175 = tpu.memref_slice %arg6[%arg0, %add3A_161, %dma_start3A_174] : memref<2x10000x96xbf16, #tpu.memory_space<hbm>> -> memref<1x125x96xbf16, #tpu.memory_space<hbm>>
      %dma_start3A_176 = tpu.memref_squeeze %dma_start3A_175 : memref<1x125x96xbf16, #tpu.memory_space<hbm>> -> memref<125x96xbf16, #tpu.memory_space<hbm>>
      %dma_start3A_177 = arith.constant 0 : i32
      %dma_start3A_178 = tpu.memref_slice %arg13[%add3A_161, %dma_start3A_177] : memref<10000x96xbf16, #tpu.memory_space<vmem_shared>> -> memref<125x96xbf16, #tpu.memory_space<vmem_shared>>
      tpu.enqueue_dma source(%dma_start3A_178 : memref<125x96xbf16, #tpu.memory_space<vmem_shared>>) target(%dma_start3A_176 : memref<125x96xbf16, #tpu.memory_space<hbm>>) target_semaphore(%run_scoped3A : memref<!tpu.dma_semaphore, #tpu.memory_space<semaphore_mem>>)
      %dma_wait3A_179 = arith.constant 0 : i32
      %dma_wait3A_180 = tpu.memref_slice %arg6[%arg0, %add3A_161, %dma_wait3A_179] : memref<2x10000x96xbf16, #tpu.memory_space<hbm>> -> memref<1x125x96xbf16, #tpu.memory_space<hbm>>
      %dma_wait3A_181 = tpu.memref_squeeze %dma_wait3A_180 : memref<1x125x96xbf16, #tpu.memory_space<hbm>> -> memref<125x96xbf16, #tpu.memory_space<hbm>>
      %dma_wait3A_182 = arith.constant 0 : i32
      %dma_wait3A_183 = tpu.memref_slice %arg13[%add3A_161, %dma_wait3A_182] : memref<10000x96xbf16, #tpu.memory_space<vmem_shared>> -> memref<125x96xbf16, #tpu.memory_space<vmem_shared>>
      tpu.wait_dma2 semaphore(%run_scoped3A : memref<!tpu.dma_semaphore, #tpu.memory_space<semaphore_mem>>) src(%dma_wait3A_183 : memref<125x96xbf16, #tpu.memory_space<vmem_shared>>) dst(%dma_wait3A_181 : memref<125x96xbf16, #tpu.memory_space<hbm>>)
      tpu.yield
    }) : () -> ()
    %mul3A_162 = arith.constant 625 : i32
    %mul3A_163 = arith.muli %arg1, %mul3A_162 : i32
    %add3A_164 = arith.constant 250 : i32
    %add3A_165 = arith.addi %mul3A_163, %add3A_164 : i32
    "tpu.region"() ({
      %run_scoped3A = tpu.sem_alloc : memref<!tpu.dma_semaphore, #tpu.memory_space<semaphore_mem>>
      %dma_start3A_174 = arith.constant 0 : i32
      %dma_start3A_175 = tpu.memref_slice %arg6[%arg0, %add3A_165, %dma_start3A_174] : memref<2x10000x96xbf16, #tpu.memory_space<hbm>> -> memref<1x125x96xbf16, #tpu.memory_space<hbm>>
      %dma_start3A_176 = tpu.memref_squeeze %dma_start3A_175 : memref<1x125x96xbf16, #tpu.memory_space<hbm>> -> memref<125x96xbf16, #tpu.memory_space<hbm>>
      %dma_start3A_177 = arith.constant 0 : i32
      %dma_start3A_178 = tpu.memref_slice %arg13[%add3A_165, %dma_start3A_177] : memref<10000x96xbf16, #tpu.memory_space<vmem_shared>> -> memref<125x96xbf16, #tpu.memory_space<vmem_shared>>
      tpu.enqueue_dma source(%dma_start3A_178 : memref<125x96xbf16, #tpu.memory_space<vmem_shared>>) target(%dma_start3A_176 : memref<125x96xbf16, #tpu.memory_space<hbm>>) target_semaphore(%run_scoped3A : memref<!tpu.dma_semaphore, #tpu.memory_space<semaphore_mem>>)
      %dma_wait3A_179 = arith.constant 0 : i32
      %dma_wait3A_180 = tpu.memref_slice %arg6[%arg0, %add3A_165, %dma_wait3A_179] : memref<2x10000x96xbf16, #tpu.memory_space<hbm>> -> memref<1x125x96xbf16, #tpu.memory_space<hbm>>
      %dma_wait3A_181 = tpu.memref_squeeze %dma_wait3A_180 : memref<1x125x96xbf16, #tpu.memory_space<hbm>> -> memref<125x96xbf16, #tpu.memory_space<hbm>>
      %dma_wait3A_182 = arith.constant 0 : i32
      %dma_wait3A_183 = tpu.memref_slice %arg13[%add3A_165, %dma_wait3A_182] : memref<10000x96xbf16, #tpu.memory_space<vmem_shared>> -> memref<125x96xbf16, #tpu.memory_space<vmem_shared>>
      tpu.wait_dma2 semaphore(%run_scoped3A : memref<!tpu.dma_semaphore, #tpu.memory_space<semaphore_mem>>) src(%dma_wait3A_183 : memref<125x96xbf16, #tpu.memory_space<vmem_shared>>) dst(%dma_wait3A_181 : memref<125x96xbf16, #tpu.memory_space<hbm>>)
      tpu.yield
    }) : () -> ()
    %mul3A_166 = arith.constant 625 : i32
    %mul3A_167 = arith.muli %arg1, %mul3A_166 : i32
    %add3A_168 = arith.constant 375 : i32
    %add3A_169 = arith.addi %mul3A_167, %add3A_168 : i32
    "tpu.region"() ({
      %run_scoped3A = tpu.sem_alloc : memref<!tpu.dma_semaphore, #tpu.memory_space<semaphore_mem>>
      %dma_start3A_174 = arith.constant 0 : i32
      %dma_start3A_175 = tpu.memref_slice %arg6[%arg0, %add3A_169, %dma_start3A_174] : memref<2x10000x96xbf16, #tpu.memory_space<hbm>> -> memref<1x125x96xbf16, #tpu.memory_space<hbm>>
      %dma_start3A_176 = tpu.memref_squeeze %dma_start3A_175 : memref<1x125x96xbf16, #tpu.memory_space<hbm>> -> memref<125x96xbf16, #tpu.memory_space<hbm>>
      %dma_start3A_177 = arith.constant 0 : i32
      %dma_start3A_178 = tpu.memref_slice %arg13[%add3A_169, %dma_start3A_177] : memref<10000x96xbf16, #tpu.memory_space<vmem_shared>> -> memref<125x96xbf16, #tpu.memory_space<vmem_shared>>
      tpu.enqueue_dma source(%dma_start3A_178 : memref<125x96xbf16, #tpu.memory_space<vmem_shared>>) target(%dma_start3A_176 : memref<125x96xbf16, #tpu.memory_space<hbm>>) target_semaphore(%run_scoped3A : memref<!tpu.dma_semaphore, #tpu.memory_space<semaphore_mem>>)
      %dma_wait3A_179 = arith.constant 0 : i32
      %dma_wait3A_180 = tpu.memref_slice %arg6[%arg0, %add3A_169, %dma_wait3A_179] : memref<2x10000x96xbf16, #tpu.memory_space<hbm>> -> memref<1x125x96xbf16, #tpu.memory_space<hbm>>
      %dma_wait3A_181 = tpu.memref_squeeze %dma_wait3A_180 : memref<1x125x96xbf16, #tpu.memory_space<hbm>> -> memref<125x96xbf16, #tpu.memory_space<hbm>>
      %dma_wait3A_182 = arith.constant 0 : i32
      %dma_wait3A_183 = tpu.memref_slice %arg13[%add3A_169, %dma_wait3A_182] : memref<10000x96xbf16, #tpu.memory_space<vmem_shared>> -> memref<125x96xbf16, #tpu.memory_space<vmem_shared>>
      tpu.wait_dma2 semaphore(%run_scoped3A : memref<!tpu.dma_semaphore, #tpu.memory_space<semaphore_mem>>) src(%dma_wait3A_183 : memref<125x96xbf16, #tpu.memory_space<vmem_shared>>) dst(%dma_wait3A_181 : memref<125x96xbf16, #tpu.memory_space<hbm>>)
      tpu.yield
    }) : () -> ()
    %mul3A_170 = arith.constant 625 : i32
    %mul3A_171 = arith.muli %arg1, %mul3A_170 : i32
    %add3A_172 = arith.constant 500 : i32
    %add3A_173 = arith.addi %mul3A_171, %add3A_172 : i32
    "tpu.region"() ({
      %run_scoped3A = tpu.sem_alloc : memref<!tpu.dma_semaphore, #tpu.memory_space<semaphore_mem>>
      %dma_start3A_174 = arith.constant 0 : i32
      %dma_start3A_175 = tpu.memref_slice %arg6[%arg0, %add3A_173, %dma_start3A_174] : memref<2x10000x96xbf16, #tpu.memory_space<hbm>> -> memref<1x125x96xbf16, #tpu.memory_space<hbm>>
      %dma_start3A_176 = tpu.memref_squeeze %dma_start3A_175 : memref<1x125x96xbf16, #tpu.memory_space<hbm>> -> memref<125x96xbf16, #tpu.memory_space<hbm>>
      %dma_start3A_177 = arith.constant 0 : i32
      %dma_start3A_178 = tpu.memref_slice %arg13[%add3A_173, %dma_start3A_177] : memref<10000x96xbf16, #tpu.memory_space<vmem_shared>> -> memref<125x96xbf16, #tpu.memory_space<vmem_shared>>
      tpu.enqueue_dma source(%dma_start3A_178 : memref<125x96xbf16, #tpu.memory_space<vmem_shared>>) target(%dma_start3A_176 : memref<125x96xbf16, #tpu.memory_space<hbm>>) target_semaphore(%run_scoped3A : memref<!tpu.dma_semaphore, #tpu.memory_space<semaphore_mem>>)
      %dma_wait3A_179 = arith.constant 0 : i32
      %dma_wait3A_180 = tpu.memref_slice %arg6[%arg0, %add3A_173, %dma_wait3A_179] : memref<2x10000x96xbf16, #tpu.memory_space<hbm>> -> memref<1x125x96xbf16, #tpu.memory_space<hbm>>
      %dma_wait3A_181 = tpu.memref_squeeze %dma_wait3A_180 : memref<1x125x96xbf16, #tpu.memory_space<hbm>> -> memref<125x96xbf16, #tpu.memory_space<hbm>>
      %dma_wait3A_182 = arith.constant 0 : i32
      %dma_wait3A_183 = tpu.memref_slice %arg13[%add3A_173, %dma_wait3A_182] : memref<10000x96xbf16, #tpu.memory_space<vmem_shared>> -> memref<125x96xbf16, #tpu.memory_space<vmem_shared>>
      tpu.wait_dma2 semaphore(%run_scoped3A : memref<!tpu.dma_semaphore, #tpu.memory_space<semaphore_mem>>) src(%dma_wait3A_183 : memref<125x96xbf16, #tpu.memory_space<vmem_shared>>) dst(%dma_wait3A_181 : memref<125x96xbf16, #tpu.memory_space<hbm>>)
      tpu.yield
    }) : () -> ()
    return
  }
}

module attributes {stable_mosaic.version = 14 : i64} {
  func.func @_tc1_body(%arg0: i32, %arg1: memref<2000x128xf32, #tpu.memory_space<vmem>>, %arg2: memref<128x512xf32, #tpu.memory_space<vmem>>, %arg3: memref<1x512xf32, #tpu.memory_space<vmem>>, %arg4: memref<1x128xf32, #tpu.memory_space<vmem>>, %arg5: memref<1x128xf32, #tpu.memory_space<vmem>>, %arg6: memref<2x2000x64xbf16, #tpu.memory_space<vmem>>, %arg7: memref<2x2000x128xbf16, #tpu.memory_space<vmem>>, %arg8: memref<2000x128xf32, #tpu.memory_space<vmem>>) attributes {dimension_semantics = [#tpu.dimension_semantics<arbitrary>], iteration_bounds = array<i64: 5>, scalar_prefetch = 0 : i64, scratch_operands = 0 : i64, tpu.core_type = #tpu.core_type<tc>, window_params = [{transform_indices = @transform_0, window_bounds = array<i64: 2000, 128>}, {pipeline_mode = #tpu.pipeline_mode<synchronous>, transform_indices = @transform_1, window_bounds = array<i64: 128, 512>}, {pipeline_mode = #tpu.pipeline_mode<synchronous>, transform_indices = @transform_2, window_bounds = array<i64: 1, 512>}, {pipeline_mode = #tpu.pipeline_mode<synchronous>, transform_indices = @transform_3, window_bounds = array<i64: 1, 128>}, {pipeline_mode = #tpu.pipeline_mode<synchronous>, transform_indices = @transform_4, window_bounds = array<i64: 1, 128>}, {transform_indices = @transform_5, window_bounds = array<i64: 2, 2000, 64>}, {transform_indices = @transform_6, window_bounds = array<i64: 2, 2000, 128>}, {transform_indices = @transform_7, window_bounds = array<i64: 2000, 128>}]} {
    %get3A = arith.constant 0 : index
    %get3A_0 = arith.constant 0 : index
    %get3A_1 = vector.load %arg1[%get3A, %get3A_0] : memref<2000x128xf32, #tpu.memory_space<vmem>>, vector<2000x128xf32>
    %get3A_2 = arith.constant 0 : index
    %get3A_3 = arith.constant 0 : index
    %get3A_4 = vector.load %arg2[%get3A_2, %get3A_3] : memref<128x512xf32, #tpu.memory_space<vmem>>, vector<128x512xf32>
    %dot_general3A = arith.constant dense<0.000000e+00> : vector<2000x512xf32>
    %dot_general3A_5 = tpu.matmul %get3A_1, %get3A_4, %dot_general3A {dimension_numbers = #tpu.dot_dimension_numbers<[1], [0], [0], [1], [0, 0, 1, 1], [], []>, transpose_lhs_hint = false} : vector<2000x128xf32>, vector<128x512xf32>, vector<2000x512xf32> -> vector<2000x512xf32>
    %get3A_6 = arith.constant 0 : index
    %get3A_7 = arith.constant 0 : index
    %get3A_8 = vector.load %arg3[%get3A_6, %get3A_7] : memref<1x512xf32, #tpu.memory_space<vmem>>, vector<1x512xf32>
    %add3A = vector.broadcast %get3A_8 : vector<1x512xf32> to vector<2000x512xf32>
    %add3A_9 = arith.addf %dot_general3A_5, %add3A : vector<2000x512xf32>
    %slice3A = vector.extract_strided_slice %add3A_9 {offsets = [0, 0], sizes = [2000, 128], strides = [1, 1]} : vector<2000x512xf32> to vector<2000x128xf32>
    %slice3A_10 = vector.extract_strided_slice %add3A_9 {offsets = [0, 128], sizes = [2000, 128], strides = [1, 1]} : vector<2000x512xf32> to vector<2000x128xf32>
    %slice3A_11 = vector.extract_strided_slice %add3A_9 {offsets = [0, 256], sizes = [2000, 128], strides = [1, 1]} : vector<2000x512xf32> to vector<2000x128xf32>
    %slice3A_12 = vector.extract_strided_slice %add3A_9 {offsets = [0, 384], sizes = [2000, 128], strides = [1, 1]} : vector<2000x512xf32> to vector<2000x128xf32>
    %max3A = arith.constant 0.000000e+00 : f32
    %max3A_13 = vector.broadcast %max3A : f32 to vector<2000x128xf32>
    %max3A_14 = arith.maximumf %slice3A_12, %max3A_13 : vector<2000x128xf32>
    %get3A_15 = arith.constant 0 : index
    %get3A_16 = arith.constant 0 : index
    %get3A_17 = vector.load %arg4[%get3A_15, %get3A_16] : memref<1x128xf32, #tpu.memory_space<vmem>>, vector<1x128xf32>
    %mul3A = vector.broadcast %get3A_17 : vector<1x128xf32> to vector<2000x128xf32>
    %mul3A_18 = arith.mulf %max3A_14, %mul3A : vector<2000x128xf32>
    %get3A_19 = arith.constant 0 : index
    %get3A_20 = arith.constant 0 : index
    %get3A_21 = vector.load %arg5[%get3A_19, %get3A_20] : memref<1x128xf32, #tpu.memory_space<vmem>>, vector<1x128xf32>
    %add3A_22 = vector.broadcast %get3A_21 : vector<1x128xf32> to vector<2000x128xf32>
    %add3A_23 = arith.addf %mul3A_18, %add3A_22 : vector<2000x128xf32>
    %swap3A = arith.constant 0 : index
    %swap3A_24 = arith.constant 0 : index
    %swap3A_25 = vector.load %arg8[%swap3A, %swap3A_24] : memref<2000x128xf32, #tpu.memory_space<vmem>>, vector<2000x128xf32>
    tpu.vector_store %arg8[%swap3A, %swap3A_24], %add3A_23 {strides = array<i32>} : memref<2000x128xf32, #tpu.memory_space<vmem>>, vector<2000x128xf32>,
    %slice3A_26 = vector.extract_strided_slice %slice3A_11 {offsets = [0, 0], sizes = [2000, 64], strides = [1, 1]} : vector<2000x128xf32> to vector<2000x64xf32>
    %convert_element_type3A = arith.truncf %slice3A_26 : vector<2000x64xf32> to vector<2000x64xbf16>
    %swap3A_27 = arith.constant 0 : index
    %swap3A_28 = arith.constant 0 : index
    %swap3A_29 = arith.constant 0 : index
    %swap3A_30 = vector.load %arg6[%swap3A_27, %swap3A_28, %swap3A_29] : memref<2x2000x64xbf16, #tpu.memory_space<vmem>>, vector<1x2000x64xbf16>
    %swap3A_31 = vector.shape_cast %swap3A_30 : vector<1x2000x64xbf16> to vector<2000x64xbf16>
    %swap3A_32 = vector.shape_cast %convert_element_type3A : vector<2000x64xbf16> to vector<1x2000x64xbf16>
    tpu.vector_store %arg6[%swap3A_27, %swap3A_28, %swap3A_29], %swap3A_32 {strides = array<i32>} : memref<2x2000x64xbf16, #tpu.memory_space<vmem>>, vector<1x2000x64xbf16>,
    %slice3A_33 = vector.extract_strided_slice %slice3A_10 {offsets = [0, 0], sizes = [2000, 64], strides = [1, 1]} : vector<2000x128xf32> to vector<2000x64xf32>
    %convert_element_type3A_34 = arith.truncf %slice3A_33 : vector<2000x64xf32> to vector<2000x64xbf16>
    %swap3A_35 = arith.constant 0 : index
    %swap3A_36 = arith.constant 0 : index
    %swap3A_37 = arith.constant 0 : index
    %swap3A_38 = vector.load %arg7[%swap3A_35, %swap3A_36, %swap3A_37] : memref<2x2000x128xbf16, #tpu.memory_space<vmem>>, vector<1x2000x64xbf16>
    %swap3A_39 = vector.shape_cast %swap3A_38 : vector<1x2000x64xbf16> to vector<2000x64xbf16>
    %swap3A_40 = vector.shape_cast %convert_element_type3A_34 : vector<2000x64xbf16> to vector<1x2000x64xbf16>
    tpu.vector_store %arg7[%swap3A_35, %swap3A_36, %swap3A_37], %swap3A_40 {strides = array<i32>} : memref<2x2000x128xbf16, #tpu.memory_space<vmem>>, vector<1x2000x64xbf16>,
    %slice3A_41 = vector.extract_strided_slice %slice3A {offsets = [0, 0], sizes = [2000, 64], strides = [1, 1]} : vector<2000x128xf32> to vector<2000x64xf32>
    %convert_element_type3A_42 = arith.truncf %slice3A_41 : vector<2000x64xf32> to vector<2000x64xbf16>
    %swap3A_43 = arith.constant 0 : index
    %swap3A_44 = arith.constant 0 : index
    %swap3A_45 = arith.constant 64 : index
    %swap3A_46 = vector.load %arg7[%swap3A_43, %swap3A_44, %swap3A_45] : memref<2x2000x128xbf16, #tpu.memory_space<vmem>>, vector<1x2000x64xbf16>
    %swap3A_47 = vector.shape_cast %swap3A_46 : vector<1x2000x64xbf16> to vector<2000x64xbf16>
    %swap3A_48 = vector.shape_cast %convert_element_type3A_42 : vector<2000x64xbf16> to vector<1x2000x64xbf16>
    tpu.vector_store %arg7[%swap3A_43, %swap3A_44, %swap3A_45], %swap3A_48 {strides = array<i32>} : memref<2x2000x128xbf16, #tpu.memory_space<vmem>>, vector<1x2000x64xbf16>,
    %slice3A_49 = vector.extract_strided_slice %slice3A_11 {offsets = [0, 64], sizes = [2000, 64], strides = [1, 1]} : vector<2000x128xf32> to vector<2000x64xf32>
    %convert_element_type3A_50 = arith.truncf %slice3A_49 : vector<2000x64xf32> to vector<2000x64xbf16>
    %swap3A_51 = arith.constant 1 : index
    %swap3A_52 = arith.constant 0 : index
    %swap3A_53 = arith.constant 0 : index
    %swap3A_54 = vector.load %arg6[%swap3A_51, %swap3A_52, %swap3A_53] : memref<2x2000x64xbf16, #tpu.memory_space<vmem>>, vector<1x2000x64xbf16>
    %swap3A_55 = vector.shape_cast %swap3A_54 : vector<1x2000x64xbf16> to vector<2000x64xbf16>
    %swap3A_56 = vector.shape_cast %convert_element_type3A_50 : vector<2000x64xbf16> to vector<1x2000x64xbf16>
    tpu.vector_store %arg6[%swap3A_51, %swap3A_52, %swap3A_53], %swap3A_56 {strides = array<i32>} : memref<2x2000x64xbf16, #tpu.memory_space<vmem>>, vector<1x2000x64xbf16>,
    %slice3A_57 = vector.extract_strided_slice %slice3A_10 {offsets = [0, 64], sizes = [2000, 64], strides = [1, 1]} : vector<2000x128xf32> to vector<2000x64xf32>
    %convert_element_type3A_58 = arith.truncf %slice3A_57 : vector<2000x64xf32> to vector<2000x64xbf16>
    %swap3A_59 = arith.constant 1 : index
    %swap3A_60 = arith.constant 0 : index
    %swap3A_61 = arith.constant 0 : index
    %swap3A_62 = vector.load %arg7[%swap3A_59, %swap3A_60, %swap3A_61] : memref<2x2000x128xbf16, #tpu.memory_space<vmem>>, vector<1x2000x64xbf16>
    %swap3A_63 = vector.shape_cast %swap3A_62 : vector<1x2000x64xbf16> to vector<2000x64xbf16>
    %swap3A_64 = vector.shape_cast %convert_element_type3A_58 : vector<2000x64xbf16> to vector<1x2000x64xbf16>
    tpu.vector_store %arg7[%swap3A_59, %swap3A_60, %swap3A_61], %swap3A_64 {strides = array<i32>} : memref<2x2000x128xbf16, #tpu.memory_space<vmem>>, vector<1x2000x64xbf16>,
    %slice3A_65 = vector.extract_strided_slice %slice3A {offsets = [0, 64], sizes = [2000, 64], strides = [1, 1]} : vector<2000x128xf32> to vector<2000x64xf32>
    %convert_element_type3A_66 = arith.truncf %slice3A_65 : vector<2000x64xf32> to vector<2000x64xbf16>
    %swap3A_67 = arith.constant 1 : index
    %swap3A_68 = arith.constant 0 : index
    %swap3A_69 = arith.constant 64 : index
    %swap3A_70 = vector.load %arg7[%swap3A_67, %swap3A_68, %swap3A_69] : memref<2x2000x128xbf16, #tpu.memory_space<vmem>>, vector<1x2000x64xbf16>
    %swap3A_71 = vector.shape_cast %swap3A_70 : vector<1x2000x64xbf16> to vector<2000x64xbf16>
    %swap3A_72 = vector.shape_cast %convert_element_type3A_66 : vector<2000x64xbf16> to vector<1x2000x64xbf16>
    tpu.vector_store %arg7[%swap3A_67, %swap3A_68, %swap3A_69], %swap3A_72 {strides = array<i32>} : memref<2x2000x128xbf16, #tpu.memory_space<vmem>>, vector<1x2000x64xbf16>,
    return
  }
  func.func @transform_0(%arg0: i32) -> (i32, i32) {
    %c0_i32 = arith.constant 0 : i32
    %c0_i32_0 = arith.constant 0 : i32
    return %arg0, %c0_i32 : i32, i32
  }
  func.func @transform_1(%arg0: i32) -> (i32, i32) {
    %c0_i32 = arith.constant 0 : i32
    %c0_i32_0 = arith.constant 0 : i32
    %c0_i32_1 = arith.constant 0 : i32
    return %c0_i32, %c0_i32_0 : i32, i32
  }
  func.func @transform_2(%arg0: i32) -> (i32, i32) {
    %c0_i32 = arith.constant 0 : i32
    %c0_i32_0 = arith.constant 0 : i32
    %c0_i32_1 = arith.constant 0 : i32
    return %c0_i32, %c0_i32_0 : i32, i32
  }
  func.func @transform_3(%arg0: i32) -> (i32, i32) {
    %c0_i32 = arith.constant 0 : i32
    %c0_i32_0 = arith.constant 0 : i32
    %c0_i32_1 = arith.constant 0 : i32
    return %c0_i32, %c0_i32_0 : i32, i32
  }
  func.func @transform_4(%arg0: i32) -> (i32, i32) {
    %c0_i32 = arith.constant 0 : i32
    %c0_i32_0 = arith.constant 0 : i32
    %c0_i32_1 = arith.constant 0 : i32
    return %c0_i32, %c0_i32_0 : i32, i32
  }
  func.func @transform_5(%arg0: i32) -> (i32, i32, i32) {
    %c0_i32 = arith.constant 0 : i32
    %c0_i32_0 = arith.constant 0 : i32
    %c0_i32_1 = arith.constant 0 : i32
    return %c0_i32, %arg0, %c0_i32_0 : i32, i32, i32
  }
  func.func @transform_6(%arg0: i32) -> (i32, i32, i32) {
    %c0_i32 = arith.constant 0 : i32
    %c0_i32_0 = arith.constant 0 : i32
    %c0_i32_1 = arith.constant 0 : i32
    return %c0_i32, %arg0, %c0_i32_0 : i32, i32, i32
  }
  func.func @transform_7(%arg0: i32) -> (i32, i32) {
    %c0_i32 = arith.constant 0 : i32
    %c0_i32_0 = arith.constant 0 : i32
    return %arg0, %c0_i32 : i32, i32
  }
}

module attributes {stable_mosaic.version = 14 : i64} {
  func.func @_tc2_body(%arg0: i32, %arg1: memref<2x2000x96xbf16, #tpu.memory_space<vmem>>, %arg2: memref<2000x128xf32, #tpu.memory_space<vmem>>, %arg3: memref<2000x128xf32, #tpu.memory_space<vmem>>) attributes {dimension_semantics = [#tpu.dimension_semantics<arbitrary>], iteration_bounds = array<i64: 5>, scalar_prefetch = 0 : i64, scratch_operands = 0 : i64, tpu.core_type = #tpu.core_type<tc>, window_params = [{transform_indices = @transform_0, window_bounds = array<i64: 2, 2000, 96>}, {transform_indices = @transform_1, window_bounds = array<i64: 2000, 128>}, {transform_indices = @transform_2, window_bounds = array<i64: 2000, 128>}]} {
    %get3A = arith.constant 0 : index
    %get3A_0 = arith.constant 0 : index
    %get3A_1 = arith.constant 64 : index
    %get3A_2 = vector.load %arg1[%get3A, %get3A_0, %get3A_1] : memref<2x2000x96xbf16, #tpu.memory_space<vmem>>, vector<1x2000x1xbf16>
    %get3A_3 = vector.shape_cast %get3A_2 : vector<1x2000x1xbf16> to vector<2000x1xbf16>
    %convert_element_type3A = arith.extf %get3A_3 : vector<2000x1xbf16> to vector<2000x1xf32>
    %get3A_4 = arith.constant 0 : index
    %get3A_5 = arith.constant 0 : index
    %get3A_6 = arith.constant 0 : index
    %get3A_7 = vector.load %arg1[%get3A_4, %get3A_5, %get3A_6] : memref<2x2000x96xbf16, #tpu.memory_space<vmem>>, vector<1x2000x32xbf16>
    %get3A_8 = vector.shape_cast %get3A_7 : vector<1x2000x32xbf16> to vector<2000x32xbf16>
    %convert_element_type3A_9 = arith.extf %get3A_8 : vector<2000x32xbf16> to vector<2000x32xf32>
    %add3A = arith.constant 9.99999971E-10 : f32
    %add3A_10 = vector.broadcast %add3A : f32 to vector<2000x1xf32>
    %add3A_11 = arith.addf %convert_element_type3A, %add3A_10 : vector<2000x1xf32>
    %div3A = vector.broadcast %add3A_11 : vector<2000x1xf32> to vector<2000x32xf32>
    %div3A_12 = arith.divf %convert_element_type3A_9, %div3A : vector<2000x32xf32>
    %max3A = arith.constant 0.000000e+00 : f32
    %max3A_13 = vector.broadcast %max3A : f32 to vector<2000x32xf32>
    %max3A_14 = arith.maximumf %div3A_12, %max3A_13 : vector<2000x32xf32>
    %get3A_15 = arith.constant 0 : index
    %get3A_16 = arith.constant 0 : index
    %get3A_17 = vector.load %arg2[%get3A_15, %get3A_16] : memref<2000x128xf32, #tpu.memory_space<vmem>>, vector<2000x32xf32>
    %add3A_18 = arith.addf %get3A_17, %max3A_14 : vector<2000x32xf32>
    %swap3A = arith.constant 0 : index
    %swap3A_19 = arith.constant 0 : index
    %swap3A_20 = vector.load %arg3[%swap3A, %swap3A_19] : memref<2000x128xf32, #tpu.memory_space<vmem>>, vector<2000x32xf32>
    tpu.vector_store %arg3[%swap3A, %swap3A_19], %add3A_18 {strides = array<i32>} : memref<2000x128xf32, #tpu.memory_space<vmem>>, vector<2000x32xf32>,
    %get3A_21 = arith.constant 0 : index
    %get3A_22 = arith.constant 0 : index
    %get3A_23 = arith.constant 66 : index
    %get3A_24 = vector.load %arg1[%get3A_21, %get3A_22, %get3A_23] : memref<2x2000x96xbf16, #tpu.memory_space<vmem>>, vector<1x2000x1xbf16>
    %get3A_25 = vector.shape_cast %get3A_24 : vector<1x2000x1xbf16> to vector<2000x1xbf16>
    %convert_element_type3A_26 = arith.extf %get3A_25 : vector<2000x1xbf16> to vector<2000x1xf32>
    %get3A_27 = arith.constant 0 : index
    %get3A_28 = arith.constant 0 : index
    %get3A_29 = arith.constant 32 : index
    %get3A_30 = vector.load %arg1[%get3A_27, %get3A_28, %get3A_29] : memref<2x2000x96xbf16, #tpu.memory_space<vmem>>, vector<1x2000x32xbf16>
    %get3A_31 = vector.shape_cast %get3A_30 : vector<1x2000x32xbf16> to vector<2000x32xbf16>
    %convert_element_type3A_32 = arith.extf %get3A_31 : vector<2000x32xbf16> to vector<2000x32xf32>
    %add3A_33 = arith.constant 9.99999971E-10 : f32
    %add3A_34 = vector.broadcast %add3A_33 : f32 to vector<2000x1xf32>
    %add3A_35 = arith.addf %convert_element_type3A_26, %add3A_34 : vector<2000x1xf32>
    %div3A_36 = vector.broadcast %add3A_35 : vector<2000x1xf32> to vector<2000x32xf32>
    %div3A_37 = arith.divf %convert_element_type3A_32, %div3A_36 : vector<2000x32xf32>
    %max3A_38 = arith.constant 0.000000e+00 : f32
    %max3A_39 = vector.broadcast %max3A_38 : f32 to vector<2000x32xf32>
    %max3A_40 = arith.maximumf %div3A_37, %max3A_39 : vector<2000x32xf32>
    %get3A_41 = arith.constant 0 : index
    %get3A_42 = arith.constant 32 : index
    %get3A_43 = vector.load %arg2[%get3A_41, %get3A_42] : memref<2000x128xf32, #tpu.memory_space<vmem>>, vector<2000x32xf32>
    %add3A_44 = arith.addf %get3A_43, %max3A_40 : vector<2000x32xf32>
    %swap3A_45 = arith.constant 0 : index
    %swap3A_46 = arith.constant 32 : index
    %swap3A_47 = vector.load %arg3[%swap3A_45, %swap3A_46] : memref<2000x128xf32, #tpu.memory_space<vmem>>, vector<2000x32xf32>
    tpu.vector_store %arg3[%swap3A_45, %swap3A_46], %add3A_44 {strides = array<i32>} : memref<2000x128xf32, #tpu.memory_space<vmem>>, vector<2000x32xf32>,
    %get3A_48 = arith.constant 1 : index
    %get3A_49 = arith.constant 0 : index
    %get3A_50 = arith.constant 64 : index
    %get3A_51 = vector.load %arg1[%get3A_48, %get3A_49, %get3A_50] : memref<2x2000x96xbf16, #tpu.memory_space<vmem>>, vector<1x2000x1xbf16>
    %get3A_52 = vector.shape_cast %get3A_51 : vector<1x2000x1xbf16> to vector<2000x1xbf16>
    %convert_element_type3A_53 = arith.extf %get3A_52 : vector<2000x1xbf16> to vector<2000x1xf32>
    %get3A_54 = arith.constant 1 : index
    %get3A_55 = arith.constant 0 : index
    %get3A_56 = arith.constant 0 : index
    %get3A_57 = vector.load %arg1[%get3A_54, %get3A_55, %get3A_56] : memref<2x2000x96xbf16, #tpu.memory_space<vmem>>, vector<1x2000x32xbf16>
    %get3A_58 = vector.shape_cast %get3A_57 : vector<1x2000x32xbf16> to vector<2000x32xbf16>
    %convert_element_type3A_59 = arith.extf %get3A_58 : vector<2000x32xbf16> to vector<2000x32xf32>
    %add3A_60 = arith.constant 9.99999971E-10 : f32
    %add3A_61 = vector.broadcast %add3A_60 : f32 to vector<2000x1xf32>
    %add3A_62 = arith.addf %convert_element_type3A_53, %add3A_61 : vector<2000x1xf32>
    %div3A_63 = vector.broadcast %add3A_62 : vector<2000x1xf32> to vector<2000x32xf32>
    %div3A_64 = arith.divf %convert_element_type3A_59, %div3A_63 : vector<2000x32xf32>
    %max3A_65 = arith.constant 0.000000e+00 : f32
    %max3A_66 = vector.broadcast %max3A_65 : f32 to vector<2000x32xf32>
    %max3A_67 = arith.maximumf %div3A_64, %max3A_66 : vector<2000x32xf32>
    %get3A_68 = arith.constant 0 : index
    %get3A_69 = arith.constant 64 : index
    %get3A_70 = vector.load %arg2[%get3A_68, %get3A_69] : memref<2000x128xf32, #tpu.memory_space<vmem>>, vector<2000x32xf32>
    %add3A_71 = arith.addf %get3A_70, %max3A_67 : vector<2000x32xf32>
    %swap3A_72 = arith.constant 0 : index
    %swap3A_73 = arith.constant 64 : index
    %swap3A_74 = vector.load %arg3[%swap3A_72, %swap3A_73] : memref<2000x128xf32, #tpu.memory_space<vmem>>, vector<2000x32xf32>
    tpu.vector_store %arg3[%swap3A_72, %swap3A_73], %add3A_71 {strides = array<i32>} : memref<2000x128xf32, #tpu.memory_space<vmem>>, vector<2000x32xf32>,
    %get3A_75 = arith.constant 1 : index
    %get3A_76 = arith.constant 0 : index
    %get3A_77 = arith.constant 66 : index
    %get3A_78 = vector.load %arg1[%get3A_75, %get3A_76, %get3A_77] : memref<2x2000x96xbf16, #tpu.memory_space<vmem>>, vector<1x2000x1xbf16>
    %get3A_79 = vector.shape_cast %get3A_78 : vector<1x2000x1xbf16> to vector<2000x1xbf16>
    %convert_element_type3A_80 = arith.extf %get3A_79 : vector<2000x1xbf16> to vector<2000x1xf32>
    %get3A_81 = arith.constant 1 : index
    %get3A_82 = arith.constant 0 : index
    %get3A_83 = arith.constant 32 : index
    %get3A_84 = vector.load %arg1[%get3A_81, %get3A_82, %get3A_83] : memref<2x2000x96xbf16, #tpu.memory_space<vmem>>, vector<1x2000x32xbf16>
    %get3A_85 = vector.shape_cast %get3A_84 : vector<1x2000x32xbf16> to vector<2000x32xbf16>
    %convert_element_type3A_86 = arith.extf %get3A_85 : vector<2000x32xbf16> to vector<2000x32xf32>
    %add3A_87 = arith.constant 9.99999971E-10 : f32
    %add3A_88 = vector.broadcast %add3A_87 : f32 to vector<2000x1xf32>
    %add3A_89 = arith.addf %convert_element_type3A_80, %add3A_88 : vector<2000x1xf32>
    %div3A_90 = vector.broadcast %add3A_89 : vector<2000x1xf32> to vector<2000x32xf32>
    %div3A_91 = arith.divf %convert_element_type3A_86, %div3A_90 : vector<2000x32xf32>
    %max3A_92 = arith.constant 0.000000e+00 : f32
    %max3A_93 = vector.broadcast %max3A_92 : f32 to vector<2000x32xf32>
    %max3A_94 = arith.maximumf %div3A_91, %max3A_93 : vector<2000x32xf32>
    %get3A_95 = arith.constant 0 : index
    %get3A_96 = arith.constant 96 : index
    %get3A_97 = vector.load %arg2[%get3A_95, %get3A_96] : memref<2000x128xf32, #tpu.memory_space<vmem>>, vector<2000x32xf32>
    %add3A_98 = arith.addf %get3A_97, %max3A_94 : vector<2000x32xf32>
    %swap3A_99 = arith.constant 0 : index
    %swap3A_100 = arith.constant 96 : index
    %swap3A_101 = vector.load %arg3[%swap3A_99, %swap3A_100] : memref<2000x128xf32, #tpu.memory_space<vmem>>, vector<2000x32xf32>
    tpu.vector_store %arg3[%swap3A_99, %swap3A_100], %add3A_98 {strides = array<i32>} : memref<2000x128xf32, #tpu.memory_space<vmem>>, vector<2000x32xf32>,
    return
  }
  func.func @transform_0(%arg0: i32) -> (i32, i32, i32) {
    %c0_i32 = arith.constant 0 : i32
    %c0_i32_0 = arith.constant 0 : i32
    %c0_i32_1 = arith.constant 0 : i32
    return %c0_i32, %arg0, %c0_i32_0 : i32, i32, i32
  }
  func.func @transform_1(%arg0: i32) -> (i32, i32) {
    %c0_i32 = arith.constant 0 : i32
    %c0_i32_0 = arith.constant 0 : i32
    return %arg0, %c0_i32 : i32, i32
  }
  func.func @transform_2(%arg0: i32) -> (i32, i32) {
    %c0_i32 = arith.constant 0 : i32
    %c0_i32_0 = arith.constant 0 : i32
    return %arg0, %c0_i32 : i32, i32
  }
}

</mosaic_0001>

<sc_bundles>
// kernel: kernel.5.cloned.1.call-start
scs
__scs_entry_jumppad:
0x0: {  	(pc) =	sbr.rel $0x88, $3  }
0x1: {  	(tag) =	ssettag $0x0;
	lr =	simm.s32 $0x1  }
0x2: {  	[smem:$0x3F94] =	sst lr;
	_ =	strace $0xD0000000  }
0x3: {  	_ = 	snop  }
0x4: {  	_ = 	snop  }
0x5: {  	_ = 	snop  }
0x6: {  	_ = 	snop  }
0x7: {  	_ = 	snop  }
__scs_overlays_trampoline_lowered:
0x8: {  	[smem:$0x3FA3] =	sst s0  }
0x9: {  	[smem:$0x3FA4] =	sst s1  }
0xa: {  	[smem:$0x3FA5] =	sst s2  }
0xb: {  	[smem:$0x3FA6] =	sst s3  }
0xc: {  	[smem:$0x3FA7] =	sst s4  }
0xd: {  	[smem:$0x3FA8] =	sst s5  }
0xe: {  	[smem:$0x3FA9] =	sst s6  }
0xf: {  	[smem:$0x3FAA] =	sst s7  }
0x10: {  	[smem:$0x3FAB] =	sst s8  }
0x11: {  	[smem:$0x3FAC] =	sst s9;
	s0 =	simm.s32 @!p0 $0x0  }
0x12: {  	s1 =	sld [smem:$0x3F92];
	s0 =	simm.s32 @p0 $0x1  }
0x13: {  	[smem:$0x3FAD] =	sst s0;
	s0 =	simm.s32 @!p1 $0x0  }
0x14: {  	s2 =	sld [smem:$0x3F91];
	s0 =	simm.s32 @p1 $0x1  }
0x15: {  	[smem:$0x3FAE] =	sst s0;
	s0 =	simm.s32 @!p2 $0x0  }
0x16: {  	s3 =	sld [smem:$0x3FDB];
	s0 =	simm.s32 @p2 $0x1  }
0x17: {  	s4 =	simm.s32 $0x1BF5;
	[smem:$0x3FB0] =	sst s0  }
0x18: {  	s0 =	sld [smem:$0x3F93];
	_ =	swait.ge [sflag:s4], $0x0  }
0x19: {  	s7 =	sld [smem:$0x3F94]  }
0x1a: {  	s8 =	sadd.s32 $0xFFFFE003, lr  }
0x1b: {  	s9 =	sadd.s32 $0xFFFFFEF7, lr;
	s5 =	simm.s32 $0xFFFFFFFF;
	p2 =	slt.u32 s8, $0xFFFFF086  }
0x1c: {  	p1 =	slt.u32 s9, $0xF7A;
	s5 =	simm.s32 @!p2 $0x0  }
0x1d: {  	s5 =	simm.s32 @p1 $0x1;
	p0 =	seq.s32 s7, s2  }
0x1e: {  	s7 =	smul.u32 @!p0 $0xF7A, s2;
	p2 =	seq.s32 @!p0 s5, $0x0  }
0x1f: {  	s9 =	smul.u32 $0xF7A, s1;
	s8 =	simm.s32 @!p0 $0x1BF5;
	p2 =	por !p2, p0  }
0x20: {  	[sflag:s8] =	ssyncset.s32 @!p0 $0xFFFFF086;
	s6 =	sadd.s32 @!p0 s3, s7;
	s7 =	simm.s32 @!p0 $0x108  }
0x21: {  	s3 =	sadd.s32 s3, s9;
	s6 =	sadd.s32 @!p0 $0x88, s6;
	s7 =	simm.s32 @p2 $0x1082  }
0x22: {  	[simem:s7], [sflag:s8] =	dma.local @!p0 [hbm:s6], $0xF7A  }
0x23: {  	s9 =	sor.u32 $0xD0000000, s2;
	s6 =	simm.s32 $0x108;
	_ =	swait.ge @!p0 [sflag:s8], $0x0  }
0x24: {  	s3 =	sadd.s32 $0x88, s3;
	s6 =	simm.s32 @!p1 $0x1082;
	[sflag:s4] =	ssyncset.s32 $0xFFFFF086  }
0x25: {  	[simem:s6], [sflag:s4] =	dma.local [hbm:s3], $0xF7A  }
0x26: {  	[smem:$0x3F94] =	sst s1;
	(tag) =	ssettag s2;
	_ =	strace s9  }
0x27: {  	s1 =	sld [smem:$0x3FA4]  }
0x28: {  	s2 =	sld [smem:$0x3FA5]  }
0x29: {  	s4 =	sld [smem:$0x3FA7]  }
0x2a: {  	p0 =	seq.s32 s5, $0x0;
	s5 =	sld [smem:$0x3FA8]  }
0x2b: {  	s6 =	sld [smem:$0x3FA9]  }
0x2c: {  	s7 =	sld [smem:$0x3FAA]  }
0x2d: {  	s3 =	simm.s32 $0x108;
	s8 =	sld [smem:$0x3FAB]  }
0x2e: {  	s3 =	simm.s32 @!p0 $0x1082;
	s9 =	sld [smem:$0x3FAC]  }
0x2f: {  	lr =	sadd.s32 s0, s3;
	s0 =	sld [smem:$0x3FA3]  }
0x30: {  	s3 =	sld [smem:$0x3FA6]  }
0x31: {  	[smem:$0x3FAF] =	sst s10  }
0x32: {  	s10 =	sld [smem:$0x3FAD];
	_ =	sdelay $0x3  }
0x33: {  	p0 =	seq.s32 s10, $0x1;
	s10 =	sld [smem:$0x3FAF];
	_ =	sdelay $0x3  }
0x34: {  	[smem:$0x3FAF] =	sst s10  }
0x35: {  	s10 =	sld [smem:$0x3FAE];
	_ =	sdelay $0x3  }
0x36: {  	p1 =	seq.s32 s10, $0x1;
	s10 =	sld [smem:$0x3FAF];
	_ =	sdelay $0x3  }
0x37: {  	[smem:$0x3FAF] =	sst s10  }
0x38: {  	s10 =	sld [smem:$0x3FB0]  }
0x39: {  	_ = 	snop;
	(pc) =	sbr.ind lr, $3  }
0x3a: {  	_ = 	snop  }
0x3b: {  	_ = 	snop  }
0x3c: {  	p2 =	seq.s32 s10, $0x1;
	s10 =	sld [smem:$0x3FAF]  }
0x3d: {  	_ =	shalt  }
0x3e: {  	_ =	shalt  }
0x3f: {  	_ =	shalt  }
0x40: {  	_ =	shalt  }
0x41: {  	_ =	shalt  }
0x42: {  	_ =	shalt  }
0x43: {  	_ =	shalt  }
0x44: {  	_ =	shalt  }
0x45: {  	_ =	shalt  }
0x46: {  	_ =	shalt  }
0x47: {  	_ =	shalt  }
0x48: {  	_ =	shalt  }
0x49: {  	_ =	shalt  }
0x4a: {  	_ =	shalt  }
0x4b: {  	_ =	shalt  }
0x4c: {  	_ =	shalt  }
0x4d: {  	_ =	shalt  }
0x4e: {  	_ =	shalt  }
0x4f: {  	_ =	shalt  }
0x50: {  	_ =	shalt  }
0x51: {  	_ =	shalt  }
0x52: {  	_ =	shalt  }
0x53: {  	_ =	shalt  }
0x54: {  	_ =	shalt  }
0x55: {  	_ =	shalt  }
0x56: {  	_ =	shalt  }
0x57: {  	_ =	shalt  }
0x58: {  	_ =	shalt  }
0x59: {  	_ =	shalt  }
0x5a: {  	_ =	shalt  }
0x5b: {  	_ =	shalt  }
0x5c: {  	_ =	shalt  }
0x5d: {  	_ =	shalt  }
0x5e: {  	_ =	shalt  }
0x5f: {  	_ =	shalt  }
0x60: {  	_ =	shalt  }
0x61: {  	_ =	shalt  }
0x62: {  	_ =	shalt  }
0x63: {  	_ =	shalt  }
0x64: {  	_ =	shalt  }
0x65: {  	_ =	shalt  }
0x66: {  	_ =	shalt  }
0x67: {  	_ =	shalt  }
0x68: {  	_ =	shalt  }
0x69: {  	_ =	shalt  }
0x6a: {  	_ =	shalt  }
0x6b: {  	_ =	shalt  }
0x6c: {  	_ =	shalt  }
0x6d: {  	_ =	shalt  }
0x6e: {  	_ =	shalt  }
0x6f: {  	_ =	shalt  }
0x70: {  	_ =	shalt  }
0x71: {  	_ =	shalt  }
0x72: {  	_ =	shalt  }
0x73: {  	_ =	shalt  }
0x74: {  	_ =	shalt  }
0x75: {  	_ =	shalt  }
0x76: {  	_ =	shalt  }
0x77: {  	_ =	shalt  }
0x78: {  	_ =	shalt  }
0x79: {  	_ =	shalt  }
0x7a: {  	_ =	shalt  }
0x7b: {  	_ =	shalt  }
0x7c: {  	_ =	shalt  }
0x7d: {  	_ =	shalt  }
0x7e: {  	_ =	shalt  }
0x7f: {  	_ =	shalt  }
0x80: {  	_ =	shalt  }
0x81: {  	_ =	shalt  }
0x82: {  	_ =	shalt  }
0x83: {  	_ =	shalt  }
0x84: {  	_ =	shalt  }
0x85: {  	_ =	shalt  }
0x86: {  	_ =	shalt  }
0x87: {  	_ =	shalt  }
.Lfunc_end0:
.L_simem_size_0:
called_computation_lowered:
.L_overlay_start_0:
0x88: {  	s2 =	sld [smem:$0x3FD9]  }
0x89: {  	s3 =	sld [smem:$0x3FFE];
	_ =	sdelay $0x1  }
0x8a: {  	s1 =	srdreg.scid  }
0x8b: {  	s0 =	sand.u32 $0x1, s1  }
0x8c: {  	s17 =	sshll.u32 s0, $0xA;
	s2 =	sadd.s32 s3, s2  }
0x8d: {  	s2 =	sadd.s32 s2, s17  }
0x8e: {  	[smem:$0x3FBB] =	sst s2  }
0x8f: {  	_ = 	snop  }
0x90: {  	s2 =	sld [smem:$0x3FD0];
	(tm) =	ssettm $0x1  }
0x91: {  	s18 =	sld [smem:$0x3FFB];
	_ =	sdelay $0x3  }
0x92: {  	_ =	strace s18  }
0x93: {  	s3 =	sld [smem:$0x3FFC];
	_ =	sdelay $0x3  }
0x94: {  	_ =	strace s3  }
0x95: {  	s3 =	sld [smem:$0x3FFD];
	_ =	sdelay $0x3  }
0x96: {  	_ =	strace s3  }
0x97: {  	_ =	strace $0x8FFFFFFF  }
0x98: {  	s19 =	sld [smem:$0x3FDB];
	_ =	sdelay $0x1  }
0x99: {  	s4 =	simm.s32 $_scs_section_size  }
0x9a: {  	s5 =	simm.s32 $_size__tile_overlayer_lowered;
	s6 =	simm.s32 $_tile_overlayer_lowered  }
0x9b: {  	s22 =	simm.s32 $0x1BFF;
	s21 =	sshll.u32 s6, $0x1;
	s3 =	sadd.s32 s4, s19  }
0x9c: {  	s7 =	simm.s32 $0x0;
	s20 =	sshll.u32 s5, $0x1;
	s5 =	sadd.s32 s21, s3  }
0x9d: {  	[timem:s7], [sflag:s22] =	dma.local [hbm:s5], s20  }
0x9e: {  	_ =	swait.ge [sflag:s22], s20  }
0x9f: {  	s4 =	ssub.s32 $0x0, s20;
	[sflag:s22] =	ssyncset.done $0x0  }
0xa0: {  	[sflag:s22] =	ssyncadd.s32 s4;
	_ =	sdelay $0x1  }
0xa1: {  	s23 =	simm.s32 $0x1B8B  }
0xa2: {  	_ =	swait.ge [sflag:s23], $0x1  }
0xa3: {  	[sflag:s23] =	ssyncset.done $0x0  }
0xa4: {  	s25 =	simm.s32 $0x1B8E;
	s24 =	sld [smem:$0x3FFE];
	[sflag:s23] =	ssyncadd.s32 $0xFFFFFFFF  }
0xa5: {  	s26 =	simm.s32 $execute0_lowered;
	[smem:$0x3FD2] =	sst s25  }
0xa6: {  	s5 =	sshll.u32 s26, $0x1;
	_ =	strace $0x80000046;
	[dreg:$0x1] =	wrdreg $0xFFFFFFFF  }
0xa7: {  	s28 =	simm.s32 $_size_execute0_lowered;
	s3 =	sadd.s32 s3, s5;
	[dreg:$0x0] =	wrdreg $0x0  }
0xa8: {  	s5 =	sshll.u32 s28, $0x1;
	[dreg:$0x2] =	wrdreg s3  }
0xa9: {  	[dreg:$0x3] =	wrdreg s5  }
0xaa: {  	[dreg:$0x4] =	wrdreg $0xC0  }
0xab: {  	_ =	task [dreg:s7], $0x5FFFF  }
0xac: {  	[dreg:$0x1] =	wrdreg $0xFFFFFFFF  }
0xad: {  	[dreg:$0x0] =	wrdreg $0x60  }
0xae: {  	[dreg:$0x2] =	wrdreg s24  }
0xaf: {  	[dreg:$0x3] =	wrdreg s2  }
0xb0: {  	[dreg:$0x4] =	wrdreg $0x167F00  }
0xb1: {  	[dreg:$0x5] =	wrdreg $0x9  }
0xb2: {  	_ =	task.clear_ibuf [dreg:s7], $0x6FFFF;
	_ =	strace $0x90000046  }
0xb3: {  	s29 =	simm.s32 $0x9;
	_ =	strace $0x80000048  }
0xb4: {  	_ =	swait.ge [sflag:s29], $0x1  }
0xb5: {  	[sflag:s29] =	ssyncadd.s32 $0xFFFFFFFF  }
0xb6: {  	_ =	strace $0x90000048  }
0xb7: {  	_ =	sfence  }
0xb8: {  	s30 =	sld [smem:$0x0];
	_ =	sdelay $0x2  }
0xb9: {  	s31 =	sshll.u32 s1, $0xD;
	s1 =	sshrl.u32 s1, $0x2  }
0xba: {  	s3 =	sand.u32 $0x4000, s31;
	s1 =	sadd.s32 s1, s30  }
0xbb: {  	s0 =	sor.u32 s3, s0;
	s1 =	sshll.u32 s1, $0x11  }
0xbc: {  	s0 =	sor.u32 s1, s0  }
0xbd: {  	s0 =	sadd.s32 $0x8F2B, s0  }
0xbe: {  	[sflag:s0] =	ssyncadd.remote.s32 $0x1  }
0xbf: {  	_ =	sfence.sel $0xFFFF  }
0xc0: {  	[dreg:$0x0] =	wrdreg $0xFFFFFFFF;
	(pc) =	sbr.abs _section_cstart, $3  }
0xc1: {  	[dreg:$0x1] =	wrdreg $0xFFFFFFFF  }
0xc2: {  	_ =	task.clear_ibuf [dreg:s7], $0x2FFFF;
	_ =	strace $0x9FFFFFFF  }
0xc3: {  	(tm) =	ssettm $0x7FFFFFFF  }
tec
execute0_lowered:
.L_overlay_start_1:
0x0: {  	(tag) =	ssettag $0x1  }
0x1: {  	s0 =	rddreg [dreg:$0x0]  }
0x2: {  	s1 =	rddreg [dreg:$0x1]  }
0x3: {  	s6 =	stileid.u32;
	s3 =	srdreg.scid  }
0x4: {  	s2 =	rddreg [dreg:$0x2];
	s28 =	simm.s32 $0xB040;
	s4 =	smul.u32 $0x1388, s6  }
0x5: {  	s29 =	simm.s32 $0xEC40;
	s9 =	sand.u32 $0x1, s3;
	s12 =	smul.u32 $0xEA60, s6  }
0x6: {  	s30 =	simm.s32 $0x11440;
	s3 =	simm.s32 $0x0;
	s5 =	smul.u32 $0x9C40, s9  }
0x7: {  	s31 =	simm.s32 $0x2;
	[smem:$0x7FF] =	sst s3;
	s19 =	smul.u32 $0xEA600, s9  }
0x8: {  	s24 =	sshll.u32 s9, $0x3;
	s25 =	ssub.s32 $0x2, s9;
	s9 =	smul.u32 $0x13880, s9  }
0x9: {  	_ =	strace $0x80000047;
	s10 =	sadd.s32 s4, s0;
	s13 =	sadd.s32 s24, s0  }
0xa: {  	s26 =	sshrl.u32 s25, $0x1;
	s6 =	sshrl.u32 s12, $0x1;
	s15 =	sadd.s32 $0x2EE0, s12  }
0xb: {  	s16 =	sadd.s32 $0x5DC0, s12;
	s17 =	sadd.s32 $0x8CA0, s12;
	s18 =	sadd.s32 $0xBB80, s12  }
0xc: {  	s11 =	sadd.s32 s5, s0;
	s0 =	sadd.s32 $0x28600, s0;
	s14 =	ssub.s32 s25, s26  }
0xd: {  	s4 =	sadd.s32 s6, s2;
	s7 =	sshrl.u32 s15, $0x1;
	s8 =	sshrl.u32 s16, $0x1  }
0xe: {  	s13 =	sadd.s32 $0x28400, s13;
	s10 =	sadd.s32 $0x1000, s10;
	s12 =	sadd.s32 s12, s19  }
0xf: {  	s22 =	sadd.s32 s19, s16;
	s23 =	sadd.s32 s19, s17;
	s24 =	sadd.s32 s19, s18  }
0x10: {  	s5 =	sadd.s32 s7, s2;
	s6 =	sadd.s32 s8, s2;
	[dreg:$0x4] =	wrdreg s13  }
0x11: {  	s7 =	sshrl.u32 s17, $0x1;
	s8 =	sshrl.u32 s18, $0x1;
	[dreg:$0x5] =	wrdreg s10  }
0x12: {  	s13 =	sadd.s32 s19, s15;
	s11 =	sadd.s32 $0x14A00, s11;
	s10 =	sshrl.u32 s12, $0x4  }
0x13: {  	s12 =	sadd.s32 s1, s9;
	s1 =	sshrl.u32 s22, $0x4;
	s9 =	sshrl.u32 s23, $0x4  }
0x14: {  	s26 =	smax.u32 s14, $0x1;
	s19 =	simm.s32 $0x15040;
	s22 =	simm.s32 $0xA0  }
0x15: {  	s23 =	simm.s32 $0x9C40;
	s7 =	sadd.s32 s7, s2;
	s8 =	sadd.s32 s8, s2  }
0x16: {  	s15 =	sshrl.u32 s13, $0x4;
	s20 =	sadd.s32 s0, s10;
	s10 =	sshrl.u32 s24, $0x4  }
0x17: {  	s1 =	sadd.s32 s0, s1;
	s25 =	sadd.s32 s0, s9;
	[dreg:$0xb] =	wrdreg s26  }
0x18: {  	s24 =	simm.s32 $0xC440;
	s26 =	simm.s32 $0x3;
	[dreg:$0x6] =	wrdreg s20  }
0x19: {  	s9 =	simm.s32 $0x6;
	s21 =	sadd.s32 s0, s15;
	[dreg:$0x8] =	wrdreg s1  }
0x1a: {  	[dreg:$0x9] =	wrdreg s25;
	s0 =	sadd.s32 s0, s10;
	s20 =	simm.s32 $0x7  }
0x1b: {  	vm0 =	vcmask $0x300;
	v0 =	vimm.f32 $0.0e+00;
	vm1 =	vcmask $0x704;
	s25 =	simm.s32 $0x1;
	s1 =	simm.s32 $0x4;
	[dreg:$0x7] =	wrdreg s21  }
0x1c: {  	v2 =	vimm.bf16 $0.0e+00;
	v1 =	vsel vm0, $0x3F800000, v0;
	v3 =	vsel vm1, $0x3F800000, v0;
	[dreg:$0xa] =	wrdreg s0;
	s21 =	simm.s32 $0x5;
	s0 =	simm.s32 $0x13240  }
.LBB2_1:
0x1d: {  	s10 =	simm.s32 $0xC0;
	s13 =	simm.s32 $0x0  }
.LBB2_2:
0x1e: {  	p0 =	sne.s32 s10, $0x5D00;
	[tilespmem:s13+$0x15060] =	vst v2;
	s14 =	smov.u32 s10;
	s10 =	sadd.s32 $0xC0, s10  }
.Ltmp0:
0x1f: {  	[tilespmem:s13+$0x15040] =	vst v2;
	(pc) =	sbr.rel @p0 .LBB2_2-.Ltmp0, $2  }
0x20: {  	[tilespmem:s13+$0x15050] =	vst v2;
	_ =	sdelay $0x2  }
0x21: {  	s13 =	sshra.s32 s14, $0x2  }
0x22: {  	[tilespmem:s13+$0x15060] =	vst v2  }
0x23: {  	[tilespmem:s13+$0x15040] =	vst v2  }
0x24: {  	[tilespmem:s13+$0x15050] =	vst v2  }
0x25: {  	[spmem:s4] =	stream.linear.scatter [tilespmem:s19], [sflag:$0x7], $0x1770, $0x38;
	[tilespmem:$0x1DD20] =	vst v63  }
0x26: {  	_ =	swait.ge [sflag:s20], $0x1770  }
0x27: {  	[sflag:s20] =	ssyncset.done $0x0  }
0x28: {  	[sflag:s20] =	ssyncadd.s32 $0xFFFFE890  }
0x29: {  	[spmem:s5] =	stream.linear.scatter [tilespmem:s19], [sflag:$0x7], $0x1770, $0x38;
	[tilespmem:$0x1DD20] =	vst v63  }
0x2a: {  	_ =	swait.ge [sflag:s20], $0x1770  }
0x2b: {  	[sflag:s20] =	ssyncset.done $0x0  }
0x2c: {  	[sflag:s20] =	ssyncadd.s32 $0xFFFFE890  }
0x2d: {  	[spmem:s6] =	stream.linear.scatter [tilespmem:s19], [sflag:$0x7], $0x1770, $0x38;
	[tilespmem:$0x1DD20] =	vst v63  }
0x2e: {  	_ =	swait.ge [sflag:s20], $0x1770  }
0x2f: {  	[sflag:s20] =	ssyncset.done $0x0  }
0x30: {  	[sflag:s20] =	ssyncadd.s32 $0xFFFFE890  }
0x31: {  	[spmem:s7] =	stream.linear.scatter [tilespmem:s19], [sflag:$0x7], $0x1770, $0x38;
	[tilespmem:$0x1DD20] =	vst v63  }
0x32: {  	_ =	swait.ge [sflag:s20], $0x1770  }
0x33: {  	[sflag:s20] =	ssyncset.done $0x0  }
0x34: {  	[sflag:s20] =	ssyncadd.s32 $0xFFFFE890  }
0x35: {  	[spmem:s8] =	stream.linear.scatter [tilespmem:s19], [sflag:$0x7], $0x1770, $0x38;
	[tilespmem:$0x1DD20] =	vst v63  }
0x36: {  	_ =	swait.ge [sflag:s20], $0x1770  }
0x37: {  	s10 =	simm.s32 $0x0;
	[sflag:s20] =	ssyncset.done $0x0  }
0x38: {  	s14 =	simm.s32 $0x167B0;
	s17 =	rddreg [dreg:$0x4];
	[sflag:s20] =	ssyncadd.s32 $0xFFFFE890  }
0x39: {  	[tilespmem:s14], [sflag:$0x7] =	stream.linear.gather [hbm4b:s17+s10], $0x40, $0x38;
	[tilespmem:$0x1DD20] =	vst v63  }
0x3a: {  	_ =	swait.ge [sflag:s20], $0x40  }
0x3b: {  	[sflag:s20] =	ssyncset.done $0x0  }
0x3c: {  	[sflag:s20] =	ssyncadd.s32 $0xFFFFFFC0  }
0x3d: {  	v4 =	vld [tilespmem:$0x167B0]  }
0x3e: {  	v5 =	vld [tilespmem:$0x167C0]  }
0x3f: {  	v6 =	vld [tilespmem:$0x167D0]  }
0x40: {  	v7 =	vld [tilespmem:$0x167E0];
	[bflag:$0x0] =	sbarrier.arrive $0xFFFF  }
0x41: {  	s18 =	rddreg [dreg:$0x5]  }
0x42: {  	[tilespmem:s10], [sflag:$0x7] =	stream.linear.gather [hbm4b:s18+s10], $0x9C40, $0x38;
	[tilespmem:$0x1DD20] =	vst v63  }
0x43: {  	_ =	swait.ge [sflag:s20], $0x9C40  }
0x44: {  	[sflag:s20] =	ssyncset.done $0x0  }
0x45: {  	[sflag:s20] =	ssyncadd.s32 $0xFFFF63C0  }
0x46: {  	[tilespmem:s23], [sflag:$0x1] =	stream.indirect.gather [hbm4b:s11+s22], $0x20, s10, s22, $0xb8;
	[tilespmem:$0x1DD20] =	vst v63  }
0x47: {  	_ = 	snop  }
0x48: {  	[tilespmem:s24], [sflag:$0x3] =	stream.indirect.gather [hbm4b:s12+s22], $0x40, s22, s22, $0xb8;
	[tilespmem:$0x1DD20] =	vst v63  }
.LBB2_4:
0x49: {  	_ =	swait.ge [sflag:s25], $0x1400  }
0x4a: {  	[sflag:s25] =	ssyncset.done $0x0  }
0x4b: {  	[sflag:s25] =	ssyncadd.s32 $0xFFFFEC00  }
0x4c: {  	p0 =	seq.s32 s10, $0x0;
	_ =	swait.ge [sflag:s26], $0x2800  }
0x4d: {  	s13 =	smul.u32 @!p0 $0xA00, s10;
	[sflag:s26] =	ssyncset.done $0x0  }
0x4e: {  	s14 =	simm.s32 @!p0 $0x6;
	[sflag:s26] =	ssyncadd.s32 $0xFFFFD800  }
0x4f: {  	s13 =	sadd.s32 @!p0 $0x500, s13;
	_ =	swait.ge @!p0 [sflag:s14], $0x1E00  }
0x50: {  	s13 =	simm.s32 @p0 $0x500;
	[sflag:s14] =	ssyncset.done @!p0 $0x0  }
0x51: {  	s13 =	sshra.s32 s13, $0x2;
	[sflag:s14] =	ssyncadd.s32 @!p0 $0xFFFFE200  }
0x52: {  	[tilespmem:s28], [sflag:$0x2] =	stream.indirect.gather [hbm4b:s11+s22], $0x20, s13, s22, $0xb8;
	[tilespmem:$0x1DD20] =	vst v63  }
0x53: {  	s15 =	simm.s32 $0x9C80;
	s16 =	sadd.s32 $0xA0, s13  }
0x54: {  	[tilespmem:s29], [sflag:$0x4] =	stream.indirect.gather [hbm4b:s12+s22], $0x40, s16, s22, $0xb8;
	[tilespmem:$0x1DD20] =	vst v63  }
0x55: {  	s17 =	simm.s32 $0xC4C0;
	v8 =	vld [tilespmem:s15+$0x20]  }
0x56: {  	v9 =	vld [tilespmem:s17+$0x40]  }
0x57: {  	v10 =	vld [tilespmem:s15+$0x30]  }
0x58: {  	v15 =	vld [tilespmem:s15+$0xFFFFFFD0]  }
0x59: {  	v16 =	vld [tilespmem:s17+$0xFFFFFFC0]  }
0x5a: {  	v17 =	vld [tilespmem:s15+$0xFFFFFFF0]  }
0x5b: {  	v11 =	vld [tilespmem:s17+$0x50]  }
0x5c: {  	v12 =	vunpack.i.u.bf16.f32 v8;
	v8 =	vunpack.i.l.bf16.f32 v8;
	v13 =	vunpack.i.u.bf16.f32 v9  }
0x5d: {  	v9 =	vunpack.i.l.bf16.f32 v9;
	v14 =	vunpack.i.u.bf16.f32 v10;
	v10 =	vunpack.i.l.bf16.f32 v10  }
0x5e: {  	s18 =	simm.s32 $0x9D00;
	v19 =	vld [tilespmem:s15+$0xFFFFFFC0];
	v18 =	vunpack.i.u.bf16.f32 v15;
	v15 =	vunpack.i.l.bf16.f32 v15;
	v23 =	vunpack.i.u.bf16.f32 v16  }
0x5f: {  	s14 =	simm.s32 $0xC5C0;
	v40 =	vld [tilespmem:s18+$0x0];
	v16 =	vunpack.i.l.bf16.f32 v16;
	v24 =	vunpack.i.u.bf16.f32 v17;
	v8 =	vadd.f32 v9, v8  }
0x60: {  	v41 =	vld [tilespmem:s14+$0x0];
	v9 =	vadd.f32 v13, v12;
	v13 =	vunpack.i.u.bf16.f32 v11;
	v11 =	vunpack.i.l.bf16.f32 v11  }
0x61: {  	v10 =	vadd.f32 v11, v10;
	v11 =	vadd.f32 v13, v14;
	v13 =	vld [tilespmem:s17+$0xFFFFFF90];
	v8 =	vmax.f32 v8, $0.0e+00  }
0x62: {  	v17 =	vunpack.i.l.bf16.f32 v17;
	v14 =	vld [tilespmem:s15+$0xFFFFFFE0];
	v9 =	vmax.f32 v9, $0.0e+00;
	v8 =	vmul.f32 v8, v4  }
0x63: {  	v12 =	vld [tilespmem:s17+$0xFFFFFF80];
	v9 =	vmul.f32 v9, v5;
	v10 =	vmax.f32 v10, $0.0e+00;
	v11 =	vmax.f32 v11, $0.0e+00  }
0x64: {  	v28 =	vunpack.i.u.bf16.f32 v19;
	v10 =	vmul.f32 v10, v6;
	v11 =	vmul.f32 v11, v7  }
0x65: {  	v19 =	vunpack.i.l.bf16.f32 v19;
	v47 =	vunpack.i.u.bf16.f32 v40;
	v63 =	vunpack.i.u.bf16.f32 v41  }
0x66: {  	v8 =	vadd.f32 v8, v9;
	v10 =	vadd.f32 v10, v11;
	v20 =	vunpack.i.u.bf16.f32 v13  }
0x67: {  	v9 =	vld [tilespmem:s17+$0xFFFFFFD0];
	v13 =	vunpack.i.l.bf16.f32 v13;
	v22 =	vunpack.i.u.bf16.f32 v14;
	v14 =	vunpack.i.l.bf16.f32 v14  }
0x68: {  	(xrf2) =	vadd.scan.msk.f32 $0xffff, v8;
	v8 =	vunpack.i.u.bf16.f32 v12;
	v13 =	vadd.f32 v13, v15;
	v15 =	vadd.f32 v20, v18  }
0x69: {  	v11 =	vld [tilespmem:s15+$0x0];
	v12 =	vunpack.i.l.bf16.f32 v12;
	v14 =	vadd.f32 v16, v14;
	v20 =	vadd.f32 v23, v22;
	(xrf2) =	vadd.scan.msk.f32 $0xffff, v10  }
0x6a: {  	v41 =	vunpack.i.l.bf16.f32 v41;
	v12 =	vadd.f32 v12, v19;
	v8 =	vadd.f32 v8, v28  }
0x6b: {  	v10 =	vld [tilespmem:s17+$0x0];
	v13 =	vmax.f32 v13, $0.0e+00;
	v15 =	vmax.f32 v15, $0.0e+00;
	v14 =	vmax.f32 v14, $0.0e+00  }
0x6c: {  	v25 =	vunpack.i.u.bf16.f32 v9;
	v9 =	vunpack.i.l.bf16.f32 v9;
	v12 =	vmax.f32 v12, $0.0e+00  }
0x6d: {  	v8 =	vmax.f32 v8, $0.0e+00;
	v13 =	vmul.f32 v13, v6;
	v15 =	vmul.f32 v15, v7  }
0x6e: {  	v26 =	vunpack.i.u.bf16.f32 v11;
	v12 =	vmul.f32 v12, v4;
	v8 =	vmul.f32 v8, v5  }
0x6f: {  	v27 =	vld [tilespmem:s17+$0x10];
	v11 =	vunpack.i.l.bf16.f32 v11;
	v9 =	vadd.f32 v9, v17;
	v13 =	vadd.f32 v13, v15  }
0x70: {  	v29 =	vunpack.i.u.bf16.f32 v10;
	v10 =	vunpack.i.l.bf16.f32 v10;
	v8 =	vadd.f32 v12, v8  }
0x71: {  	v21 =	vld [tilespmem:s15+$0x10];
	v12 =	vadd.f32 v25, v24;
	v9 =	vmax.f32 v9, $0.0e+00;
	v10 =	vadd.f32 v10, v11  }
0x72: {  	v11 =	vmul.f32 v14, v4;
	v9 =	vmul.f32 v9, v6;
	v16, _, _ =	vpop (xrf2);
	(xrf2) =	vadd.scan.msk.f32 $0xffff, v8;
	v8 =	vmax.f32 v20, $0.0e+00  }
0x73: {  	v12 =	vmax.f32 v12, $0.0e+00;
	v17, _, _ =	vpop (xrf2);
	v16 =	vmul.f32 $1.442695020e+00, v16;
	v8 =	vmul.f32 v8, v5  }
0x74: {  	v44 =	vld [tilespmem:s14+$0x10];
	v18 =	vunpack.i.l.bf16.f32 v27;
	v12 =	vmul.f32 v12, v7;
	v17 =	vmul.f32 $1.442695020e+00, v17  }
0x75: {  	v45 =	vld [tilespmem:s18+$0xFFFFFFC0];
	(xrf2) =	vadd.scan.msk.f32 $0xffff, v13;
	v16 =	vbroadcast v16, $0xF;
	v8 =	vadd.f32 v11, v8;
	v11 =	vadd.f32 v29, v26  }
0x76: {  	v19 =	vunpack.i.l.bf16.f32 v21;
	v14 =	vunpack.i.u.bf16.f32 v27;
	v17 =	vbroadcast v17, $0xF  }
0x77: {  	v9 =	vadd.f32 v9, v12;
	v12 =	vld [tilespmem:s17+$0xFFFFFFB0];
	(erf) = vpow2.f32 v16;
	v11 =	vmax.f32 v11, $0.0e+00  }
0x78: {  	v13 =	vunpack.i.u.bf16.f32 v21;
	v21 =	vld [tilespmem:s18+$0x30];
	(erf) = vpow2.f32 v17;
	v11 =	vmul.f32 v11, v5  }
0x79: {  	v15 =	vadd.f32 v18, v19;
	v10 =	vmax.f32 v10, $0.0e+00;
	v13 =	vadd.f32 v14, v13;
	v14 =	vld [tilespmem:s17+$0xFFFFFFE0]  }
0x7a: {  	v49 =	vunpack.i.u.bf16.f32 v44;
	v51 =	vunpack.i.u.bf16.f32 v45;
	v10 =	vmul.f32 v10, v4;
	(xrf2) =	vadd.scan.msk.f32 $0xffff, v8;
	v8 =	vld [tilespmem:s17+$0xFFFFFFA0]  }
0x7b: {  	v45 =	vunpack.i.l.bf16.f32 v45;
	v15 =	vmax.f32 v15, $0.0e+00;
	v16 =	vld [tilespmem:s17+$0x20];
	(xrf2) =	vadd.scan.msk.f32 $0xffff, v9;
	v9 =	vmax.f32 v13, $0.0e+00  }
0x7c: {  	v13 =	vmul.f32 v15, v6;
	v15 =	vld [tilespmem:s17+$0xFFFFFFF0];
	v9 =	vmul.f32 v9, v7;
	v10 =	vadd.f32 v10, v11;
	v11, _, _ =	vpop (xrf2)  }
0x7d: {  	v44 =	vunpack.i.l.bf16.f32 v44;
	v27 =	vunpack.i.u.bf16.f32 v12;
	v11 =	vmul.f32 $1.442695020e+00, v11  }
0x7e: {  	v18 =	vld [tilespmem:s17+$0x60];
	v33 =	vunpack.i.l.bf16.f32 v12;
	v28 =	vunpack.i.u.bf16.f32 v21;
	v23 =	vunpack.i.u.bf16.f32 v14  }
0x7f: {  	v29 =	vunpack.i.l.bf16.f32 v14;
	v13 =	vadd.f32 v13, v9;
	v31 =	vunpack.i.u.bf16.f32 v8;
	(xrf2) =	vadd.scan.msk.f32 $0xffff, v10;
	v17, _, _ =	vpop (xrf2)  }
0x80: {  	v26 =	vld [tilespmem:s18+$0xFFFFFFE0];
	v32 =	vunpack.i.l.bf16.f32 v8;
	v30 =	vunpack.i.l.bf16.f32 v16;
	v10 =	vbroadcast v11, $0xF;
	v9 =	vpop (erf)  }
0x81: {  	v8 =	vld [tilespmem:s17+$0x30];
	v24 =	vunpack.i.u.bf16.f32 v15;
	v34 =	vunpack.i.l.bf16.f32 v15;
	v15 =	vmul.f32 $1.442695020e+00, v17;
	v11 =	vpop (erf)  }
0x82: {  	v17 =	vunpack.i.u.bf16.f32 v16;
	v12 =	vmul.f32 v1, v9;
	v14 =	vmul.f32 v3, v11  }
0x83: {  	(xrf2) =	vadd.scan.msk.f32 $0xffff, v13;
	v13 =	vld [tilespmem:s14+$0xFFFFFFD0];
	v16 =	vunpack.i.l.bf16.f32 v18;
	v18 =	vunpack.i.u.bf16.f32 v18;
	(erf) = vpow2.f32 v10  }
0x84: {  	v16 =	vmul.f32 v9, v16;
	v9 =	vmul.f32 v9, v18;
	v10, _, _ =	vpop (xrf2);
	v12 =	vadd.f32 v14, v12;
	v14 =	vld [tilespmem:s17+$0x70]  }
0x85: {  	v43 =	vunpack.i.u.bf16.f32 v26;
	v15 =	vbroadcast v15, $0xF;
	v20 =	vmul.f32 $1.442695020e+00, v10  }
0x86: {  	v26 =	vunpack.i.l.bf16.f32 v26;
	v19 =	vunpack.i.l.bf16.f32 v8;
	v37 =	vpack.i.f32.bf16 v9, v16;
	v16 =	vld [tilespmem:s14+$0xFFFFFF90]  }
0x87: {  	(erf) = vpow2.f32 v15;
	v10 =	vunpack.i.u.bf16.f32 v8;
	v8 =	vbroadcast v20, $0xF;
	v20 =	vld [tilespmem:s14+$0x40]  }
0x88: {  	v15 =	vld [tilespmem:s18+$0x20];
	v62 =	vunpack.i.u.bf16.f32 v13;
	v13 =	vunpack.i.l.bf16.f32 v13;
	v36 =	vpack.i.f32.bf16 v0, v12;
	v12, _, _ =	vpop (xrf2)  }
0x89: {  	(erf) = vpow2.f32 v8;
	v12 =	vmul.f32 $1.442695020e+00, v12;
	v8 =	vunpack.i.l.bf16.f32 v14;
	v18, _, _ =	vpop (xrf2)  }
0x8a: {  	v22 =	vld [tilespmem:s14+$0x50];
	v14 =	vunpack.i.u.bf16.f32 v14;
	v18 =	vmul.f32 $1.442695020e+00, v18;
	v8 =	vmul.f32 v11, v8  }
0x8b: {  	v42 =	vunpack.i.u.bf16.f32 v16;
	v9 =	vmul.f32 v11, v14;
	v12 =	vbroadcast v12, $0xF  }
0x8c: {  	v14 =	vbroadcast v18, $0xF;
	v18 =	vunpack.i.u.bf16.f32 v20;
	v20 =	vunpack.i.l.bf16.f32 v20  }
0x8d: {  	v38 =	vpop (erf);
	(erf) = vpow2.f32 v12;
	v12 =	vunpack.i.u.bf16.f32 v15;
	v15 =	vunpack.i.l.bf16.f32 v15  }
0x8e: {  	v39 =	vmul.f32 v1, v38;
	v15 =	vadd.f32 v20, v15;
	v12 =	vadd.f32 v18, v12  }
0x8f: {  	v25 =	vld [tilespmem:s14+$0xFFFFFF80];
	v20 =	vunpack.i.l.bf16.f32 v21;
	v21 =	vunpack.i.u.bf16.f32 v22;
	v22 =	vunpack.i.l.bf16.f32 v22  }
0x90: {  	v11 =	vld [tilespmem:s18+$0xFFFFFFD0];
	v50, _, _ =	vpop (xrf2);
	v20 =	vadd.f32 v22, v20;
	v21 =	vadd.f32 v21, v28;
	v15 =	vmax.f32 v15, $0.0e+00  }
0x91: {  	v54 =	vmul.f32 $1.442695020e+00, v50;
	v12 =	vmax.f32 v12, $0.0e+00;
	v15 =	vmul.f32 v15, v4  }
0x92: {  	v12 =	vmul.f32 v12, v5;
	v20 =	vmax.f32 v20, $0.0e+00;
	v21 =	vmax.f32 v21, $0.0e+00  }
0x93: {  	v16 =	vunpack.i.l.bf16.f32 v16;
	v20 =	vmul.f32 v20, v6;
	v21 =	vmul.f32 v21, v7  }
0x94: {  	v32 =	vmul.f32 v38, v32;
	v18 =	vld [tilespmem:s14+$0xFFFFFFC0];
	v22 =	vunpack.i.u.bf16.f32 v25;
	v12 =	vadd.f32 v15, v12  }
0x95: {  	v35 =	vld [tilespmem:s18+$0xFFFFFFF0];
	v25 =	vunpack.i.l.bf16.f32 v25;
	v28 =	vunpack.i.u.bf16.f32 v11;
	v20 =	vadd.f32 v20, v21  }
0x96: {  	v11 =	vunpack.i.l.bf16.f32 v11;
	v25 =	vadd.f32 v25, v45;
	v22 =	vadd.f32 v22, v51;
	(xrf2) =	vadd.scan.msk.f32 $0xffff, v12  }
0x97: {  	v31 =	vmul.f32 v38, v31;
	v11 =	vadd.f32 v16, v11;
	v16 =	vadd.f32 v42, v28;
	(xrf2) =	vadd.scan.msk.f32 $0xffff, v20  }
0x98: {  	(erf) = vpow2.f32 v14;
	v14 =	vmax.f32 v25, $0.0e+00;
	v22 =	vmax.f32 v22, $0.0e+00  }
0x99: {  	v16 =	vmax.f32 v16, $0.0e+00;
	v46 =	vunpack.i.u.bf16.f32 v18;
	v14 =	vmul.f32 v14, v4  }
0x9a: {  	v22 =	vmul.f32 v22, v5;
	v16 =	vmul.f32 v16, v7;
	v21 =	vunpack.i.l.bf16.f32 v35  }
0x9b: {  	v25 =	vadd.f32 v46, v43;
	v12 =	vunpack.i.l.bf16.f32 v18;
	v18 =	vunpack.i.u.bf16.f32 v35  }
0x9c: {  	v13 =	vadd.f32 v13, v21;
	v21 =	vmax.f32 v11, $0.0e+00;
	v14 =	vadd.f32 v14, v22  }
0x9d: {  	v15 =	vld [tilespmem:s18+$0x10];
	v20 =	vunpack.i.l.bf16.f32 v40;
	v12 =	vadd.f32 v12, v26;
	v18 =	vadd.f32 v62, v18  }
0x9e: {  	v25 =	vmax.f32 v25, $0.0e+00;
	v21 =	vmul.f32 v21, v6;
	v40 =	vpop (erf);
	v11 =	vadd.f32 v41, v20  }
0x9f: {  	v20 =	vadd.f32 v63, v47;
	v55 =	vmax.f32 v13, $0.0e+00;
	v25 =	vmul.f32 v25, v5;
	v57 =	vpop (erf)  }
0xa0: {  	v33 =	vmul.f32 v40, v33;
	v27 =	vmul.f32 v40, v27;
	v62 =	vmax.f32 v12, $0.0e+00;
	v28, _, _ =	vpop (xrf2)  }
0xa1: {  	v16 =	vadd.f32 v21, v16;
	v21 =	vmul.f32 v55, v6;
	v12 =	vmul.f32 $1.442695020e+00, v28;
	v28, _, _ =	vpop (xrf2)  }
0xa2: {  	v48 =	vunpack.i.u.bf16.f32 v15;
	v55 =	vmul.f32 v57, v29;
	v13 =	vmul.f32 $1.442695020e+00, v28  }
0xa3: {  	v18 =	vmax.f32 v18, $0.0e+00;
	v22 =	vmul.f32 v62, v4;
	v12 =	vbroadcast v12, $0xF  }
0xa4: {  	v15 =	vunpack.i.l.bf16.f32 v15;
	v18 =	vmul.f32 v18, v7;
	v13 =	vbroadcast v13, $0xF  }
0xa5: {  	v47 =	vpop (erf);
	v15 =	vadd.f32 v44, v15;
	v62 =	vmul.f32 v1, v57;
	(erf) = vpow2.f32 v12  }
0xa6: {  	v63 =	vld [tilespmem:s14+$0xFFFFFFB0];
	v20 =	vmax.f32 v20, $0.0e+00;
	v45 =	vpop (erf);
	v52 =	vmul.f32 v3, v47;
	(erf) = vpow2.f32 v13  }
0xa7: {  	(xrf2) =	vadd.scan.msk.f32 $0xffff, v14;
	v61 =	vadd.f32 v49, v48;
	v20 =	vmul.f32 v20, v5;
	v41 =	vmul.f32 v1, v45  }
0xa8: {  	v58 =	vld [tilespmem:s14+$0x20];
	(xrf2) =	vadd.scan.msk.f32 $0xffff, v16;
	v30 =	vmul.f32 v45, v30;
	v17 =	vmul.f32 v45, v17;
	v15 =	vmax.f32 v15, $0.0e+00  }
0xa9: {  	v26 =	vld [tilespmem:s14+$0xFFFFFFA0];
	v35 =	vmax.f32 v61, $0.0e+00;
	v22 =	vadd.f32 v22, v25;
	v59 =	vadd.f32 v21, v18  }
0xaa: {  	v61 =	vmul.f32 v3, v40;
	v21 =	vbroadcast v54, $0xF;
	v49 =	vadd.f32 v52, v62  }
0xab: {  	v56 =	vld [tilespmem:s14+$0xFFFFFFF0];
	v14 =	vmul.f32 v15, v6;
	v15 =	vmul.f32 v35, v7;
	v16 =	vunpack.i.l.bf16.f32 v63  }
0xac: {  	v51 =	vld [tilespmem:s14+$0x60];
	v39 =	vadd.f32 v61, v39;
	v28 =	vmax.f32 v11, $0.0e+00;
	(erf) = vpow2.f32 v21  }
0xad: {  	v29 =	vpack.i.f32.bf16 v0, v49;
	v50 =	vadd.f32 v14, v15;
	(xrf2) =	vadd.scan.msk.f32 $0xffff, v22;
	v25 =	vmul.f32 v28, v4  }
0xae: {  	v22 =	vunpack.i.l.bf16.f32 v58;
	v11 =	vunpack.i.u.bf16.f32 v26;
	v12 =	vunpack.i.l.bf16.f32 v26;
	v26 =	vld [tilespmem:s14+$0xFFFFFFE0];
	v35 =	vpop (erf)  }
0xaf: {  	v39 =	vpack.i.f32.bf16 v0, v39;
	(xrf2) =	vadd.scan.msk.f32 $0xffff, v59;
	v59 =	vpack.i.f32.bf16 v31, v32;
	v60 =	vadd.f32 v25, v20;
	v20 =	vpop (erf)  }
0xb0: {  	s16 =	simm.s32 $0x114A0;
	v18 =	vld [tilespmem:s14+$0x30];
	v13 =	vunpack.i.u.bf16.f32 v63;
	v63 =	vmul.f32 v1, v35;
	v53 =	vmul.f32 v3, v20  }
0xb1: {  	[tilespmem:s16+$0x30] =	vst v37;
	v54 =	vld [tilespmem:s14+$0x70];
	v32 =	vmul.f32 v47, v24;
	v31 =	vunpack.i.u.bf16.f32 v51;
	v52, _, _ =	vpop (xrf2);
	v28 =	vunpack.i.l.bf16.f32 v56  }
0xb2: {  	[tilespmem:s16+$0x50] =	vst v36;
	v25 =	vunpack.i.u.bf16.f32 v58;
	v58, _, _ =	vpop (xrf2);
	v42 =	vadd.f32 v53, v63;
	v53 =	vmul.f32 $1.442695020e+00, v52  }
0xb3: {  	v24 =	vmul.f32 $1.442695020e+00, v58;
	(xrf2) =	vadd.scan.msk.f32 $0xffff, v60;
	v14 =	vunpack.i.u.bf16.f32 v26;
	v15 =	vunpack.i.l.bf16.f32 v26  }
0xb4: {  	[tilespmem:s16+$0xFFFFFFF0] =	vst v29;
	v26 =	vunpack.i.u.bf16.f32 v56;
	v56 =	vmul.f32 v57, v23;
	v57 =	vbroadcast v53, $0xF  }
0xb5: {  	[tilespmem:s16+$0xFFFFFFC0] =	vst v39;
	v21 =	vunpack.i.u.bf16.f32 v18;
	v18 =	vunpack.i.l.bf16.f32 v18;
	v60 =	vpack.i.f32.bf16 v27, v33;
	v33 =	vpop (erf)  }
0xb6: {  	v27 =	vunpack.i.u.bf16.f32 v54;
	(xrf2) =	vadd.scan.msk.f32 $0xffff, v50;
	v61 =	vmul.f32 v3, v33;
	(erf) = vpow2.f32 v57  }
0xb7: {  	[tilespmem:s16+$0xFFFFFFA0] =	vst v59;
	v24 =	vbroadcast v24, $0xF;
	v23 =	vmul.f32 v47, v34;
	v34 =	vunpack.i.l.bf16.f32 v51;
	v29, _, _ =	vpop (xrf2)  }
0xb8: {  	s15 =	simm.s32 $0x11560;
	[tilespmem:s16+$0xFFFFFFB0] =	vst v60;
	v62 =	vmul.f32 $1.442695020e+00, v29;
	v63 =	vadd.f32 v61, v41;
	v42 =	vpack.i.f32.bf16 v0, v42  }
0xb9: {  	v29 =	vunpack.i.l.bf16.f32 v54;
	[tilespmem:s15+$0x50] =	vst v42;
	(erf) = vpow2.f32 v24;
	v24 =	vpack.i.f32.bf16 v56, v55  }
0xba: {  	s17 =	simm.s32 $0x4;
	s18 =	simm.s32 $0x9D80;
	v37, _, _ =	vpop (xrf2);
	v36 =	vbroadcast v62, $0xF;
	[tilespmem:s16+$0xFFFFFFD0] =	vst v24;
	v24 =	vmul.f32 v33, v19;
	v19 =	vpack.i.f32.bf16 v0, v63  }
.LBB2_5:
0xbb: {  	v38 =	vld [tilespmem:s18+$0x20];
	v37 =	vmul.f32 $1.442695020e+00, v37;
	s14 =	sadd.s32 $0x100, s14;
	v39 =	vpack.i.f32.bf16 v32, v23;
	v10 =	vmul.f32 v33, v10;
	[tilespmem:s16+$0x20] =	vst v19;
	v19 =	vmovc v26  }
0xbc: {  	v32 =	vmul.f32 v35, v34;
	v34 =	vpack.i.f32.bf16 v17, v30;
	v23 =	vmovc v28;
	v26 =	vld [tilespmem:s14+$0x40];
	(erf) = vpow2.f32 v36;
	[tilespmem:s16+$0xFFFFFFE0] =	vst v39  }
0xbd: {  	v31 =	vmul.f32 v35, v31;
	v28 =	vld [tilespmem:s18+$0x30];
	v30 =	vbroadcast v37, $0xF;
	v33, _, _ =	vpop (xrf2);
	[tilespmem:s16+$0x0] =	vst v34;
	v10 =	vpack.i.f32.bf16 v10, v24  }
0xbe: {  	v17 =	vmovc v25;
	v24 =	vld [tilespmem:s14+$0x50];
	v33 =	vmul.f32 $1.442695020e+00, v33;
	[tilespmem:s16+$0x10] =	vst v10;
	v10 =	vpack.i.f32.bf16 v9, v8;
	v8 =	vmul.f32 v20, v29  }
0xbf: {  	s17 =	sadd.s32 $0x4, s17;
	v31 =	vpack.i.f32.bf16 v31, v32;
	v9 =	vmul.f32 v20, v27;
	v25 =	vld [tilespmem:s14+$0xFFFFFF80];
	v29 =	vpop (erf);
	(erf) = vpow2.f32 v30;
	[tilespmem:s16+$0x40] =	vst v10;
	s16 =	smov.u32 s15  }
0xc0: {  	p0 =	slt.u32 s17, $0x9C;
	v20 =	vld [tilespmem:s18+$0xFFFFFFD0];
	v32 =	vunpack.i.u.bf16.f32 v38;
	v30 =	vmul.f32 v1, v29;
	v34 =	vbroadcast v33, $0xF;
	[tilespmem:s15+$0x30] =	vst v31;
	v35, _, _ =	vpop (xrf2)  }
0xc1: {  	v27 =	vmovc v22;
	v37 =	vunpack.i.l.bf16.f32 v38;
	v36 =	vld [tilespmem:s14+$0xFFFFFF90];
	v33 =	vunpack.i.u.bf16.f32 v26;
	v26 =	vunpack.i.l.bf16.f32 v26;
	v10 =	vmovc v21  }
0xc2: {  	v21 =	vld [tilespmem:s18+$0xFFFFFFE0];
	v22 =	vunpack.i.u.bf16.f32 v28;
	v26 =	vadd.f32 v26, v37;
	v40 =	vadd.f32 v33, v32;
	v31 =	vpop (erf)  }
0xc3: {  	v28 =	vunpack.i.l.bf16.f32 v28;
	v37 =	vld [tilespmem:s14+$0xFFFFFFC0];
	v33 =	vunpack.i.u.bf16.f32 v24;
	v38 =	vunpack.i.l.bf16.f32 v24;
	v24 =	vmovc v18  }
0xc4: {  	v18 =	vld [tilespmem:s18+$0xFFFFFFF0];
	v26 =	vmax.f32 v26, $0.0e+00;
	v39 =	vmax.f32 v40, $0.0e+00;
	v28 =	vadd.f32 v38, v28  }
0xc5: {  	v22 =	vadd.f32 v33, v22;
	v38 =	vld [tilespmem:s14+$0xFFFFFFD0];
	v26 =	vmul.f32 v26, v4;
	v44 =	vmul.f32 v39, v5;
	v32 =	vpop (erf)  }
0xc6: {  	v39 =	vunpack.i.u.bf16.f32 v25;
	v25 =	vunpack.i.l.bf16.f32 v25;
	v40 =	vunpack.i.u.bf16.f32 v20;
	v41 =	vld [tilespmem:s18+$0x0]  }
0xc7: {  	v28 =	vmax.f32 v28, $0.0e+00;
	v22 =	vmax.f32 v22, $0.0e+00;
	v42 =	vld [tilespmem:s14+$0x0];
	v26 =	vadd.f32 v26, v44  }
0xc8: {  	v20 =	vunpack.i.l.bf16.f32 v20;
	v28 =	vmul.f32 v28, v6;
	v22 =	vmul.f32 v22, v7;
	v43 =	vld [tilespmem:s18+$0x10];
	v33 =	vpop (erf)  }
0xc9: {  	v44 =	vunpack.i.u.bf16.f32 v36;
	v36 =	vunpack.i.l.bf16.f32 v36;
	v45 =	vunpack.i.u.bf16.f32 v21;
	v46 =	vld [tilespmem:s14+$0x10];
	(xrf2) =	vadd.scan.msk.f32 $0xffff, v26  }
0xca: {  	v21 =	vunpack.i.l.bf16.f32 v21;
	v47 =	vunpack.i.u.bf16.f32 v37;
	v22 =	vadd.f32 v28, v22;
	v26 =	vld [tilespmem:s18+$0xFFFFFFC0]  }
0xcb: {  	v37 =	vunpack.i.l.bf16.f32 v37;
	v48 =	vunpack.i.u.bf16.f32 v18;
	v18 =	vunpack.i.l.bf16.f32 v18;
	v28 =	vld [tilespmem:s14+$0xFFFFFFA0]  }
0xcc: {  	v50 =	vunpack.i.u.bf16.f32 v38;
	v38 =	vunpack.i.l.bf16.f32 v38;
	v51 =	vunpack.i.u.bf16.f32 v41;
	v49 =	vld [tilespmem:s14+$0xFFFFFFB0];
	(xrf2) =	vadd.scan.msk.f32 $0xffff, v22  }
0xcd: {  	v41 =	vunpack.i.l.bf16.f32 v41;
	v52 =	vunpack.i.u.bf16.f32 v42;
	v42 =	vunpack.i.l.bf16.f32 v42;
	v22 =	vld [tilespmem:s14+$0xFFFFFFE0]  }
0xce: {  	v54 =	vunpack.i.u.bf16.f32 v43;
	v43 =	vunpack.i.l.bf16.f32 v43;
	v53 =	vld [tilespmem:s14+$0xFFFFFFF0];
	v55 =	vunpack.i.u.bf16.f32 v46  }
0xcf: {  	v46 =	vunpack.i.l.bf16.f32 v46;
	v56 =	vunpack.i.u.bf16.f32 v26;
	v26 =	vunpack.i.l.bf16.f32 v26;
	v57 =	vld [tilespmem:s14+$0x20]  }
0xd0: {  	v35 =	vmul.f32 $1.442695020e+00, v35;
	v25 =	vadd.f32 v25, v26;
	v26 =	vadd.f32 v39, v56;
	v39 =	vld [tilespmem:s14+$0x30]  }
0xd1: {  	v20 =	vadd.f32 v36, v20;
	v36 =	vadd.f32 v44, v40;
	(erf) = vpow2.f32 v34  }
0xd2: {  	v21 =	vadd.f32 v37, v21;
	v34 =	vadd.f32 v47, v45;
	v25 =	vmax.f32 v25, $0.0e+00  }
0xd3: {  	v18 =	vadd.f32 v38, v18;
	v37 =	vadd.f32 v50, v48;
	v26 =	vmax.f32 v26, $0.0e+00;
	v38, _, _ =	vpop (xrf2)  }
0xd4: {  	v20 =	vmax.f32 v20, $0.0e+00;
	v40 =	vadd.f32 v42, v41;
	v41 =	vadd.f32 v52, v51  }
0xd5: {  	v36 =	vmax.f32 v36, $0.0e+00;
	v42 =	vadd.f32 v46, v43;
	v43 =	vadd.f32 v55, v54  }
0xd6: {  	v21 =	vmax.f32 v21, $0.0e+00;
	v34 =	vmax.f32 v34, $0.0e+00;
	v38 =	vmul.f32 $1.442695020e+00, v38;
	v44, _, _ =	vpop (xrf2)  }
0xd7: {  	v18 =	vmax.f32 v18, $0.0e+00;
	v37 =	vmax.f32 v37, $0.0e+00;
	v44 =	vmul.f32 $1.442695020e+00, v44  }
0xd8: {  	v40 =	vmax.f32 v40, $0.0e+00;
	v41 =	vmax.f32 v41, $0.0e+00;
	v46 =	vbroadcast v38, $0xF  }
0xd9: {  	v42 =	vmax.f32 v42, $0.0e+00;
	v43 =	vmax.f32 v43, $0.0e+00;
	v44 =	vbroadcast v44, $0xF  }
0xda: {  	v45 =	vunpack.i.u.bf16.f32 v28;
	v25 =	vmul.f32 v25, v4;
	(erf) = vpow2.f32 v46;
	v38 =	vpop (erf)  }
0xdb: {  	v26 =	vmul.f32 v26, v5;
	v46 =	vunpack.i.l.bf16.f32 v28;
	(erf) = vpow2.f32 v44  }
0xdc: {  	v20 =	vmul.f32 v20, v6;
	v28 =	vmul.f32 v36, v7;
	v44 =	vunpack.i.u.bf16.f32 v49  }
0xdd: {  	v21 =	vmul.f32 v21, v4;
	v25 =	vadd.f32 v25, v26;
	v26 =	vmul.f32 v34, v5  }
0xde: {  	v18 =	vmul.f32 v18, v6;
	v20 =	vadd.f32 v20, v28;
	v28 =	vmul.f32 v37, v7  }
0xdf: {  	v34 =	vmul.f32 v41, v5;
	v21 =	vadd.f32 v21, v26;
	v26 =	vmul.f32 v40, v4;
	(xrf2) =	vadd.scan.msk.f32 $0xffff, v25  }
0xe0: {  	v36 =	vadd.f32 v18, v28;
	v18 =	vmul.f32 v42, v6;
	v25 =	vmul.f32 v43, v7  }
0xe1: {  	v34 =	vadd.f32 v26, v34;
	v37 =	vmul.f32 v3, v31;
	v28 =	vbroadcast v35, $0xF  }
0xe2: {  	v41 =	vmul.f32 v1, v32;
	v42 =	vmul.f32 v3, v33;
	v40 =	vadd.f32 v18, v25;
	(xrf2) =	vadd.scan.msk.f32 $0xffff, v20  }
0xe3: {  	v47 =	vunpack.i.u.bf16.f32 v22;
	v48 =	vmul.f32 v1, v38;
	v43 =	vunpack.i.l.bf16.f32 v49;
	v35 =	vpop (erf)  }
0xe4: {  	v26 =	vunpack.i.u.bf16.f32 v53;
	v49 =	vunpack.i.l.bf16.f32 v22;
	v20 =	vpop (erf);
	(erf) = vpow2.f32 v28  }
0xe5: {  	v28 =	vunpack.i.l.bf16.f32 v53;
	v50 =	vmul.f32 v1, v35;
	v51 =	vmul.f32 v3, v20;
	(xrf2) =	vadd.scan.msk.f32 $0xffff, v21  }
0xe6: {  	v22 =	vunpack.i.l.bf16.f32 v57;
	v25 =	vunpack.i.u.bf16.f32 v57;
	v21 =	vunpack.i.u.bf16.f32 v39  }
0xe7: {  	v30 =	vadd.f32 v37, v30;
	v18 =	vunpack.i.l.bf16.f32 v39;
	v50 =	vadd.f32 v51, v50  }
0xe8: {  	v12 =	vmul.f32 v29, v12;
	v29 =	vmul.f32 v29, v11;
	(xrf2) =	vadd.scan.msk.f32 $0xffff, v36;
	v36 =	vadd.f32 v42, v41  }
0xe9: {  	s15 =	sadd.s32 $0xC0, s15;
	v16 =	vmul.f32 v31, v16;
	v13 =	vmul.f32 v31, v13;
	v37 =	vld [tilespmem:s14+$0x60];
	v41 =	vpack.i.f32.bf16 v0, v50;
	v39, _, _ =	vpop (xrf2)  }
0xea: {  	v15 =	vmul.f32 v32, v15;
	v11 =	vmovc v45;
	v30 =	vpack.i.f32.bf16 v0, v30;
	v42 =	vmul.f32 $1.442695020e+00, v39;
	v39 =	vld [tilespmem:s14+$0x70];
	[tilespmem:s15+$0x50] =	vst v41  }
0xeb: {  	v14 =	vmul.f32 v32, v14;
	v23 =	vmul.f32 v33, v23;
	(xrf2) =	vadd.scan.msk.f32 $0xffff, v34;
	v34 =	vpack.i.f32.bf16 v0, v36  }
0xec: {  	v29 =	vpack.i.f32.bf16 v29, v12;
	v32 =	vmul.f32 v33, v19;
	v41 =	vbroadcast v42, $0xF;
	v31, _, _ =	vpop (xrf2);
	[tilespmem:s16+$0xFFFFFFC0] =	vst v30  }
0xed: {  	v13 =	vpack.i.f32.bf16 v13, v16;
	v30 =	vmul.f32 v38, v27;
	v19 =	vmul.f32 $1.442695020e+00, v31;
	[tilespmem:s16+$0xFFFFFFF0] =	vst v34;
	v33 =	vpop (erf)  }
.Ltmp1:
0xee: {  	v12 =	vmovc v46;
	v31 =	vunpack.i.u.bf16.f32 v37;
	(erf) = vpow2.f32 v41;
	(xrf2) =	vadd.scan.msk.f32 $0xffff, v40;
	v40 =	vmul.f32 v3, v33;
	(pc) =	sbr.rel @p0 .LBB2_5-.Ltmp1, $4  }
0xef: {  	v34 =	vunpack.i.l.bf16.f32 v37;
	v19 =	vbroadcast v19, $0xF;
	v27 =	vunpack.i.u.bf16.f32 v39;
	v36, _, _ =	vpop (xrf2);
	[tilespmem:s16+$0xFFFFFFA0] =	vst v29  }
0xf0: {  	v16 =	vmovc v43;
	v29 =	vunpack.i.l.bf16.f32 v39;
	v36 =	vmul.f32 $1.442695020e+00, v36;
	[tilespmem:s16+$0xFFFFFFB0] =	vst v13;
	v39 =	vadd.f32 v40, v48;
	v13 =	vmovc v44  }
0xf1: {  	v17 =	vmul.f32 v38, v17;
	(erf) = vpow2.f32 v19;
	v19 =	vpack.i.f32.bf16 v14, v15;
	v14 =	vmovc v47;
	v15 =	vmovc v49  }
0xf2: {  	s18 =	sadd.s32 $0x80, s18;
	v24 =	vmul.f32 v33, v24;
	v36 =	vbroadcast v36, $0xF;
	v37, _, _ =	vpop (xrf2);
	[tilespmem:s16+$0xFFFFFFD0] =	vst v19;
	v19 =	vpack.i.f32.bf16 v0, v39  }
0xf3: {  	_ =	sdelay $0x1  }
0xf4: {  	v37 =	vmul.f32 $1.442695020e+00, v37;
	_ =	sdelay $0x1  }
0xf5: {  	v37 =	vbroadcast v37, $0xF;
	v38, _, _ =	vpop (xrf2)  }
0xf6: {  	(erf) = vpow2.f32 v36;
	v54 =	vmul.f32 $1.442695020e+00, v38;
	v55, _, _ =	vpop (xrf2)  }
0xf7: {  	(erf) = vpow2.f32 v37;
	v37 =	vmul.f32 $1.442695020e+00, v55  }
0xf8: {  	v36 =	vbroadcast v54, $0xF  }
0xf9: {  	v56 =	vbroadcast v37, $0xF  }
0xfa: {  	(erf) = vpow2.f32 v36  }
0xfb: {  	(erf) = vpow2.f32 v56  }
0xfc: {  	v10 =	vmul.f32 v33, v10;
	v57 =	vpop (erf)  }
0xfd: {  	v23 =	vpack.i.f32.bf16 v32, v23;
	[tilespmem:s16+$0x20] =	vst v19;
	v19 =	vmul.f32 v35, v34;
	v31 =	vmul.f32 v35, v31;
	v58 =	vpop (erf)  }
0xfe: {  	v17 =	vpack.i.f32.bf16 v17, v30;
	[tilespmem:s16+$0xFFFFFFE0] =	vst v23;
	v23 =	vmul.f32 v1, v57;
	v60 =	vmul.f32 v3, v58  }
0xff: {  	v8 =	vpack.i.f32.bf16 v9, v8;
	v10 =	vpack.i.f32.bf16 v10, v24;
	v9 =	vpack.i.f32.bf16 v31, v19  }
0x100: {  	[tilespmem:s15+$0x30] =	vst v9;
	v12 =	vmul.f32 v57, v12;
	v9 =	vmul.f32 v57, v11;
	v19 =	vadd.f32 v60, v23  }
0x101: {  	[tilespmem:s16+$0x0] =	vst v17;
	v11 =	vmul.f32 v58, v16;
	v13 =	vmul.f32 v58, v13;
	v59 =	vpop (erf)  }
0x102: {  	[tilespmem:s16+$0x40] =	vst v8;
	v17 =	vmul.f32 v1, v59;
	v15 =	vmul.f32 v59, v15;
	v30 =	vpop (erf)  }
0x103: {  	[tilespmem:s16+$0x10] =	vst v10;
	v9 =	vpack.i.f32.bf16 v9, v12;
	v14 =	vmul.f32 v59, v14;
	v24 =	vmul.f32 v3, v30;
	v10 =	vpop (erf)  }
0x104: {  	[tilespmem:s15+$0xFFFFFFA0] =	vst v9;
	v16 =	vpack.i.f32.bf16 v0, v19;
	v9 =	vmul.f32 v30, v28;
	v12 =	vmul.f32 v30, v26;
	v19 =	vpop (erf)  }
0x105: {  	v11 =	vpack.i.f32.bf16 v13, v11;
	[tilespmem:s15+$0xFFFFFFC0] =	vst v16;
	v8 =	vmul.f32 v1, v10;
	v16 =	vmul.f32 v3, v19  }
0x106: {  	[tilespmem:s15+$0xFFFFFFB0] =	vst v11;
	v11 =	vpack.i.f32.bf16 v14, v15;
	v17 =	vadd.f32 v24, v17  }
0x107: {  	[tilespmem:s15+$0xFFFFFFD0] =	vst v11;
	v9 =	vpack.i.f32.bf16 v12, v9;
	v8 =	vadd.f32 v16, v8  }
0x108: {  	v13 =	vmul.f32 v10, v22;
	v10 =	vmul.f32 v10, v25;
	[tilespmem:s15+$0xFFFFFFE0] =	vst v9;
	v17 =	vpack.i.f32.bf16 v0, v17  }
0x109: {  	[tilespmem:s15+$0xFFFFFFF0] =	vst v17;
	v11 =	vmul.f32 v19, v18;
	v12 =	vmul.f32 v19, v21;
	v8 =	vpack.i.f32.bf16 v0, v8  }
0x10a: {  	v14 =	vmul.f32 v20, v27;
	v9 =	vpack.i.f32.bf16 v10, v13;
	[tilespmem:s15+$0x20] =	vst v8;
	v8 =	vmul.f32 v20, v29  }
0x10b: {  	s14 =	smul.u32 $0xA00, s10;
	[tilespmem:s15+$0x0] =	vst v9;
	v9 =	vpack.i.f32.bf16 v12, v11  }
0x10c: {  	[tilespmem:s15+$0x10] =	vst v9;
	v8 =	vpack.i.f32.bf16 v14, v8  }
0x10d: {  	s14 =	sshra.s32 s14, $0x2;
	[tilespmem:s15+$0x40] =	vst v8  }
0x10e: {  	[spmem:s2] =	stream.indirect.scatter.add.bf16 [tilespmem:s30], [sflag:$0x5], $0x30, s14, s22, $0xb8;
	[tilespmem:$0x1DD20] =	vst v63  }
0x10f: {  	_ =	swait.ge [sflag:s31], $0x1400  }
0x110: {  	[sflag:s31] =	ssyncset.done $0x0  }
0x111: {  	[sflag:s31] =	ssyncadd.s32 $0xFFFFEC00  }
0x112: {  	_ =	swait.ge [sflag:s1], $0x2800  }
0x113: {  	[sflag:s1] =	ssyncset.done $0x0  }
0x114: {  	[sflag:s1] =	ssyncadd.s32 $0xFFFFD800  }
0x115: {  	_ =	swait.ge [sflag:s21], $0x1E00  }
0x116: {  	[sflag:s21] =	ssyncset.done $0x0  }
0x117: {  	s18 =	sadd.s32 $0x280, s14;
	[sflag:s21] =	ssyncadd.s32 $0xFFFFE200  }
0x118: {  	[tilespmem:s23], [sflag:$0x1] =	stream.indirect.gather [hbm4b:s11+s22], $0x20, s18, s22, $0xb8;
	[tilespmem:$0x1DD20] =	vst v63  }
0x119: {  	s16 =	simm.s32 $0xB0B0;
	s14 =	sadd.s32 $0x320, s14  }
0x11a: {  	[tilespmem:s24], [sflag:$0x3] =	stream.indirect.gather [hbm4b:s12+s22], $0x40, s14, s22, $0xb8;
	[tilespmem:$0x1DD20] =	vst v63  }
0x11b: {  	s17 =	simm.s32 $0xED30;
	v8 =	vld [tilespmem:s16+$0xFFFFFFF0]  }
0x11c: {  	v9 =	vld [tilespmem:s17+$0xFFFFFFD0]  }
0x11d: {  	v10 =	vld [tilespmem:s16+$0x0]  }
0x11e: {  	v15 =	vld [tilespmem:s16+$0xFFFFFFA0]  }
0x11f: {  	v16 =	vld [tilespmem:s17+$0xFFFFFF50]  }
0x120: {  	v11 =	vld [tilespmem:s17+$0xFFFFFFE0]  }
0x121: {  	v12 =	vunpack.i.u.bf16.f32 v8  }
0x122: {  	v8 =	vunpack.i.l.bf16.f32 v8;
	v13 =	vunpack.i.u.bf16.f32 v9;
	v9 =	vunpack.i.l.bf16.f32 v9  }
0x123: {  	v14 =	vunpack.i.u.bf16.f32 v10;
	v10 =	vunpack.i.l.bf16.f32 v10;
	v18 =	vunpack.i.u.bf16.f32 v15  }
0x124: {  	v17 =	vld [tilespmem:s16+$0xFFFFFFC0];
	v15 =	vunpack.i.l.bf16.f32 v15;
	v23 =	vunpack.i.u.bf16.f32 v16;
	v8 =	vadd.f32 v9, v8  }
0x125: {  	v19 =	vld [tilespmem:s16+$0xFFFFFF90];
	v9 =	vadd.f32 v13, v12;
	v13 =	vunpack.i.u.bf16.f32 v11;
	v11 =	vunpack.i.l.bf16.f32 v11  }
0x126: {  	v10 =	vadd.f32 v11, v10;
	v11 =	vadd.f32 v13, v14;
	v13 =	vld [tilespmem:s17+$0xFFFFFF20];
	v8 =	vmax.f32 v8, $0.0e+00  }
0x127: {  	v16 =	vunpack.i.l.bf16.f32 v16;
	v14 =	vld [tilespmem:s16+$0xFFFFFFB0];
	v9 =	vmax.f32 v9, $0.0e+00;
	v8 =	vmul.f32 v8, v4  }
0x128: {  	v12 =	vld [tilespmem:s17+$0xFFFFFF10];
	v9 =	vmul.f32 v9, v5;
	v10 =	vmax.f32 v10, $0.0e+00;
	v11 =	vmax.f32 v11, $0.0e+00  }
0x129: {  	v24 =	vunpack.i.u.bf16.f32 v17;
	v10 =	vmul.f32 v10, v6;
	v11 =	vmul.f32 v11, v7  }
0x12a: {  	v27 =	vld [tilespmem:s17+$0xFFFFFFA0];
	v17 =	vunpack.i.l.bf16.f32 v17;
	v28 =	vunpack.i.u.bf16.f32 v19;
	v19 =	vunpack.i.l.bf16.f32 v19  }
0x12b: {  	v21 =	vld [tilespmem:s16+$0xFFFFFFE0];
	v8 =	vadd.f32 v8, v9;
	v10 =	vadd.f32 v10, v11;
	v20 =	vunpack.i.u.bf16.f32 v13  }
0x12c: {  	v13 =	vunpack.i.l.bf16.f32 v13;
	v22 =	vunpack.i.u.bf16.f32 v14;
	v14 =	vunpack.i.l.bf16.f32 v14  }
0x12d: {  	v9 =	vld [tilespmem:s17+$0xFFFFFF60];
	(xrf2) =	vadd.scan.msk.f32 $0xffff, v8;
	v8 =	vunpack.i.u.bf16.f32 v12;
	v13 =	vadd.f32 v13, v15;
	v15 =	vadd.f32 v20, v18  }
0x12e: {  	v12 =	vunpack.i.l.bf16.f32 v12;
	v14 =	vadd.f32 v16, v14;
	v20 =	vadd.f32 v23, v22;
	(xrf2) =	vadd.scan.msk.f32 $0xffff, v10  }
0x12f: {  	v11 =	vld [tilespmem:s16+$0xFFFFFFD0];
	v18 =	vunpack.i.l.bf16.f32 v27;
	v12 =	vadd.f32 v12, v19;
	v8 =	vadd.f32 v8, v28  }
0x130: {  	v19 =	vunpack.i.l.bf16.f32 v21;
	v13 =	vmax.f32 v13, $0.0e+00;
	v15 =	vmax.f32 v15, $0.0e+00  }
0x131: {  	v10 =	vld [tilespmem:s17+$0xFFFFFF90];
	v14 =	vmax.f32 v14, $0.0e+00;
	v12 =	vmax.f32 v12, $0.0e+00;
	v8 =	vmax.f32 v8, $0.0e+00  }
0x132: {  	v25 =	vunpack.i.u.bf16.f32 v9;
	v12 =	vmul.f32 v12, v4;
	v8 =	vmul.f32 v8, v5  }
0x133: {  	v9 =	vunpack.i.l.bf16.f32 v9;
	v13 =	vmul.f32 v13, v6;
	v15 =	vmul.f32 v15, v7  }
0x134: {  	v26 =	vunpack.i.u.bf16.f32 v11;
	v9 =	vadd.f32 v9, v17;
	v8 =	vadd.f32 v12, v8  }
0x135: {  	v11 =	vunpack.i.l.bf16.f32 v11;
	v13 =	vadd.f32 v13, v15;
	v15 =	vadd.f32 v18, v19  }
0x136: {  	v29 =	vunpack.i.u.bf16.f32 v10;
	v10 =	vunpack.i.l.bf16.f32 v10;
	(xrf2) =	vadd.scan.msk.f32 $0xffff, v8;
	v8 =	vmax.f32 v20, $0.0e+00  }
0x137: {  	v10 =	vadd.f32 v10, v11;
	v11 =	vmul.f32 v14, v4;
	v8 =	vmul.f32 v8, v5;
	v16, _, _ =	vpop (xrf2)  }
0x138: {  	v12 =	vadd.f32 v25, v24;
	v9 =	vmax.f32 v9, $0.0e+00;
	v17, _, _ =	vpop (xrf2);
	v16 =	vmul.f32 $1.442695020e+00, v16  }
0x139: {  	s18 =	simm.s32 $0xB130;
	v8 =	vadd.f32 v11, v8;
	v11 =	vadd.f32 v29, v26;
	v17 =	vmul.f32 $1.442695020e+00, v17  }
0x13a: {  	s14 =	simm.s32 $0xEE30;
	v40 =	vld [tilespmem:s18+$0xFFFFFFD0];
	v9 =	vmul.f32 v9, v6;
	v12 =	vmax.f32 v12, $0.0e+00;
	v16 =	vbroadcast v16, $0xF  }
0x13b: {  	v41 =	vld [tilespmem:s14+$0xFFFFFF90];
	v12 =	vmul.f32 v12, v7;
	v11 =	vmax.f32 v11, $0.0e+00;
	v17 =	vbroadcast v17, $0xF  }
0x13c: {  	v44 =	vld [tilespmem:s14+$0xFFFFFFA0];
	v14 =	vunpack.i.u.bf16.f32 v27;
	v11 =	vmul.f32 v11, v5;
	(erf) = vpow2.f32 v16  }
0x13d: {  	v45 =	vld [tilespmem:s18+$0xFFFFFF90];
	(xrf2) =	vadd.scan.msk.f32 $0xffff, v13;
	v13 =	vunpack.i.u.bf16.f32 v21;
	v10 =	vmax.f32 v10, $0.0e+00;
	(erf) = vpow2.f32 v17  }
0x13e: {  	v13 =	vadd.f32 v14, v13;
	v10 =	vmul.f32 v10, v4;
	v14 =	vld [tilespmem:s17+$0xFFFFFF70];
	v9 =	vadd.f32 v9, v12  }
0x13f: {  	v47 =	vunpack.i.u.bf16.f32 v40;
	v15 =	vmax.f32 v15, $0.0e+00;
	v12 =	vld [tilespmem:s17+$0xFFFFFF40];
	(xrf2) =	vadd.scan.msk.f32 $0xffff, v8  }
0x140: {  	v8 =	vld [tilespmem:s17+$0xFFFFFF30];
	(xrf2) =	vadd.scan.msk.f32 $0xffff, v9;
	v9 =	vmax.f32 v13, $0.0e+00;
	v13 =	vmul.f32 v15, v6;
	v10 =	vadd.f32 v10, v11;
	v11, _, _ =	vpop (xrf2)  }
0x141: {  	v63 =	vunpack.i.u.bf16.f32 v41;
	v15 =	vld [tilespmem:s17+$0xFFFFFF80];
	v9 =	vmul.f32 v9, v7;
	v11 =	vmul.f32 $1.442695020e+00, v11  }
0x142: {  	v41 =	vunpack.i.l.bf16.f32 v41;
	v49 =	vunpack.i.u.bf16.f32 v44;
	v51 =	vunpack.i.u.bf16.f32 v45  }
0x143: {  	v45 =	vunpack.i.l.bf16.f32 v45;
	v44 =	vunpack.i.l.bf16.f32 v44;
	v16 =	vld [tilespmem:s17+$0xFFFFFFB0];
	(xrf2) =	vadd.scan.msk.f32 $0xffff, v10;
	v10 =	vbroadcast v11, $0xF  }
0x144: {  	v18 =	vld [tilespmem:s17+$0xFFFFFFF0];
	v23 =	vunpack.i.u.bf16.f32 v14;
	v29 =	vunpack.i.l.bf16.f32 v14;
	v27 =	vunpack.i.u.bf16.f32 v12  }
0x145: {  	v21 =	vld [tilespmem:s18+$0x0];
	v33 =	vunpack.i.l.bf16.f32 v12;
	v13 =	vadd.f32 v13, v9;
	(erf) = vpow2.f32 v10;
	v9 =	vpop (erf)  }
0x146: {  	v26 =	vld [tilespmem:s18+$0xFFFFFFB0];
	v31 =	vunpack.i.u.bf16.f32 v8;
	v32 =	vunpack.i.l.bf16.f32 v8;
	v24 =	vunpack.i.u.bf16.f32 v15;
	v11 =	vpop (erf)  }
0x147: {  	v8 =	vld [tilespmem:s17+$0xFFFFFFC0];
	v17, _, _ =	vpop (xrf2);
	v34 =	vunpack.i.l.bf16.f32 v15;
	v12 =	vmul.f32 v1, v9;
	v14 =	vmul.f32 v3, v11  }
0x148: {  	v15 =	vmul.f32 $1.442695020e+00, v17;
	v17 =	vunpack.i.u.bf16.f32 v16;
	v30 =	vunpack.i.l.bf16.f32 v16  }
0x149: {  	(xrf2) =	vadd.scan.msk.f32 $0xffff, v13;
	v13 =	vld [tilespmem:s14+$0xFFFFFF60];
	v16 =	vunpack.i.l.bf16.f32 v18;
	v18 =	vunpack.i.u.bf16.f32 v18;
	v12 =	vadd.f32 v14, v12  }
0x14a: {  	v28 =	vunpack.i.u.bf16.f32 v21;
	v10, _, _ =	vpop (xrf2);
	v16 =	vmul.f32 v9, v16;
	v9 =	vmul.f32 v9, v18;
	v14 =	vld [tilespmem:s17+$0x0]  }
0x14b: {  	v43 =	vunpack.i.u.bf16.f32 v26;
	v26 =	vunpack.i.l.bf16.f32 v26;
	v20 =	vmul.f32 $1.442695020e+00, v10  }
0x14c: {  	v15 =	vbroadcast v15, $0xF;
	v19 =	vunpack.i.l.bf16.f32 v8;
	v37 =	vpack.i.f32.bf16 v9, v16;
	v16 =	vld [tilespmem:s14+$0xFFFFFF20]  }
0x14d: {  	v10 =	vunpack.i.u.bf16.f32 v8;
	v8 =	vbroadcast v20, $0xF;
	v20 =	vld [tilespmem:s14+$0xFFFFFFD0];
	v36 =	vpack.i.f32.bf16 v0, v12;
	v12, _, _ =	vpop (xrf2)  }
0x14e: {  	(erf) = vpow2.f32 v15;
	v15 =	vld [tilespmem:s18+$0xFFFFFFF0];
	v62 =	vunpack.i.u.bf16.f32 v13;
	v13 =	vunpack.i.l.bf16.f32 v13;
	v38 =	vpop (erf)  }
0x14f: {  	(erf) = vpow2.f32 v8;
	v12 =	vmul.f32 $1.442695020e+00, v12;
	v8 =	vunpack.i.l.bf16.f32 v14;
	v18, _, _ =	vpop (xrf2)  }
0x150: {  	v22 =	vld [tilespmem:s14+$0xFFFFFFE0];
	v14 =	vunpack.i.u.bf16.f32 v14;
	v39 =	vmul.f32 v1, v38;
	v18 =	vmul.f32 $1.442695020e+00, v18  }
0x151: {  	v42 =	vunpack.i.u.bf16.f32 v16;
	v9 =	vmul.f32 v11, v14;
	v12 =	vbroadcast v12, $0xF  }
0x152: {  	v14 =	vbroadcast v18, $0xF;
	v18 =	vunpack.i.u.bf16.f32 v20;
	v20 =	vunpack.i.l.bf16.f32 v20  }
0x153: {  	(erf) = vpow2.f32 v12;
	v12 =	vunpack.i.u.bf16.f32 v15;
	v15 =	vunpack.i.l.bf16.f32 v15  }
0x154: {  	v8 =	vmul.f32 v11, v8;
	v15 =	vadd.f32 v20, v15;
	v12 =	vadd.f32 v18, v12  }
0x155: {  	v25 =	vld [tilespmem:s14+$0xFFFFFF10];
	v20 =	vunpack.i.l.bf16.f32 v21;
	v21 =	vunpack.i.u.bf16.f32 v22;
	v22 =	vunpack.i.l.bf16.f32 v22  }
0x156: {  	v11 =	vld [tilespmem:s18+$0xFFFFFFA0];
	v20 =	vadd.f32 v22, v20;
	v21 =	vadd.f32 v21, v28;
	v15 =	vmax.f32 v15, $0.0e+00  }
0x157: {  	v32 =	vmul.f32 v38, v32;
	v12 =	vmax.f32 v12, $0.0e+00;
	v15 =	vmul.f32 v15, v4  }
0x158: {  	v12 =	vmul.f32 v12, v5;
	v20 =	vmax.f32 v20, $0.0e+00;
	v21 =	vmax.f32 v21, $0.0e+00  }
0x159: {  	v16 =	vunpack.i.l.bf16.f32 v16;
	v20 =	vmul.f32 v20, v6;
	v21 =	vmul.f32 v21, v7  }
0x15a: {  	v31 =	vmul.f32 v38, v31;
	v18 =	vld [tilespmem:s14+$0xFFFFFF50];
	v22 =	vunpack.i.u.bf16.f32 v25;
	v12 =	vadd.f32 v15, v12  }
0x15b: {  	v61 =	vld [tilespmem:s18+$0xFFFFFFC0];
	v25 =	vunpack.i.l.bf16.f32 v25;
	v28 =	vunpack.i.u.bf16.f32 v11;
	v20 =	vadd.f32 v20, v21  }
0x15c: {  	v50, _, _ =	vpop (xrf2);
	v11 =	vunpack.i.l.bf16.f32 v11;
	v25 =	vadd.f32 v25, v45;
	v22 =	vadd.f32 v22, v51;
	(xrf2) =	vadd.scan.msk.f32 $0xffff, v12  }
0x15d: {  	v54 =	vmul.f32 $1.442695020e+00, v50;
	v11 =	vadd.f32 v16, v11;
	v16 =	vadd.f32 v42, v28;
	(xrf2) =	vadd.scan.msk.f32 $0xffff, v20  }
0x15e: {  	(erf) = vpow2.f32 v14;
	v14 =	vmax.f32 v25, $0.0e+00;
	v22 =	vmax.f32 v22, $0.0e+00  }
0x15f: {  	v16 =	vmax.f32 v16, $0.0e+00;
	v46 =	vunpack.i.u.bf16.f32 v18;
	v14 =	vmul.f32 v14, v4  }
0x160: {  	v22 =	vmul.f32 v22, v5;
	v16 =	vmul.f32 v16, v7;
	v21 =	vunpack.i.l.bf16.f32 v61  }
0x161: {  	v25 =	vadd.f32 v46, v43;
	v12 =	vunpack.i.l.bf16.f32 v18;
	v18 =	vunpack.i.u.bf16.f32 v61  }
0x162: {  	v13 =	vadd.f32 v13, v21;
	v21 =	vmax.f32 v11, $0.0e+00;
	v14 =	vadd.f32 v14, v22  }
0x163: {  	v15 =	vld [tilespmem:s18+$0xFFFFFFE0];
	v20 =	vunpack.i.l.bf16.f32 v40;
	v12 =	vadd.f32 v12, v26;
	v18 =	vadd.f32 v62, v18  }
0x164: {  	v25 =	vmax.f32 v25, $0.0e+00;
	v21 =	vmul.f32 v21, v6;
	v40 =	vpop (erf);
	v11 =	vadd.f32 v41, v20  }
0x165: {  	v20 =	vadd.f32 v63, v47;
	v55 =	vmax.f32 v13, $0.0e+00;
	v25 =	vmul.f32 v25, v5;
	v57 =	vpop (erf)  }
0x166: {  	v33 =	vmul.f32 v40, v33;
	v27 =	vmul.f32 v40, v27;
	v62 =	vmax.f32 v12, $0.0e+00;
	v28, _, _ =	vpop (xrf2)  }
0x167: {  	v16 =	vadd.f32 v21, v16;
	v21 =	vmul.f32 v55, v6;
	v12 =	vmul.f32 $1.442695020e+00, v28;
	v28, _, _ =	vpop (xrf2)  }
0x168: {  	v48 =	vunpack.i.u.bf16.f32 v15;
	v55 =	vmul.f32 v57, v29;
	v13 =	vmul.f32 $1.442695020e+00, v28  }
0x169: {  	v18 =	vmax.f32 v18, $0.0e+00;
	v22 =	vmul.f32 v62, v4;
	v12 =	vbroadcast v12, $0xF  }
0x16a: {  	v15 =	vunpack.i.l.bf16.f32 v15;
	v18 =	vmul.f32 v18, v7;
	v13 =	vbroadcast v13, $0xF  }
0x16b: {  	v47 =	vpop (erf);
	v15 =	vadd.f32 v44, v15;
	v62 =	vmul.f32 v1, v57;
	(erf) = vpow2.f32 v12  }
0x16c: {  	v63 =	vld [tilespmem:s14+$0xFFFFFF40];
	v20 =	vmax.f32 v20, $0.0e+00;
	v45 =	vpop (erf);
	v52 =	vmul.f32 v3, v47;
	(erf) = vpow2.f32 v13  }
0x16d: {  	(xrf2) =	vadd.scan.msk.f32 $0xffff, v14;
	v61 =	vadd.f32 v49, v48;
	v20 =	vmul.f32 v20, v5;
	v41 =	vmul.f32 v1, v45  }
0x16e: {  	v58 =	vld [tilespmem:s14+$0xFFFFFFB0];
	(xrf2) =	vadd.scan.msk.f32 $0xffff, v16;
	v30 =	vmul.f32 v45, v30;
	v17 =	vmul.f32 v45, v17;
	v15 =	vmax.f32 v15, $0.0e+00  }
0x16f: {  	v26 =	vld [tilespmem:s14+$0xFFFFFF30];
	v35 =	vmax.f32 v61, $0.0e+00;
	v22 =	vadd.f32 v22, v25;
	v59 =	vadd.f32 v21, v18  }
0x170: {  	v61 =	vmul.f32 v3, v40;
	v21 =	vbroadcast v54, $0xF;
	v49 =	vadd.f32 v52, v62  }
0x171: {  	v56 =	vld [tilespmem:s14+$0xFFFFFF80];
	v14 =	vmul.f32 v15, v6;
	v15 =	vmul.f32 v35, v7;
	v16 =	vunpack.i.l.bf16.f32 v63  }
0x172: {  	v51 =	vld [tilespmem:s14+$0xFFFFFFF0];
	v39 =	vadd.f32 v61, v39;
	v28 =	vmax.f32 v11, $0.0e+00;
	(erf) = vpow2.f32 v21  }
0x173: {  	v29 =	vpack.i.f32.bf16 v0, v49;
	v50 =	vadd.f32 v14, v15;
	(xrf2) =	vadd.scan.msk.f32 $0xffff, v22;
	v25 =	vmul.f32 v28, v4  }
0x174: {  	v22 =	vunpack.i.l.bf16.f32 v58;
	v11 =	vunpack.i.u.bf16.f32 v26;
	v12 =	vunpack.i.l.bf16.f32 v26;
	v26 =	vld [tilespmem:s14+$0xFFFFFF70];
	v35 =	vpop (erf)  }
0x175: {  	v39 =	vpack.i.f32.bf16 v0, v39;
	(xrf2) =	vadd.scan.msk.f32 $0xffff, v59;
	v59 =	vpack.i.f32.bf16 v31, v32;
	v60 =	vadd.f32 v25, v20;
	v20 =	vpop (erf)  }
0x176: {  	s16 =	simm.s32 $0x132F0;
	v18 =	vld [tilespmem:s14+$0xFFFFFFC0];
	v13 =	vunpack.i.u.bf16.f32 v63;
	v63 =	vmul.f32 v1, v35;
	v53 =	vmul.f32 v3, v20  }
0x177: {  	[tilespmem:s16+$0xFFFFFFE0] =	vst v37;
	v54 =	vld [tilespmem:s14+$0x0];
	v32 =	vmul.f32 v47, v24;
	v31 =	vunpack.i.u.bf16.f32 v51;
	v52, _, _ =	vpop (xrf2);
	v28 =	vunpack.i.l.bf16.f32 v56  }
0x178: {  	[tilespmem:s16+$0x0] =	vst v36;
	v25 =	vunpack.i.u.bf16.f32 v58;
	v58, _, _ =	vpop (xrf2);
	v42 =	vadd.f32 v53, v63;
	v53 =	vmul.f32 $1.442695020e+00, v52  }
0x179: {  	v24 =	vmul.f32 $1.442695020e+00, v58;
	(xrf2) =	vadd.scan.msk.f32 $0xffff, v60;
	v14 =	vunpack.i.u.bf16.f32 v26;
	v15 =	vunpack.i.l.bf16.f32 v26  }
0x17a: {  	[tilespmem:s16+$0xFFFFFFA0] =	vst v29;
	v26 =	vunpack.i.u.bf16.f32 v56;
	v56 =	vmul.f32 v57, v23;
	v57 =	vbroadcast v53, $0xF  }
0x17b: {  	[tilespmem:s16+$0xFFFFFF70] =	vst v39;
	v21 =	vunpack.i.u.bf16.f32 v18;
	v18 =	vunpack.i.l.bf16.f32 v18;
	v60 =	vpack.i.f32.bf16 v27, v33;
	v33 =	vpop (erf)  }
0x17c: {  	v27 =	vunpack.i.u.bf16.f32 v54;
	(xrf2) =	vadd.scan.msk.f32 $0xffff, v50;
	v61 =	vmul.f32 v3, v33;
	(erf) = vpow2.f32 v57  }
0x17d: {  	[tilespmem:s16+$0xFFFFFF50] =	vst v59;
	v24 =	vbroadcast v24, $0xF;
	v23 =	vmul.f32 v47, v34;
	v34 =	vunpack.i.l.bf16.f32 v51;
	v29, _, _ =	vpop (xrf2)  }
0x17e: {  	s15 =	simm.s32 $0x133B0;
	[tilespmem:s16+$0xFFFFFF60] =	vst v60;
	v62 =	vmul.f32 $1.442695020e+00, v29;
	v63 =	vadd.f32 v61, v41;
	v42 =	vpack.i.f32.bf16 v0, v42  }
0x17f: {  	v29 =	vunpack.i.l.bf16.f32 v54;
	[tilespmem:s15+$0x0] =	vst v42;
	(erf) = vpow2.f32 v24;
	v24 =	vpack.i.f32.bf16 v56, v55  }
0x180: {  	s17 =	simm.s32 $0x4;
	s18 =	simm.s32 $0xB1B0;
	v37, _, _ =	vpop (xrf2);
	v36 =	vbroadcast v62, $0xF;
	[tilespmem:s16+$0xFFFFFF80] =	vst v24;
	v24 =	vmul.f32 v33, v19;
	v19 =	vpack.i.f32.bf16 v0, v63  }
.LBB2_7:
0x181: {  	v38 =	vld [tilespmem:s18+$0xFFFFFFF0];
	v37 =	vmul.f32 $1.442695020e+00, v37;
	s14 =	sadd.s32 $0x100, s14;
	v39 =	vpack.i.f32.bf16 v32, v23;
	v10 =	vmul.f32 v33, v10;
	[tilespmem:s16+$0xFFFFFFD0] =	vst v19;
	v19 =	vmovc v26  }
0x182: {  	v32 =	vmul.f32 v35, v34;
	v34 =	vpack.i.f32.bf16 v17, v30;
	v23 =	vmovc v28;
	v26 =	vld [tilespmem:s14+$0xFFFFFFD0];
	(erf) = vpow2.f32 v36;
	[tilespmem:s16+$0xFFFFFF90] =	vst v39  }
0x183: {  	v31 =	vmul.f32 v35, v31;
	v28 =	vld [tilespmem:s18+$0x0];
	v30 =	vbroadcast v37, $0xF;
	v33, _, _ =	vpop (xrf2);
	[tilespmem:s16+$0xFFFFFFB0] =	vst v34;
	v10 =	vpack.i.f32.bf16 v10, v24  }
0x184: {  	v17 =	vmovc v25;
	v24 =	vld [tilespmem:s14+$0xFFFFFFE0];
	v33 =	vmul.f32 $1.442695020e+00, v33;
	[tilespmem:s16+$0xFFFFFFC0] =	vst v10;
	v10 =	vpack.i.f32.bf16 v9, v8;
	v8 =	vmul.f32 v20, v29  }
0x185: {  	s17 =	sadd.s32 $0x4, s17;
	v31 =	vpack.i.f32.bf16 v31, v32;
	v9 =	vmul.f32 v20, v27;
	v25 =	vld [tilespmem:s14+$0xFFFFFF10];
	v29 =	vpop (erf);
	(erf) = vpow2.f32 v30;
	[tilespmem:s16+$0xFFFFFFF0] =	vst v10;
	s16 =	smov.u32 s15  }
0x186: {  	p0 =	slt.u32 s17, $0x9C;
	v20 =	vld [tilespmem:s18+$0xFFFFFFA0];
	v32 =	vunpack.i.u.bf16.f32 v38;
	v30 =	vmul.f32 v1, v29;
	v34 =	vbroadcast v33, $0xF;
	[tilespmem:s15+$0xFFFFFFE0] =	vst v31;
	v35, _, _ =	vpop (xrf2)  }
0x187: {  	v27 =	vmovc v22;
	v37 =	vunpack.i.l.bf16.f32 v38;
	v36 =	vld [tilespmem:s14+$0xFFFFFF20];
	v33 =	vunpack.i.u.bf16.f32 v26;
	v26 =	vunpack.i.l.bf16.f32 v26;
	v10 =	vmovc v21  }
0x188: {  	v21 =	vld [tilespmem:s18+$0xFFFFFFB0];
	v22 =	vunpack.i.u.bf16.f32 v28;
	v26 =	vadd.f32 v26, v37;
	v40 =	vadd.f32 v33, v32;
	v31 =	vpop (erf)  }
0x189: {  	v28 =	vunpack.i.l.bf16.f32 v28;
	v37 =	vld [tilespmem:s14+$0xFFFFFF50];
	v33 =	vunpack.i.u.bf16.f32 v24;
	v38 =	vunpack.i.l.bf16.f32 v24;
	v24 =	vmovc v18  }
0x18a: {  	v18 =	vld [tilespmem:s18+$0xFFFFFFC0];
	v26 =	vmax.f32 v26, $0.0e+00;
	v39 =	vmax.f32 v40, $0.0e+00;
	v28 =	vadd.f32 v38, v28  }
0x18b: {  	v22 =	vadd.f32 v33, v22;
	v38 =	vld [tilespmem:s14+$0xFFFFFF60];
	v26 =	vmul.f32 v26, v4;
	v44 =	vmul.f32 v39, v5;
	v32 =	vpop (erf)  }
0x18c: {  	v39 =	vunpack.i.u.bf16.f32 v25;
	v25 =	vunpack.i.l.bf16.f32 v25;
	v40 =	vunpack.i.u.bf16.f32 v20;
	v41 =	vld [tilespmem:s18+$0xFFFFFFD0]  }
0x18d: {  	v28 =	vmax.f32 v28, $0.0e+00;
	v22 =	vmax.f32 v22, $0.0e+00;
	v42 =	vld [tilespmem:s14+$0xFFFFFF90];
	v26 =	vadd.f32 v26, v44  }
0x18e: {  	v20 =	vunpack.i.l.bf16.f32 v20;
	v28 =	vmul.f32 v28, v6;
	v22 =	vmul.f32 v22, v7;
	v43 =	vld [tilespmem:s18+$0xFFFFFFE0];
	v33 =	vpop (erf)  }
0x18f: {  	v44 =	vunpack.i.u.bf16.f32 v36;
	v36 =	vunpack.i.l.bf16.f32 v36;
	v45 =	vunpack.i.u.bf16.f32 v21;
	v46 =	vld [tilespmem:s14+$0xFFFFFFA0];
	(xrf2) =	vadd.scan.msk.f32 $0xffff, v26  }
0x190: {  	v21 =	vunpack.i.l.bf16.f32 v21;
	v47 =	vunpack.i.u.bf16.f32 v37;
	v22 =	vadd.f32 v28, v22;
	v26 =	vld [tilespmem:s18+$0xFFFFFF90]  }
0x191: {  	v37 =	vunpack.i.l.bf16.f32 v37;
	v48 =	vunpack.i.u.bf16.f32 v18;
	v18 =	vunpack.i.l.bf16.f32 v18;
	v28 =	vld [tilespmem:s14+$0xFFFFFF30]  }
0x192: {  	v50 =	vunpack.i.u.bf16.f32 v38;
	v38 =	vunpack.i.l.bf16.f32 v38;
	v51 =	vunpack.i.u.bf16.f32 v41;
	v49 =	vld [tilespmem:s14+$0xFFFFFF40];
	(xrf2) =	vadd.scan.msk.f32 $0xffff, v22  }
0x193: {  	v41 =	vunpack.i.l.bf16.f32 v41;
	v52 =	vunpack.i.u.bf16.f32 v42;
	v42 =	vunpack.i.l.bf16.f32 v42;
	v22 =	vld [tilespmem:s14+$0xFFFFFF70]  }
0x194: {  	v54 =	vunpack.i.u.bf16.f32 v43;
	v43 =	vunpack.i.l.bf16.f32 v43;
	v53 =	vld [tilespmem:s14+$0xFFFFFF80];
	v55 =	vunpack.i.u.bf16.f32 v46  }
0x195: {  	v46 =	vunpack.i.l.bf16.f32 v46;
	v56 =	vunpack.i.u.bf16.f32 v26;
	v26 =	vunpack.i.l.bf16.f32 v26;
	v57 =	vld [tilespmem:s14+$0xFFFFFFB0]  }
0x196: {  	v35 =	vmul.f32 $1.442695020e+00, v35;
	v25 =	vadd.f32 v25, v26;
	v26 =	vadd.f32 v39, v56;
	v39 =	vld [tilespmem:s14+$0xFFFFFFC0]  }
0x197: {  	v20 =	vadd.f32 v36, v20;
	v36 =	vadd.f32 v44, v40;
	(erf) = vpow2.f32 v34  }
0x198: {  	v21 =	vadd.f32 v37, v21;
	v34 =	vadd.f32 v47, v45;
	v25 =	vmax.f32 v25, $0.0e+00  }
0x199: {  	v18 =	vadd.f32 v38, v18;
	v37 =	vadd.f32 v50, v48;
	v26 =	vmax.f32 v26, $0.0e+00;
	v38, _, _ =	vpop (xrf2)  }
0x19a: {  	v20 =	vmax.f32 v20, $0.0e+00;
	v40 =	vadd.f32 v42, v41;
	v41 =	vadd.f32 v52, v51  }
0x19b: {  	v36 =	vmax.f32 v36, $0.0e+00;
	v42 =	vadd.f32 v46, v43;
	v43 =	vadd.f32 v55, v54  }
0x19c: {  	v21 =	vmax.f32 v21, $0.0e+00;
	v34 =	vmax.f32 v34, $0.0e+00;
	v38 =	vmul.f32 $1.442695020e+00, v38;
	v44, _, _ =	vpop (xrf2)  }
0x19d: {  	v18 =	vmax.f32 v18, $0.0e+00;
	v37 =	vmax.f32 v37, $0.0e+00;
	v44 =	vmul.f32 $1.442695020e+00, v44  }
0x19e: {  	v40 =	vmax.f32 v40, $0.0e+00;
	v41 =	vmax.f32 v41, $0.0e+00;
	v46 =	vbroadcast v38, $0xF  }
0x19f: {  	v42 =	vmax.f32 v42, $0.0e+00;
	v43 =	vmax.f32 v43, $0.0e+00;
	v44 =	vbroadcast v44, $0xF  }
0x1a0: {  	v45 =	vunpack.i.u.bf16.f32 v28;
	v25 =	vmul.f32 v25, v4;
	(erf) = vpow2.f32 v46;
	v38 =	vpop (erf)  }
0x1a1: {  	v26 =	vmul.f32 v26, v5;
	v46 =	vunpack.i.l.bf16.f32 v28;
	(erf) = vpow2.f32 v44  }
0x1a2: {  	v20 =	vmul.f32 v20, v6;
	v28 =	vmul.f32 v36, v7;
	v44 =	vunpack.i.u.bf16.f32 v49  }
0x1a3: {  	v21 =	vmul.f32 v21, v4;
	v25 =	vadd.f32 v25, v26;
	v26 =	vmul.f32 v34, v5  }
0x1a4: {  	v18 =	vmul.f32 v18, v6;
	v20 =	vadd.f32 v20, v28;
	v28 =	vmul.f32 v37, v7  }
0x1a5: {  	v34 =	vmul.f32 v41, v5;
	v21 =	vadd.f32 v21, v26;
	v26 =	vmul.f32 v40, v4;
	(xrf2) =	vadd.scan.msk.f32 $0xffff, v25  }
0x1a6: {  	v36 =	vadd.f32 v18, v28;
	v18 =	vmul.f32 v42, v6;
	v25 =	vmul.f32 v43, v7  }
0x1a7: {  	v34 =	vadd.f32 v26, v34;
	v37 =	vmul.f32 v3, v31;
	v28 =	vbroadcast v35, $0xF  }
0x1a8: {  	v41 =	vmul.f32 v1, v32;
	v42 =	vmul.f32 v3, v33;
	v40 =	vadd.f32 v18, v25;
	(xrf2) =	vadd.scan.msk.f32 $0xffff, v20  }
0x1a9: {  	v47 =	vunpack.i.u.bf16.f32 v22;
	v48 =	vmul.f32 v1, v38;
	v43 =	vunpack.i.l.bf16.f32 v49;
	v35 =	vpop (erf)  }
0x1aa: {  	v26 =	vunpack.i.u.bf16.f32 v53;
	v49 =	vunpack.i.l.bf16.f32 v22;
	v20 =	vpop (erf);
	(erf) = vpow2.f32 v28  }
0x1ab: {  	v28 =	vunpack.i.l.bf16.f32 v53;
	v50 =	vmul.f32 v1, v35;
	v51 =	vmul.f32 v3, v20;
	(xrf2) =	vadd.scan.msk.f32 $0xffff, v21  }
0x1ac: {  	v22 =	vunpack.i.l.bf16.f32 v57;
	v25 =	vunpack.i.u.bf16.f32 v57;
	v21 =	vunpack.i.u.bf16.f32 v39  }
0x1ad: {  	v30 =	vadd.f32 v37, v30;
	v18 =	vunpack.i.l.bf16.f32 v39;
	v50 =	vadd.f32 v51, v50  }
0x1ae: {  	v12 =	vmul.f32 v29, v12;
	v29 =	vmul.f32 v29, v11;
	(xrf2) =	vadd.scan.msk.f32 $0xffff, v36;
	v36 =	vadd.f32 v42, v41  }
0x1af: {  	s15 =	sadd.s32 $0xC0, s15;
	v16 =	vmul.f32 v31, v16;
	v13 =	vmul.f32 v31, v13;
	v37 =	vld [tilespmem:s14+$0xFFFFFFF0];
	v41 =	vpack.i.f32.bf16 v0, v50;
	v39, _, _ =	vpop (xrf2)  }
0x1b0: {  	v15 =	vmul.f32 v32, v15;
	v11 =	vmovc v45;
	v30 =	vpack.i.f32.bf16 v0, v30;
	v42 =	vmul.f32 $1.442695020e+00, v39;
	v39 =	vld [tilespmem:s14+$0x0];
	[tilespmem:s15+$0x0] =	vst v41  }
0x1b1: {  	v14 =	vmul.f32 v32, v14;
	v23 =	vmul.f32 v33, v23;
	(xrf2) =	vadd.scan.msk.f32 $0xffff, v34;
	v34 =	vpack.i.f32.bf16 v0, v36  }
0x1b2: {  	v29 =	vpack.i.f32.bf16 v29, v12;
	v32 =	vmul.f32 v33, v19;
	v41 =	vbroadcast v42, $0xF;
	v31, _, _ =	vpop (xrf2);
	[tilespmem:s16+$0xFFFFFF70] =	vst v30  }
0x1b3: {  	v13 =	vpack.i.f32.bf16 v13, v16;
	v30 =	vmul.f32 v38, v27;
	v19 =	vmul.f32 $1.442695020e+00, v31;
	[tilespmem:s16+$0xFFFFFFA0] =	vst v34;
	v33 =	vpop (erf)  }
.Ltmp2:
0x1b4: {  	v12 =	vmovc v46;
	v31 =	vunpack.i.u.bf16.f32 v37;
	(erf) = vpow2.f32 v41;
	(xrf2) =	vadd.scan.msk.f32 $0xffff, v40;
	v40 =	vmul.f32 v3, v33;
	(pc) =	sbr.rel @p0 .LBB2_7-.Ltmp2, $4  }
0x1b5: {  	v34 =	vunpack.i.l.bf16.f32 v37;
	v19 =	vbroadcast v19, $0xF;
	v27 =	vunpack.i.u.bf16.f32 v39;
	v36, _, _ =	vpop (xrf2);
	[tilespmem:s16+$0xFFFFFF50] =	vst v29  }
0x1b6: {  	v16 =	vmovc v43;
	v29 =	vunpack.i.l.bf16.f32 v39;
	v36 =	vmul.f32 $1.442695020e+00, v36;
	[tilespmem:s16+$0xFFFFFF60] =	vst v13;
	v39 =	vadd.f32 v40, v48;
	v13 =	vmovc v44  }
0x1b7: {  	v17 =	vmul.f32 v38, v17;
	(erf) = vpow2.f32 v19;
	v19 =	vpack.i.f32.bf16 v14, v15;
	v14 =	vmovc v47;
	v15 =	vmovc v49  }
0x1b8: {  	s18 =	sadd.s32 $0x80, s18;
	v24 =	vmul.f32 v33, v24;
	v36 =	vbroadcast v36, $0xF;
	v37, _, _ =	vpop (xrf2);
	[tilespmem:s16+$0xFFFFFF80] =	vst v19;
	v19 =	vpack.i.f32.bf16 v0, v39  }
0x1b9: {  	_ =	sdelay $0x1  }
0x1ba: {  	v37 =	vmul.f32 $1.442695020e+00, v37;
	_ =	sdelay $0x1  }
0x1bb: {  	v37 =	vbroadcast v37, $0xF;
	v38, _, _ =	vpop (xrf2)  }
0x1bc: {  	(erf) = vpow2.f32 v36;
	v59 =	vmul.f32 $1.442695020e+00, v38;
	v60, _, _ =	vpop (xrf2)  }
0x1bd: {  	(erf) = vpow2.f32 v37;
	v37 =	vmul.f32 $1.442695020e+00, v60  }
0x1be: {  	v36 =	vbroadcast v59, $0xF  }
0x1bf: {  	v61 =	vbroadcast v37, $0xF  }
0x1c0: {  	(erf) = vpow2.f32 v36  }
0x1c1: {  	(erf) = vpow2.f32 v61;
	_ =	sdelay $0x1  }
0x1c2: {  	v10 =	vmul.f32 v33, v10;
	v23 =	vpack.i.f32.bf16 v32, v23  }
0x1c3: {  	[tilespmem:s16+$0xFFFFFFD0] =	vst v19;
	v41 =	vmul.f32 v35, v34;
	v31 =	vmul.f32 v35, v31;
	v17 =	vpack.i.f32.bf16 v17, v30;
	v62 =	vpop (erf)  }
0x1c4: {  	v8 =	vpack.i.f32.bf16 v9, v8;
	[tilespmem:s16+$0xFFFFFF90] =	vst v23;
	v42 =	vmul.f32 v1, v62;
	v12 =	vmul.f32 v62, v12;
	v63 =	vpop (erf)  }
0x1c5: {  	[tilespmem:s16+$0xFFFFFFB0] =	vst v17;
	v10 =	vpack.i.f32.bf16 v10, v24;
	v50 =	vmul.f32 v62, v11;
	v44 =	vmul.f32 v3, v63  }
0x1c6: {  	[tilespmem:s16+$0xFFFFFFF0] =	vst v8;
	v47 =	vpack.i.f32.bf16 v31, v41;
	v51 =	vmul.f32 v63, v16;
	v13 =	vmul.f32 v63, v13;
	v40 =	vpop (erf)  }
0x1c7: {  	[tilespmem:s16+$0xFFFFFFC0] =	vst v10;
	v9 =	vpack.i.f32.bf16 v50, v12;
	v45 =	vmul.f32 v1, v40;
	v15 =	vmul.f32 v40, v15;
	v43 =	vpop (erf)  }
0x1c8: {  	[tilespmem:s15+$0xFFFFFFE0] =	vst v47;
	v49 =	vadd.f32 v44, v42;
	v14 =	vmul.f32 v40, v14;
	v46 =	vmul.f32 v3, v43;
	v48 =	vpop (erf)  }
0x1c9: {  	[tilespmem:s15+$0xFFFFFF50] =	vst v9;
	v11 =	vpack.i.f32.bf16 v13, v51;
	v55 =	vmul.f32 v43, v28;
	v56 =	vmul.f32 v43, v26;
	v53 =	vpop (erf)  }
0x1ca: {  	[tilespmem:s15+$0xFFFFFF60] =	vst v11;
	v52 =	vpack.i.f32.bf16 v0, v49;
	v8 =	vmul.f32 v1, v48;
	v54 =	vmul.f32 v3, v53  }
0x1cb: {  	[tilespmem:s15+$0xFFFFFF70] =	vst v52;
	v57 =	vpack.i.f32.bf16 v14, v15;
	v17 =	vadd.f32 v46, v45  }
0x1cc: {  	[tilespmem:s15+$0xFFFFFF80] =	vst v57;
	v9 =	vpack.i.f32.bf16 v56, v55;
	v8 =	vadd.f32 v54, v8  }
0x1cd: {  	s10 =	sadd.s32 $0x1, s10;
	v58 =	vmul.f32 v48, v22;
	v10 =	vmul.f32 v48, v25;
	[tilespmem:s15+$0xFFFFFF90] =	vst v9;
	v17 =	vpack.i.f32.bf16 v0, v17  }
0x1ce: {  	p0 =	sne.s32 s10, $0x3E;
	[tilespmem:s15+$0xFFFFFFA0] =	vst v17;
	v59 =	vmul.f32 v53, v18;
	v60 =	vmul.f32 v53, v21;
	v8 =	vpack.i.f32.bf16 v0, v8  }
.Ltmp3:
0x1cf: {  	v61 =	vmul.f32 v20, v27;
	v62 =	vpack.i.f32.bf16 v10, v58;
	[tilespmem:s15+$0xFFFFFFD0] =	vst v8;
	v8 =	vmul.f32 v20, v29;
	(pc) =	sbr.rel @p0 .LBB2_4-.Ltmp3, $4  }
0x1d0: {  	[tilespmem:s15+$0xFFFFFFB0] =	vst v62;
	v63 =	vpack.i.f32.bf16 v60, v59  }
0x1d1: {  	[tilespmem:s15+$0xFFFFFFC0] =	vst v63;
	v8 =	vpack.i.f32.bf16 v61, v8  }
0x1d2: {  	[tilespmem:s15+$0xFFFFFFF0] =	vst v8  }
0x1d3: {  	[spmem:s2] =	stream.indirect.scatter.add.bf16 [tilespmem:s0], [sflag:$0x6], $0x30, s13, s22, $0xb8;
	[tilespmem:$0x1DD20] =	vst v63  }
0x1d4: {  	_ =	swait.ge [sflag:s25], $0x1400  }
0x1d5: {  	[sflag:s25] =	ssyncset.done $0x0  }
0x1d6: {  	[sflag:s25] =	ssyncadd.s32 $0xFFFFEC00  }
0x1d7: {  	_ =	swait.ge [sflag:s26], $0x2800  }
0x1d8: {  	[sflag:s26] =	ssyncset.done $0x0  }
0x1d9: {  	[sflag:s26] =	ssyncadd.s32 $0xFFFFD800  }
0x1da: {  	_ =	swait.ge [sflag:s9], $0x1E00  }
0x1db: {  	[sflag:s9] =	ssyncset.done $0x0  }
0x1dc: {  	s13 =	simm.s32 $0x9C80;
	[sflag:s9] =	ssyncadd.s32 $0xFFFFE200  }
0x1dd: {  	s10 =	simm.s32 $0xC4C0;
	v8 =	vld [tilespmem:s13+$0x20]  }
0x1de: {  	v9 =	vld [tilespmem:s10+$0x40]  }
0x1df: {  	v10 =	vld [tilespmem:s13+$0x30]  }
0x1e0: {  	v15 =	vld [tilespmem:s13+$0xFFFFFFD0]  }
0x1e1: {  	v16 =	vld [tilespmem:s10+$0xFFFFFFC0]  }
0x1e2: {  	v11 =	vld [tilespmem:s10+$0x50]  }
0x1e3: {  	v12 =	vunpack.i.u.bf16.f32 v8;
	v8 =	vunpack.i.l.bf16.f32 v8  }
0x1e4: {  	v17 =	vld [tilespmem:s13+$0xFFFFFFF0];
	v13 =	vunpack.i.u.bf16.f32 v9;
	v9 =	vunpack.i.l.bf16.f32 v9;
	v14 =	vunpack.i.u.bf16.f32 v10  }
0x1e5: {  	v10 =	vunpack.i.l.bf16.f32 v10;
	v18 =	vunpack.i.u.bf16.f32 v15;
	v15 =	vunpack.i.l.bf16.f32 v15  }
0x1e6: {  	v19 =	vld [tilespmem:s13+$0xFFFFFFC0];
	v23 =	vunpack.i.u.bf16.f32 v16;
	v16 =	vunpack.i.l.bf16.f32 v16;
	v8 =	vadd.f32 v9, v8  }
0x1e7: {  	v9 =	vadd.f32 v13, v12;
	v12 =	vld [tilespmem:s10+$0xFFFFFF80];
	v13 =	vunpack.i.u.bf16.f32 v11;
	v11 =	vunpack.i.l.bf16.f32 v11  }
0x1e8: {  	v10 =	vadd.f32 v11, v10;
	v11 =	vadd.f32 v13, v14;
	v13 =	vld [tilespmem:s10+$0xFFFFFF90];
	v8 =	vmax.f32 v8, $0.0e+00  }
0x1e9: {  	v24 =	vunpack.i.u.bf16.f32 v17;
	v14 =	vld [tilespmem:s13+$0xFFFFFFE0];
	v9 =	vmax.f32 v9, $0.0e+00;
	v8 =	vmul.f32 v8, v4  }
0x1ea: {  	v9 =	vmul.f32 v9, v5;
	v10 =	vmax.f32 v10, $0.0e+00;
	v11 =	vmax.f32 v11, $0.0e+00  }
0x1eb: {  	v27 =	vld [tilespmem:s10+$0x10];
	v17 =	vunpack.i.l.bf16.f32 v17;
	v10 =	vmul.f32 v10, v6;
	v11 =	vmul.f32 v11, v7  }
0x1ec: {  	v21 =	vld [tilespmem:s13+$0x10];
	v28 =	vunpack.i.u.bf16.f32 v19;
	v19 =	vunpack.i.l.bf16.f32 v19;
	v8 =	vadd.f32 v8, v9  }
0x1ed: {  	v10 =	vadd.f32 v10, v11;
	v20 =	vunpack.i.u.bf16.f32 v13;
	v13 =	vunpack.i.l.bf16.f32 v13  }
0x1ee: {  	v9 =	vld [tilespmem:s10+$0xFFFFFFD0];
	v22 =	vunpack.i.u.bf16.f32 v14;
	v14 =	vunpack.i.l.bf16.f32 v14;
	(xrf2) =	vadd.scan.msk.f32 $0xffff, v8;
	v8 =	vunpack.i.u.bf16.f32 v12  }
0x1ef: {  	v12 =	vunpack.i.l.bf16.f32 v12;
	v13 =	vadd.f32 v13, v15;
	v15 =	vadd.f32 v20, v18  }
0x1f0: {  	v11 =	vld [tilespmem:s13+$0x0];
	v14 =	vadd.f32 v16, v14;
	v18 =	vunpack.i.l.bf16.f32 v27;
	v20 =	vadd.f32 v23, v22;
	(xrf2) =	vadd.scan.msk.f32 $0xffff, v10  }
0x1f1: {  	v12 =	vadd.f32 v12, v19;
	v8 =	vadd.f32 v8, v28;
	v19 =	vunpack.i.l.bf16.f32 v21  }
0x1f2: {  	v10 =	vld [tilespmem:s10+$0x0];
	v13 =	vmax.f32 v13, $0.0e+00;
	v15 =	vmax.f32 v15, $0.0e+00;
	v14 =	vmax.f32 v14, $0.0e+00  }
0x1f3: {  	v25 =	vunpack.i.u.bf16.f32 v9;
	v9 =	vunpack.i.l.bf16.f32 v9;
	v12 =	vmax.f32 v12, $0.0e+00  }
0x1f4: {  	v8 =	vmax.f32 v8, $0.0e+00;
	v13 =	vmul.f32 v13, v6;
	v15 =	vmul.f32 v15, v7  }
0x1f5: {  	v26 =	vunpack.i.u.bf16.f32 v11;
	v12 =	vmul.f32 v12, v4;
	v8 =	vmul.f32 v8, v5  }
0x1f6: {  	v11 =	vunpack.i.l.bf16.f32 v11;
	v9 =	vadd.f32 v9, v17;
	v13 =	vadd.f32 v13, v15  }
0x1f7: {  	v29 =	vunpack.i.u.bf16.f32 v10;
	v10 =	vunpack.i.l.bf16.f32 v10;
	v8 =	vadd.f32 v12, v8  }
0x1f8: {  	v12 =	vadd.f32 v25, v24;
	v9 =	vmax.f32 v9, $0.0e+00;
	v10 =	vadd.f32 v10, v11  }
0x1f9: {  	v11 =	vmul.f32 v14, v4;
	v9 =	vmul.f32 v9, v6;
	v16, _, _ =	vpop (xrf2);
	(xrf2) =	vadd.scan.msk.f32 $0xffff, v8;
	v8 =	vmax.f32 v20, $0.0e+00  }
0x1fa: {  	v12 =	vmax.f32 v12, $0.0e+00;
	v17, _, _ =	vpop (xrf2);
	v16 =	vmul.f32 $1.442695020e+00, v16;
	v8 =	vmul.f32 v8, v5  }
0x1fb: {  	v15 =	vadd.f32 v18, v19;
	v12 =	vmul.f32 v12, v7;
	v17 =	vmul.f32 $1.442695020e+00, v17  }
0x1fc: {  	(xrf2) =	vadd.scan.msk.f32 $0xffff, v13;
	v16 =	vbroadcast v16, $0xF;
	v8 =	vadd.f32 v11, v8;
	v11 =	vadd.f32 v29, v26  }
0x1fd: {  	v14 =	vunpack.i.u.bf16.f32 v27;
	v13 =	vunpack.i.u.bf16.f32 v21;
	v17 =	vbroadcast v17, $0xF  }
0x1fe: {  	v9 =	vadd.f32 v9, v12;
	v12 =	vld [tilespmem:s10+$0xFFFFFFB0];
	(erf) = vpow2.f32 v16;
	v11 =	vmax.f32 v11, $0.0e+00  }
0x1ff: {  	v13 =	vadd.f32 v14, v13;
	v14 =	vld [tilespmem:s10+$0xFFFFFFE0];
	(erf) = vpow2.f32 v17;
	v11 =	vmul.f32 v11, v5  }
0x200: {  	v10 =	vmax.f32 v10, $0.0e+00;
	(xrf2) =	vadd.scan.msk.f32 $0xffff, v8;
	v8 =	vld [tilespmem:s10+$0xFFFFFFA0]  }
0x201: {  	v15 =	vmax.f32 v15, $0.0e+00;
	v10 =	vmul.f32 v10, v4;
	v16 =	vld [tilespmem:s10+$0x20]  }
0x202: {  	(xrf2) =	vadd.scan.msk.f32 $0xffff, v9;
	v9 =	vmax.f32 v13, $0.0e+00;
	v13 =	vmul.f32 v15, v6;
	v15 =	vld [tilespmem:s10+$0xFFFFFFF0]  }
0x203: {  	v18 =	vld [tilespmem:s10+$0x60];
	v9 =	vmul.f32 v9, v7;
	v10 =	vadd.f32 v10, v11;
	v11, _, _ =	vpop (xrf2)  }
0x204: {  	s18 =	simm.s32 $0x9D00;
	v27 =	vunpack.i.u.bf16.f32 v12;
	v33 =	vunpack.i.l.bf16.f32 v12;
	v11 =	vmul.f32 $1.442695020e+00, v11  }
0x205: {  	v40 =	vld [tilespmem:s18+$0x0];
	v23 =	vunpack.i.u.bf16.f32 v14;
	v29 =	vunpack.i.l.bf16.f32 v14;
	v13 =	vadd.f32 v13, v9  }
0x206: {  	v45 =	vld [tilespmem:s18+$0xFFFFFFC0];
	v31 =	vunpack.i.u.bf16.f32 v8;
	v32 =	vunpack.i.l.bf16.f32 v8;
	(xrf2) =	vadd.scan.msk.f32 $0xffff, v10;
	v30 =	vunpack.i.l.bf16.f32 v16;
	v17, _, _ =	vpop (xrf2)  }
0x207: {  	v21 =	vld [tilespmem:s18+$0x30];
	v24 =	vunpack.i.u.bf16.f32 v15;
	v34 =	vunpack.i.l.bf16.f32 v15;
	v10 =	vbroadcast v11, $0xF;
	v9 =	vpop (erf)  }
0x208: {  	v26 =	vld [tilespmem:s18+$0xFFFFFFE0];
	v15 =	vmul.f32 $1.442695020e+00, v17;
	v17 =	vunpack.i.u.bf16.f32 v16;
	v16 =	vunpack.i.l.bf16.f32 v18;
	v11 =	vpop (erf)  }
0x209: {  	v8 =	vld [tilespmem:s10+$0x30];
	v18 =	vunpack.i.u.bf16.f32 v18;
	v12 =	vmul.f32 v1, v9;
	v14 =	vmul.f32 v3, v11  }
0x20a: {  	v47 =	vunpack.i.u.bf16.f32 v40;
	v16 =	vmul.f32 v9, v16;
	v9 =	vmul.f32 v9, v18  }
0x20b: {  	v51 =	vunpack.i.u.bf16.f32 v45;
	(erf) = vpow2.f32 v10;
	v10, _, _ =	vpop (xrf2);
	v12 =	vadd.f32 v14, v12;
	v14 =	vld [tilespmem:s10+$0x70];
	s10 =	simm.s32 $0xC5C0  }
0x20c: {  	v45 =	vunpack.i.l.bf16.f32 v45;
	v37 =	vpack.i.f32.bf16 v9, v16;
	v20 =	vmul.f32 $1.442695020e+00, v10;
	v16 =	vld [tilespmem:s10+$0xFFFFFF90]  }
0x20d: {  	v28 =	vunpack.i.u.bf16.f32 v21;
	v43 =	vunpack.i.u.bf16.f32 v26;
	(xrf2) =	vadd.scan.msk.f32 $0xffff, v13;
	v15 =	vbroadcast v15, $0xF;
	v13 =	vld [tilespmem:s10+$0xFFFFFFD0]  }
0x20e: {  	v19 =	vunpack.i.l.bf16.f32 v8;
	v10 =	vunpack.i.u.bf16.f32 v8;
	v41 =	vld [tilespmem:s10+$0x0];
	v8 =	vbroadcast v20, $0xF  }
0x20f: {  	v26 =	vunpack.i.l.bf16.f32 v26;
	(erf) = vpow2.f32 v15;
	v44 =	vld [tilespmem:s10+$0x10];
	v36 =	vpack.i.f32.bf16 v0, v12;
	v12, _, _ =	vpop (xrf2)  }
0x210: {  	v20 =	vld [tilespmem:s10+$0x40];
	(erf) = vpow2.f32 v8;
	v12 =	vmul.f32 $1.442695020e+00, v12;
	v8 =	vunpack.i.l.bf16.f32 v14;
	v18, _, _ =	vpop (xrf2)  }
0x211: {  	v15 =	vld [tilespmem:s18+$0x20];
	v14 =	vunpack.i.u.bf16.f32 v14;
	v18 =	vmul.f32 $1.442695020e+00, v18;
	v8 =	vmul.f32 v11, v8  }
0x212: {  	v9 =	vmul.f32 v11, v14;
	v42 =	vunpack.i.u.bf16.f32 v16;
	v16 =	vunpack.i.l.bf16.f32 v16  }
0x213: {  	v22 =	vld [tilespmem:s10+$0x50];
	v62 =	vunpack.i.u.bf16.f32 v13;
	v13 =	vunpack.i.l.bf16.f32 v13;
	v63 =	vunpack.i.u.bf16.f32 v41  }
0x214: {  	v41 =	vunpack.i.l.bf16.f32 v41;
	v49 =	vunpack.i.u.bf16.f32 v44;
	v12 =	vbroadcast v12, $0xF  }
0x215: {  	v14 =	vbroadcast v18, $0xF;
	v18 =	vunpack.i.u.bf16.f32 v20;
	v20 =	vunpack.i.l.bf16.f32 v20  }
0x216: {  	v38 =	vpop (erf);
	(erf) = vpow2.f32 v12;
	v12 =	vunpack.i.u.bf16.f32 v15;
	v15 =	vunpack.i.l.bf16.f32 v15  }
0x217: {  	v39 =	vmul.f32 v1, v38;
	v15 =	vadd.f32 v20, v15;
	v12 =	vadd.f32 v18, v12  }
0x218: {  	v25 =	vld [tilespmem:s10+$0xFFFFFF80];
	v20 =	vunpack.i.l.bf16.f32 v21;
	v21 =	vunpack.i.u.bf16.f32 v22;
	v22 =	vunpack.i.l.bf16.f32 v22  }
0x219: {  	v11 =	vld [tilespmem:s18+$0xFFFFFFD0];
	v50, _, _ =	vpop (xrf2);
	v20 =	vadd.f32 v22, v20;
	v21 =	vadd.f32 v21, v28;
	v15 =	vmax.f32 v15, $0.0e+00  }
0x21a: {  	v54 =	vmul.f32 $1.442695020e+00, v50;
	v12 =	vmax.f32 v12, $0.0e+00;
	v15 =	vmul.f32 v15, v4  }
0x21b: {  	v12 =	vmul.f32 v12, v5;
	v20 =	vmax.f32 v20, $0.0e+00;
	v21 =	vmax.f32 v21, $0.0e+00  }
0x21c: {  	v44 =	vunpack.i.l.bf16.f32 v44;
	v20 =	vmul.f32 v20, v6;
	v21 =	vmul.f32 v21, v7  }
0x21d: {  	v32 =	vmul.f32 v38, v32;
	v18 =	vld [tilespmem:s10+$0xFFFFFFC0];
	v22 =	vunpack.i.u.bf16.f32 v25;
	v12 =	vadd.f32 v15, v12  }
0x21e: {  	v35 =	vld [tilespmem:s18+$0xFFFFFFF0];
	v25 =	vunpack.i.l.bf16.f32 v25;
	v28 =	vunpack.i.u.bf16.f32 v11;
	v20 =	vadd.f32 v20, v21  }
0x21f: {  	v11 =	vunpack.i.l.bf16.f32 v11;
	v25 =	vadd.f32 v25, v45;
	v22 =	vadd.f32 v22, v51;
	(xrf2) =	vadd.scan.msk.f32 $0xffff, v12  }
0x220: {  	v31 =	vmul.f32 v38, v31;
	v11 =	vadd.f32 v16, v11;
	v16 =	vadd.f32 v42, v28;
	(xrf2) =	vadd.scan.msk.f32 $0xffff, v20  }
0x221: {  	(erf) = vpow2.f32 v14;
	v14 =	vmax.f32 v25, $0.0e+00;
	v22 =	vmax.f32 v22, $0.0e+00  }
0x222: {  	v16 =	vmax.f32 v16, $0.0e+00;
	v46 =	vunpack.i.u.bf16.f32 v18;
	v14 =	vmul.f32 v14, v4  }
0x223: {  	v22 =	vmul.f32 v22, v5;
	v16 =	vmul.f32 v16, v7;
	v21 =	vunpack.i.l.bf16.f32 v35  }
0x224: {  	v25 =	vadd.f32 v46, v43;
	v12 =	vunpack.i.l.bf16.f32 v18;
	v18 =	vunpack.i.u.bf16.f32 v35  }
0x225: {  	v13 =	vadd.f32 v13, v21;
	v21 =	vmax.f32 v11, $0.0e+00;
	v14 =	vadd.f32 v14, v22  }
0x226: {  	v15 =	vld [tilespmem:s18+$0x10];
	v20 =	vunpack.i.l.bf16.f32 v40;
	v12 =	vadd.f32 v12, v26;
	v18 =	vadd.f32 v62, v18  }
0x227: {  	v25 =	vmax.f32 v25, $0.0e+00;
	v21 =	vmul.f32 v21, v6;
	v40 =	vpop (erf);
	v11 =	vadd.f32 v41, v20  }
0x228: {  	v20 =	vadd.f32 v63, v47;
	v55 =	vmax.f32 v13, $0.0e+00;
	v25 =	vmul.f32 v25, v5;
	v57 =	vpop (erf)  }
0x229: {  	v33 =	vmul.f32 v40, v33;
	v27 =	vmul.f32 v40, v27;
	v62 =	vmax.f32 v12, $0.0e+00;
	v28, _, _ =	vpop (xrf2)  }
0x22a: {  	v16 =	vadd.f32 v21, v16;
	v21 =	vmul.f32 v55, v6;
	v12 =	vmul.f32 $1.442695020e+00, v28;
	v28, _, _ =	vpop (xrf2)  }
0x22b: {  	v48 =	vunpack.i.u.bf16.f32 v15;
	v55 =	vmul.f32 v57, v29;
	v13 =	vmul.f32 $1.442695020e+00, v28  }
0x22c: {  	v18 =	vmax.f32 v18, $0.0e+00;
	v22 =	vmul.f32 v62, v4;
	v12 =	vbroadcast v12, $0xF  }
0x22d: {  	v15 =	vunpack.i.l.bf16.f32 v15;
	v18 =	vmul.f32 v18, v7;
	v13 =	vbroadcast v13, $0xF  }
0x22e: {  	v47 =	vpop (erf);
	v15 =	vadd.f32 v44, v15;
	v62 =	vmul.f32 v1, v57;
	(erf) = vpow2.f32 v12  }
0x22f: {  	v63 =	vld [tilespmem:s10+$0xFFFFFFB0];
	v20 =	vmax.f32 v20, $0.0e+00;
	v45 =	vpop (erf);
	v52 =	vmul.f32 v3, v47;
	(erf) = vpow2.f32 v13  }
0x230: {  	(xrf2) =	vadd.scan.msk.f32 $0xffff, v14;
	v61 =	vadd.f32 v49, v48;
	v20 =	vmul.f32 v20, v5;
	v41 =	vmul.f32 v1, v45  }
0x231: {  	v58 =	vld [tilespmem:s10+$0x20];
	(xrf2) =	vadd.scan.msk.f32 $0xffff, v16;
	v30 =	vmul.f32 v45, v30;
	v17 =	vmul.f32 v45, v17;
	v15 =	vmax.f32 v15, $0.0e+00  }
0x232: {  	v26 =	vld [tilespmem:s10+$0xFFFFFFA0];
	v35 =	vmax.f32 v61, $0.0e+00;
	v22 =	vadd.f32 v22, v25;
	v59 =	vadd.f32 v21, v18  }
0x233: {  	v61 =	vmul.f32 v3, v40;
	v21 =	vbroadcast v54, $0xF;
	v49 =	vadd.f32 v52, v62  }
0x234: {  	v56 =	vld [tilespmem:s10+$0xFFFFFFF0];
	v14 =	vmul.f32 v15, v6;
	v15 =	vmul.f32 v35, v7;
	v16 =	vunpack.i.l.bf16.f32 v63  }
0x235: {  	v51 =	vld [tilespmem:s10+$0x60];
	v39 =	vadd.f32 v61, v39;
	v28 =	vmax.f32 v11, $0.0e+00;
	(erf) = vpow2.f32 v21  }
0x236: {  	v29 =	vpack.i.f32.bf16 v0, v49;
	v50 =	vadd.f32 v14, v15;
	(xrf2) =	vadd.scan.msk.f32 $0xffff, v22;
	v25 =	vmul.f32 v28, v4  }
0x237: {  	v22 =	vunpack.i.l.bf16.f32 v58;
	v11 =	vunpack.i.u.bf16.f32 v26;
	v12 =	vunpack.i.l.bf16.f32 v26;
	v26 =	vld [tilespmem:s10+$0xFFFFFFE0];
	v35 =	vpop (erf)  }
0x238: {  	v39 =	vpack.i.f32.bf16 v0, v39;
	(xrf2) =	vadd.scan.msk.f32 $0xffff, v59;
	v59 =	vpack.i.f32.bf16 v31, v32;
	v60 =	vadd.f32 v25, v20;
	v20 =	vpop (erf)  }
0x239: {  	s14 =	simm.s32 $0x114A0;
	v18 =	vld [tilespmem:s10+$0x30];
	v13 =	vunpack.i.u.bf16.f32 v63;
	v63 =	vmul.f32 v1, v35;
	v53 =	vmul.f32 v3, v20  }
0x23a: {  	[tilespmem:s14+$0x30] =	vst v37;
	v54 =	vld [tilespmem:s10+$0x70];
	v32 =	vmul.f32 v47, v24;
	v31 =	vunpack.i.u.bf16.f32 v51;
	v52, _, _ =	vpop (xrf2);
	v28 =	vunpack.i.l.bf16.f32 v56  }
0x23b: {  	[tilespmem:s14+$0x50] =	vst v36;
	v25 =	vunpack.i.u.bf16.f32 v58;
	v58, _, _ =	vpop (xrf2);
	v42 =	vadd.f32 v53, v63;
	v53 =	vmul.f32 $1.442695020e+00, v52  }
0x23c: {  	v24 =	vmul.f32 $1.442695020e+00, v58;
	(xrf2) =	vadd.scan.msk.f32 $0xffff, v60;
	v14 =	vunpack.i.u.bf16.f32 v26;
	v15 =	vunpack.i.l.bf16.f32 v26  }
0x23d: {  	[tilespmem:s14+$0xFFFFFFF0] =	vst v29;
	v26 =	vunpack.i.u.bf16.f32 v56;
	v56 =	vmul.f32 v57, v23;
	v57 =	vbroadcast v53, $0xF  }
0x23e: {  	[tilespmem:s14+$0xFFFFFFC0] =	vst v39;
	v21 =	vunpack.i.u.bf16.f32 v18;
	v18 =	vunpack.i.l.bf16.f32 v18;
	v60 =	vpack.i.f32.bf16 v27, v33;
	v33 =	vpop (erf)  }
0x23f: {  	v27 =	vunpack.i.u.bf16.f32 v54;
	(xrf2) =	vadd.scan.msk.f32 $0xffff, v50;
	v61 =	vmul.f32 v3, v33;
	(erf) = vpow2.f32 v57  }
0x240: {  	[tilespmem:s14+$0xFFFFFFA0] =	vst v59;
	v24 =	vbroadcast v24, $0xF;
	v23 =	vmul.f32 v47, v34;
	v34 =	vunpack.i.l.bf16.f32 v51;
	v29, _, _ =	vpop (xrf2)  }
0x241: {  	s13 =	simm.s32 $0x11560;
	[tilespmem:s14+$0xFFFFFFB0] =	vst v60;
	v62 =	vmul.f32 $1.442695020e+00, v29;
	v63 =	vadd.f32 v61, v41;
	v42 =	vpack.i.f32.bf16 v0, v42  }
0x242: {  	v29 =	vunpack.i.l.bf16.f32 v54;
	[tilespmem:s13+$0x50] =	vst v42;
	(erf) = vpow2.f32 v24;
	v24 =	vpack.i.f32.bf16 v56, v55  }
0x243: {  	s15 =	simm.s32 $0x4;
	s16 =	simm.s32 $0x9D80;
	v37, _, _ =	vpop (xrf2);
	v36 =	vbroadcast v62, $0xF;
	[tilespmem:s14+$0xFFFFFFD0] =	vst v24;
	v24 =	vmul.f32 v33, v19;
	v19 =	vpack.i.f32.bf16 v0, v63  }
.LBB2_10:
0x244: {  	v38 =	vld [tilespmem:s16+$0x20];
	v37 =	vmul.f32 $1.442695020e+00, v37;
	s10 =	sadd.s32 $0x100, s10;
	v39 =	vpack.i.f32.bf16 v32, v23;
	v10 =	vmul.f32 v33, v10;
	[tilespmem:s14+$0x20] =	vst v19;
	v19 =	vmovc v26  }
0x245: {  	v32 =	vmul.f32 v35, v34;
	v34 =	vpack.i.f32.bf16 v17, v30;
	v23 =	vmovc v28;
	v26 =	vld [tilespmem:s10+$0x40];
	(erf) = vpow2.f32 v36;
	[tilespmem:s14+$0xFFFFFFE0] =	vst v39  }
0x246: {  	v31 =	vmul.f32 v35, v31;
	v28 =	vld [tilespmem:s16+$0x30];
	v30 =	vbroadcast v37, $0xF;
	v33, _, _ =	vpop (xrf2);
	[tilespmem:s14+$0x0] =	vst v34;
	v10 =	vpack.i.f32.bf16 v10, v24  }
0x247: {  	v17 =	vmovc v25;
	v24 =	vld [tilespmem:s10+$0x50];
	v33 =	vmul.f32 $1.442695020e+00, v33;
	[tilespmem:s14+$0x10] =	vst v10;
	v10 =	vpack.i.f32.bf16 v9, v8;
	v8 =	vmul.f32 v20, v29  }
0x248: {  	s15 =	sadd.s32 $0x4, s15;
	v31 =	vpack.i.f32.bf16 v31, v32;
	v9 =	vmul.f32 v20, v27;
	v25 =	vld [tilespmem:s10+$0xFFFFFF80];
	v29 =	vpop (erf);
	(erf) = vpow2.f32 v30;
	[tilespmem:s14+$0x40] =	vst v10;
	s14 =	smov.u32 s13  }
0x249: {  	p0 =	slt.u32 s15, $0x9C;
	v20 =	vld [tilespmem:s16+$0xFFFFFFD0];
	v32 =	vunpack.i.u.bf16.f32 v38;
	v30 =	vmul.f32 v1, v29;
	v34 =	vbroadcast v33, $0xF;
	[tilespmem:s13+$0x30] =	vst v31;
	v35, _, _ =	vpop (xrf2)  }
0x24a: {  	v27 =	vmovc v22;
	v37 =	vunpack.i.l.bf16.f32 v38;
	v36 =	vld [tilespmem:s10+$0xFFFFFF90];
	v33 =	vunpack.i.u.bf16.f32 v26;
	v26 =	vunpack.i.l.bf16.f32 v26;
	v10 =	vmovc v21  }
0x24b: {  	v21 =	vld [tilespmem:s16+$0xFFFFFFE0];
	v22 =	vunpack.i.u.bf16.f32 v28;
	v26 =	vadd.f32 v26, v37;
	v40 =	vadd.f32 v33, v32;
	v31 =	vpop (erf)  }
0x24c: {  	v28 =	vunpack.i.l.bf16.f32 v28;
	v37 =	vld [tilespmem:s10+$0xFFFFFFC0];
	v33 =	vunpack.i.u.bf16.f32 v24;
	v38 =	vunpack.i.l.bf16.f32 v24;
	v24 =	vmovc v18  }
0x24d: {  	v18 =	vld [tilespmem:s16+$0xFFFFFFF0];
	v26 =	vmax.f32 v26, $0.0e+00;
	v39 =	vmax.f32 v40, $0.0e+00;
	v28 =	vadd.f32 v38, v28  }
0x24e: {  	v22 =	vadd.f32 v33, v22;
	v38 =	vld [tilespmem:s10+$0xFFFFFFD0];
	v26 =	vmul.f32 v26, v4;
	v44 =	vmul.f32 v39, v5;
	v32 =	vpop (erf)  }
0x24f: {  	v39 =	vunpack.i.u.bf16.f32 v25;
	v25 =	vunpack.i.l.bf16.f32 v25;
	v40 =	vunpack.i.u.bf16.f32 v20;
	v41 =	vld [tilespmem:s16+$0x0]  }
0x250: {  	v28 =	vmax.f32 v28, $0.0e+00;
	v22 =	vmax.f32 v22, $0.0e+00;
	v42 =	vld [tilespmem:s10+$0x0];
	v26 =	vadd.f32 v26, v44  }
0x251: {  	v20 =	vunpack.i.l.bf16.f32 v20;
	v28 =	vmul.f32 v28, v6;
	v22 =	vmul.f32 v22, v7;
	v43 =	vld [tilespmem:s16+$0x10];
	v33 =	vpop (erf)  }
0x252: {  	v44 =	vunpack.i.u.bf16.f32 v36;
	v36 =	vunpack.i.l.bf16.f32 v36;
	v45 =	vunpack.i.u.bf16.f32 v21;
	v46 =	vld [tilespmem:s10+$0x10];
	(xrf2) =	vadd.scan.msk.f32 $0xffff, v26  }
0x253: {  	v21 =	vunpack.i.l.bf16.f32 v21;
	v47 =	vunpack.i.u.bf16.f32 v37;
	v22 =	vadd.f32 v28, v22;
	v26 =	vld [tilespmem:s16+$0xFFFFFFC0]  }
0x254: {  	v37 =	vunpack.i.l.bf16.f32 v37;
	v48 =	vunpack.i.u.bf16.f32 v18;
	v18 =	vunpack.i.l.bf16.f32 v18;
	v28 =	vld [tilespmem:s10+$0xFFFFFFA0]  }
0x255: {  	v50 =	vunpack.i.u.bf16.f32 v38;
	v38 =	vunpack.i.l.bf16.f32 v38;
	v51 =	vunpack.i.u.bf16.f32 v41;
	v49 =	vld [tilespmem:s10+$0xFFFFFFB0];
	(xrf2) =	vadd.scan.msk.f32 $0xffff, v22  }
0x256: {  	v41 =	vunpack.i.l.bf16.f32 v41;
	v52 =	vunpack.i.u.bf16.f32 v42;
	v42 =	vunpack.i.l.bf16.f32 v42;
	v22 =	vld [tilespmem:s10+$0xFFFFFFE0]  }
0x257: {  	v54 =	vunpack.i.u.bf16.f32 v43;
	v43 =	vunpack.i.l.bf16.f32 v43;
	v53 =	vld [tilespmem:s10+$0xFFFFFFF0];
	v55 =	vunpack.i.u.bf16.f32 v46  }
0x258: {  	v46 =	vunpack.i.l.bf16.f32 v46;
	v56 =	vunpack.i.u.bf16.f32 v26;
	v26 =	vunpack.i.l.bf16.f32 v26;
	v57 =	vld [tilespmem:s10+$0x20]  }
0x259: {  	v35 =	vmul.f32 $1.442695020e+00, v35;
	v25 =	vadd.f32 v25, v26;
	v26 =	vadd.f32 v39, v56;
	v39 =	vld [tilespmem:s10+$0x30]  }
0x25a: {  	v20 =	vadd.f32 v36, v20;
	v36 =	vadd.f32 v44, v40;
	(erf) = vpow2.f32 v34  }
0x25b: {  	v21 =	vadd.f32 v37, v21;
	v34 =	vadd.f32 v47, v45;
	v25 =	vmax.f32 v25, $0.0e+00  }
0x25c: {  	v18 =	vadd.f32 v38, v18;
	v37 =	vadd.f32 v50, v48;
	v26 =	vmax.f32 v26, $0.0e+00;
	v38, _, _ =	vpop (xrf2)  }
0x25d: {  	v20 =	vmax.f32 v20, $0.0e+00;
	v40 =	vadd.f32 v42, v41;
	v41 =	vadd.f32 v52, v51  }
0x25e: {  	v36 =	vmax.f32 v36, $0.0e+00;
	v42 =	vadd.f32 v46, v43;
	v43 =	vadd.f32 v55, v54  }
0x25f: {  	v21 =	vmax.f32 v21, $0.0e+00;
	v34 =	vmax.f32 v34, $0.0e+00;
	v38 =	vmul.f32 $1.442695020e+00, v38;
	v44, _, _ =	vpop (xrf2)  }
0x260: {  	v18 =	vmax.f32 v18, $0.0e+00;
	v37 =	vmax.f32 v37, $0.0e+00;
	v44 =	vmul.f32 $1.442695020e+00, v44  }
0x261: {  	v40 =	vmax.f32 v40, $0.0e+00;
	v41 =	vmax.f32 v41, $0.0e+00;
	v46 =	vbroadcast v38, $0xF  }
0x262: {  	v42 =	vmax.f32 v42, $0.0e+00;
	v43 =	vmax.f32 v43, $0.0e+00;
	v44 =	vbroadcast v44, $0xF  }
0x263: {  	v45 =	vunpack.i.u.bf16.f32 v28;
	v25 =	vmul.f32 v25, v4;
	(erf) = vpow2.f32 v46;
	v38 =	vpop (erf)  }
0x264: {  	v26 =	vmul.f32 v26, v5;
	v46 =	vunpack.i.l.bf16.f32 v28;
	(erf) = vpow2.f32 v44  }
0x265: {  	v20 =	vmul.f32 v20, v6;
	v28 =	vmul.f32 v36, v7;
	v44 =	vunpack.i.u.bf16.f32 v49  }
0x266: {  	v21 =	vmul.f32 v21, v4;
	v25 =	vadd.f32 v25, v26;
	v26 =	vmul.f32 v34, v5  }
0x267: {  	v18 =	vmul.f32 v18, v6;
	v20 =	vadd.f32 v20, v28;
	v28 =	vmul.f32 v37, v7  }
0x268: {  	v34 =	vmul.f32 v41, v5;
	v21 =	vadd.f32 v21, v26;
	v26 =	vmul.f32 v40, v4;
	(xrf2) =	vadd.scan.msk.f32 $0xffff, v25  }
0x269: {  	v36 =	vadd.f32 v18, v28;
	v18 =	vmul.f32 v42, v6;
	v25 =	vmul.f32 v43, v7  }
0x26a: {  	v34 =	vadd.f32 v26, v34;
	v37 =	vmul.f32 v3, v31;
	v28 =	vbroadcast v35, $0xF  }
0x26b: {  	v41 =	vmul.f32 v1, v32;
	v42 =	vmul.f32 v3, v33;
	v40 =	vadd.f32 v18, v25;
	(xrf2) =	vadd.scan.msk.f32 $0xffff, v20  }
0x26c: {  	v47 =	vunpack.i.u.bf16.f32 v22;
	v48 =	vmul.f32 v1, v38;
	v43 =	vunpack.i.l.bf16.f32 v49;
	v35 =	vpop (erf)  }
0x26d: {  	v26 =	vunpack.i.u.bf16.f32 v53;
	v49 =	vunpack.i.l.bf16.f32 v22;
	v20 =	vpop (erf);
	(erf) = vpow2.f32 v28  }
0x26e: {  	v28 =	vunpack.i.l.bf16.f32 v53;
	v50 =	vmul.f32 v1, v35;
	v51 =	vmul.f32 v3, v20;
	(xrf2) =	vadd.scan.msk.f32 $0xffff, v21  }
0x26f: {  	v22 =	vunpack.i.l.bf16.f32 v57;
	v25 =	vunpack.i.u.bf16.f32 v57;
	v21 =	vunpack.i.u.bf16.f32 v39  }
0x270: {  	v30 =	vadd.f32 v37, v30;
	v18 =	vunpack.i.l.bf16.f32 v39;
	v50 =	vadd.f32 v51, v50  }
0x271: {  	v12 =	vmul.f32 v29, v12;
	v29 =	vmul.f32 v29, v11;
	(xrf2) =	vadd.scan.msk.f32 $0xffff, v36;
	v36 =	vadd.f32 v42, v41  }
0x272: {  	s13 =	sadd.s32 $0xC0, s13;
	v16 =	vmul.f32 v31, v16;
	v13 =	vmul.f32 v31, v13;
	v37 =	vld [tilespmem:s10+$0x60];
	v41 =	vpack.i.f32.bf16 v0, v50;
	v39, _, _ =	vpop (xrf2)  }
0x273: {  	v15 =	vmul.f32 v32, v15;
	v11 =	vmovc v45;
	v30 =	vpack.i.f32.bf16 v0, v30;
	v42 =	vmul.f32 $1.442695020e+00, v39;
	v39 =	vld [tilespmem:s10+$0x70];
	[tilespmem:s13+$0x50] =	vst v41  }
0x274: {  	v14 =	vmul.f32 v32, v14;
	v23 =	vmul.f32 v33, v23;
	(xrf2) =	vadd.scan.msk.f32 $0xffff, v34;
	v34 =	vpack.i.f32.bf16 v0, v36  }
0x275: {  	v29 =	vpack.i.f32.bf16 v29, v12;
	v32 =	vmul.f32 v33, v19;
	v41 =	vbroadcast v42, $0xF;
	v31, _, _ =	vpop (xrf2);
	[tilespmem:s14+$0xFFFFFFC0] =	vst v30  }
0x276: {  	v13 =	vpack.i.f32.bf16 v13, v16;
	v30 =	vmul.f32 v38, v27;
	v19 =	vmul.f32 $1.442695020e+00, v31;
	[tilespmem:s14+$0xFFFFFFF0] =	vst v34;
	v33 =	vpop (erf)  }
.Ltmp4:
0x277: {  	v12 =	vmovc v46;
	v31 =	vunpack.i.u.bf16.f32 v37;
	(erf) = vpow2.f32 v41;
	(xrf2) =	vadd.scan.msk.f32 $0xffff, v40;
	v40 =	vmul.f32 v3, v33;
	(pc) =	sbr.rel @p0 .LBB2_10-.Ltmp4, $4  }
0x278: {  	v34 =	vunpack.i.l.bf16.f32 v37;
	v19 =	vbroadcast v19, $0xF;
	v27 =	vunpack.i.u.bf16.f32 v39;
	v36, _, _ =	vpop (xrf2);
	[tilespmem:s14+$0xFFFFFFA0] =	vst v29  }
0x279: {  	v16 =	vmovc v43;
	v29 =	vunpack.i.l.bf16.f32 v39;
	v36 =	vmul.f32 $1.442695020e+00, v36;
	[tilespmem:s14+$0xFFFFFFB0] =	vst v13;
	v39 =	vadd.f32 v40, v48;
	v13 =	vmovc v44  }
0x27a: {  	v17 =	vmul.f32 v38, v17;
	(erf) = vpow2.f32 v19;
	v19 =	vpack.i.f32.bf16 v14, v15;
	v14 =	vmovc v47;
	v15 =	vmovc v49  }
0x27b: {  	s16 =	sadd.s32 $0x80, s16;
	v24 =	vmul.f32 v33, v24;
	v36 =	vbroadcast v36, $0xF;
	v37, _, _ =	vpop (xrf2);
	[tilespmem:s14+$0xFFFFFFD0] =	vst v19;
	v19 =	vpack.i.f32.bf16 v0, v39  }
0x27c: {  	v4 =	vmul.f32 $1.442695020e+00, v37;
	_ =	sdelay $0x1  }
0x27d: {  	v4 =	vbroadcast v4, $0xF;
	_ =	sdelay $0x2  }
0x27e: {  	(erf) = vpow2.f32 v36;
	v5, _, _ =	vpop (xrf2)  }
0x27f: {  	v5 =	vmul.f32 $1.442695020e+00, v5;
	(erf) = vpow2.f32 v4;
	v4, _, _ =	vpop (xrf2)  }
0x280: {  	v4 =	vmul.f32 $1.442695020e+00, v4  }
0x281: {  	v5 =	vbroadcast v5, $0xF  }
0x282: {  	v4 =	vbroadcast v4, $0xF  }
0x283: {  	(erf) = vpow2.f32 v5  }
0x284: {  	(erf) = vpow2.f32 v4;
	_ =	sdelay $0x1  }
0x285: {  	v6 =	vmul.f32 v33, v10;
	v41 =	vmul.f32 v35, v34;
	v4 =	vpop (erf)  }
0x286: {  	v40 =	vpack.i.f32.bf16 v32, v23;
	[tilespmem:s14+$0x20] =	vst v19;
	v42 =	vmul.f32 v35, v31;
	v44 =	vmul.f32 v1, v4  }
0x287: {  	v43 =	vpack.i.f32.bf16 v17, v30;
	[tilespmem:s14+$0xFFFFFFE0] =	vst v40;
	v5 =	vpop (erf);
	v12 =	vmul.f32 v4, v12;
	v4 =	vmul.f32 v4, v11  }
0x288: {  	v49 =	vpack.i.f32.bf16 v9, v8;
	[tilespmem:s14+$0x0] =	vst v43;
	v7 =	vpop (erf);
	v46 =	vmul.f32 v3, v5;
	v53 =	vmul.f32 v5, v16  }
0x289: {  	[tilespmem:s14+$0x40] =	vst v49;
	v6 =	vpack.i.f32.bf16 v6, v24;
	v5 =	vmul.f32 v5, v13;
	v47 =	vmul.f32 v1, v7  }
0x28a: {  	v50 =	vpack.i.f32.bf16 v42, v41;
	[tilespmem:s14+$0x10] =	vst v6;
	v45 =	vpop (erf);
	v57 =	vmul.f32 v7, v15;
	v7 =	vmul.f32 v7, v14  }
0x28b: {  	[tilespmem:s13+$0x30] =	vst v50;
	v4 =	vpack.i.f32.bf16 v4, v12;
	v48 =	vmul.f32 v3, v45;
	v51 =	vpop (erf);
	v17 =	vadd.f32 v46, v44  }
0x28c: {  	v5 =	vpack.i.f32.bf16 v5, v53;
	[tilespmem:s13+$0xFFFFFFA0] =	vst v4;
	v58 =	vmul.f32 v45, v28;
	v59 =	vmul.f32 v45, v26;
	v55 =	vpop (erf)  }
0x28d: {  	v52 =	vmul.f32 v1, v51;
	[tilespmem:s13+$0xFFFFFFB0] =	vst v5;
	v5 =	vpack.i.f32.bf16 v7, v57;
	v56 =	vmul.f32 v3, v55  }
0x28e: {  	v60 =	vmul.f32 v51, v22;
	v9 =	vmul.f32 v51, v25;
	v54 =	vpack.i.f32.bf16 v0, v17;
	[tilespmem:s13+$0xFFFFFFD0] =	vst v5  }
0x28f: {  	v6 =	vpack.i.f32.bf16 v59, v58;
	[tilespmem:s13+$0xFFFFFFC0] =	vst v54;
	v4 =	vadd.f32 v56, v52  }
0x290: {  	v10 =	vadd.f32 v48, v47;
	[tilespmem:s13+$0xFFFFFFE0] =	vst v6;
	v63 =	vpack.i.f32.bf16 v9, v60  }
0x291: {  	v5 =	vmul.f32 v55, v18;
	v61 =	vmul.f32 v55, v21;
	[tilespmem:s13+$0x0] =	vst v63;
	v4 =	vpack.i.f32.bf16 v0, v4  }
0x292: {  	v62 =	vmul.f32 v20, v27;
	v10 =	vpack.i.f32.bf16 v0, v10;
	[tilespmem:s13+$0x20] =	vst v4;
	v4 =	vmul.f32 v20, v29  }
0x293: {  	[tilespmem:s13+$0xFFFFFFF0] =	vst v10;
	v5 =	vpack.i.f32.bf16 v61, v5  }
0x294: {  	[tilespmem:s13+$0x10] =	vst v5;
	v4 =	vpack.i.f32.bf16 v62, v4  }
0x295: {  	s10 =	simm.s32 $0x9B00;
	[tilespmem:s13+$0x40] =	vst v4  }
0x296: {  	[spmem:s2] =	stream.indirect.scatter.add.bf16 [tilespmem:s30], [sflag:$0x5], $0x30, s10, s22, $0xb8;
	[tilespmem:$0x1DD20] =	vst v63  }
0x297: {  	_ =	swait.ge [sflag:s21], $0x1E00  }
0x298: {  	[sflag:s21] =	ssyncset.done $0x0  }
0x299: {  	s16 =	stileid.u32;
	[sflag:s21] =	ssyncadd.s32 $0xFFFFE200  }
0x29a: {  	s10 =	sshll.u32 s16, $0x6;
	[bflag:$0x0] =	sbarrier.arrive $0xFFFF  }
0x29b: {  	s17 =	sshrl.u32 s4, $0x3;
	s10 =	sor.u32 $0x1C07, s10;
	s18 =	rddreg [dreg:$0x6]  }
0x29c: {  	[hbm:s18], [sflag:s10] =	dma.local [spmem:s17], $0x2EE  }
0x29d: {  	_ =	swait.ge [sflag:s20], $0x2EE  }
0x29e: {  	[sflag:s20] =	ssyncset.done $0x0  }
0x29f: {  	s15 =	sshrl.u32 s5, $0x3;
	s16 =	rddreg [dreg:$0x7];
	[sflag:s20] =	ssyncadd.s32 $0xFFFFFD12  }
0x2a0: {  	[hbm:s16], [sflag:s10] =	dma.local [spmem:s15], $0x2EE  }
0x2a1: {  	_ =	swait.ge [sflag:s20], $0x2EE  }
0x2a2: {  	[sflag:s20] =	ssyncset.done $0x0  }
0x2a3: {  	s17 =	sshrl.u32 s6, $0x3;
	s18 =	rddreg [dreg:$0x8];
	[sflag:s20] =	ssyncadd.s32 $0xFFFFFD12  }
0x2a4: {  	[hbm:s18], [sflag:s10] =	dma.local [spmem:s17], $0x2EE  }
0x2a5: {  	_ =	swait.ge [sflag:s20], $0x2EE  }
0x2a6: {  	[sflag:s20] =	ssyncset.done $0x0  }
0x2a7: {  	s14 =	sshrl.u32 s7, $0x3;
	s15 =	rddreg [dreg:$0x9];
	[sflag:s20] =	ssyncadd.s32 $0xFFFFFD12  }
0x2a8: {  	[hbm:s15], [sflag:s10] =	dma.local [spmem:s14], $0x2EE  }
0x2a9: {  	_ =	swait.ge [sflag:s20], $0x2EE  }
0x2aa: {  	[sflag:s20] =	ssyncset.done $0x0  }
0x2ab: {  	s16 =	sshrl.u32 s8, $0x3;
	s17 =	rddreg [dreg:$0xa];
	[sflag:s20] =	ssyncadd.s32 $0xFFFFFD12  }
0x2ac: {  	[hbm:s17], [sflag:s10] =	dma.local [spmem:s16], $0x2EE  }
0x2ad: {  	_ =	swait.ge [sflag:s20], $0x2EE  }
0x2ae: {  	s3 =	sadd.s32 $0x1, s3;
	s18 =	rddreg [dreg:$0xb]  }
0x2af: {  	p0 =	sne.s32 s3, s18  }
.Ltmp5:
0x2b0: {  	_ = 	snop;
	(pc) =	sbr.rel @p0 .LBB2_1-.Ltmp5, $3  }
0x2b1: {  	_ =	sdelay $0x1  }
0x2b2: {  	[sflag:s20] =	ssyncset.done $0x0  }
0x2b3: {  	[sflag:s20] =	ssyncadd.s32 $0xFFFFFD12  }
0x2b4: {  	_ =	sfence.sel $0x180000  }
0x2b5: {  	[bflag:$0x0] =	sbarrier.arrive $0xFFFF  }
0x2b6: {  	_ =	strace $0x90000047  }
0x2b7: {  	s0 =	stileid.u32;
	[bflag:$0x2] =	sbarrier.arrive $0xFFFF  }
0x2b8: {  	p0 =	sne.s32 s0, $0x0;
	s0 =	rddreg [dreg:$0x3]  }
0x2b9: {  	s0 =	sadd.s32 @!p0 $0x100000, s0  }
0x2ba: {  	[sflag:s0] =	ssyncadd.tile.s32 @!p0 $0x1;
	_ =	shalt  }
.Lfunc_end2:
_tile_overlayer_lowered:
.L_overlay_start_2:
0x2bb: {  	(tag) =	ssettag $0x2  }
0x2bc: {  	s0 =	rddreg [dreg:$0x0];
	s2 =	stileid.u32  }
0x2bd: {  	s1 =	rddreg [dreg:$0x1];
	p0 =	sne.s32 s2, $0x0  }
0x2be: {  	s3 =	rddreg [dreg:$0x2];
	[bflag:$0x3] =	sbarrier.arrive $0xFFFF;
	s2 =	simm.s32 @!p0 $0x1C07  }
0x2bf: {  	[timem:s3], [sflag:s2] =	dma.local @!p0 [hbm:s0], s1  }
0x2c0: {  	s0 =	simm.s32 @!p0 $0x7  }
0x2c1: {  	_ =	swait.ge @!p0 [sflag:s0], s1  }
0x2c2: {  	s1 =	ssub.s32 @!p0 $0x0, s1;
	[sflag:s0] =	ssyncset.done @!p0 $0x0  }
0x2c3: {  	[sflag:s0] =	ssyncadd.s32 @!p0 s1  }
0x2c4: {  	[bflag:$0x3] =	sbarrier.arrive $0xFFFF  }
0x2c5: {  	_ =	shalt  }

</sc_bundles>
